<compile_context>
chip_gen: v7x
topology: tpu7x:2x2x1
jax: 0.10.2.dev20260603
libtpu: 0.0.44.dev20260713+nightly
codegen_flags: <defaults>
</compile_context>

<pallas_src>
import functools

import jax
import jax.numpy as jnp
from jax import lax
from jax.experimental import pallas as pl
from jax.experimental.pallas import tpu as pltpu
from jax.experimental.pallas import tpu_sc as plsc

N_NODES = 10000
N_EDGES = 320000
D_FEAT = 128
H1 = 64
H2 = 32
N_CLASSES = 41

NC = 2
NS = 16
NW = NC * NS
CH = 128
NCHUNK = -(-N_EDGES // (NW * CH))
EPAD = NW * NCHUNK * CH
NPAD = 10240
RPS = NPAD // NS
ZB = 16

_mesh = plsc.VectorSubcoreMesh(core_axis_name="c", subcore_axis_name="s")



@functools.partial(
    pl.kernel,
    out_type=jax.ShapeDtypeStruct((NC, NPAD), jnp.float32),
    mesh=_mesh,
    scratch_types=[
        pltpu.VMEM((NCHUNK, CH), jnp.int32),
        pltpu.VMEM((CH,), jnp.float32),
        pltpu.VMEM((RPS,), jnp.float32),
        pltpu.VMEM_SHARED((NPAD,), jnp.float32),
    ],
    compiler_params=pltpu.CompilerParams(use_tc_tiling_on_sc=False),
)
def _deg_kernel(dst_hbm, out_hbm, dst_v, ones_v, zero_v, acc_sh):
    cid = lax.axis_index("c")
    sid = lax.axis_index("s")
    wid = sid * NC + cid
    for i in range(CH // 16):
        ones_v[pl.ds(i * 16, 16)] = jnp.ones((16,), jnp.float32)
    for i in range(RPS // 16):
        zero_v[pl.ds(i * 16, 16)] = jnp.zeros((16,), jnp.float32)
    pltpu.sync_copy(zero_v, acc_sh.at[pl.ds(sid * RPS, RPS)])
    plsc.subcore_barrier()
    pltpu.sync_copy(dst_hbm.at[wid], dst_v)

    def body(j, carry):
        pltpu.sync_copy(ones_v, acc_sh.at[dst_v.at[j]], add=True)
        return carry

    lax.fori_loop(0, NCHUNK, body, 0)
    plsc.subcore_barrier()
    pltpu.sync_copy(acc_sh.at[pl.ds(sid * RPS, RPS)],
                    out_hbm.at[cid, pl.ds(sid * RPS, RPS)])



def _make_agg(D):
    @functools.partial(
        pl.kernel,
        out_type=jax.ShapeDtypeStruct((NC, NPAD, D), jnp.float32),
        mesh=_mesh,
        scratch_types=[
            pltpu.VMEM((NCHUNK, CH), jnp.int32),
            pltpu.VMEM((NCHUNK, CH), jnp.int32),
            pltpu.VMEM((CH, D), jnp.float32),
            pltpu.VMEM((ZB, D), jnp.float32),
            pltpu.VMEM_SHARED((NPAD, D), jnp.float32),
            pltpu.SemaphoreType.DMA,
        ],
        compiler_params=pltpu.CompilerParams(use_tc_tiling_on_sc=False),
    )
    def agg(g_hbm, src_hbm, dst_hbm, out_hbm, src_v, dst_v, rows_v, zb_v,
            acc_sh, sem):
        cid = lax.axis_index("c")
        sid = lax.axis_index("s")
        wid = sid * NC + cid
        for i in range(ZB):
            for j in range(D // 16):
                zb_v[i, pl.ds(j * 16, 16)] = jnp.zeros((16,), jnp.float32)

        def zbody(t, carry):
            pltpu.sync_copy(zb_v, acc_sh.at[pl.ds(sid * RPS + t * ZB, ZB)])
            return carry

        lax.fori_loop(0, RPS // ZB, zbody, 0)
        plsc.subcore_barrier()
        pltpu.sync_copy(src_hbm.at[wid], src_v)
        pltpu.sync_copy(dst_hbm.at[wid], dst_v)

        def body(j, carry):
            pltpu.async_copy(g_hbm.at[src_v.at[j]], rows_v, sem).wait()
            pltpu.sync_copy(rows_v, acc_sh.at[dst_v.at[j]], add=True)
            return carry

        lax.fori_loop(0, NCHUNK, body, 0)
        plsc.subcore_barrier()
        pltpu.sync_copy(acc_sh.at[pl.ds(sid * RPS, RPS)],
                        out_hbm.at[cid, pl.ds(sid * RPS, RPS)])

    return agg


_agg64 = _make_agg(H1)
_agg32 = _make_agg(H2)



def _tc1_body(x_ref, w_ref, b_ref, degp_ref, g_ref, dinv_ref):
    deg = degp_ref[0] + degp_ref[1] + 1.0
    dinv = lax.rsqrt(deg)
    h = jnp.dot(x_ref[...], w_ref[...],
                preferred_element_type=jnp.float32) + b_ref[...]
    g_ref[...] = dinv * h
    dinv_ref[...] = dinv


def _tc2_body(aggp_ref, g1_ref, dinv_ref, w_ref, b_ref, g2_ref):
    dinv = dinv_ref[...]
    h1 = jnp.maximum(dinv * (aggp_ref[0] + aggp_ref[1] + g1_ref[...]), 0.0)
    g2_ref[...] = dinv * (
        jnp.dot(h1, w_ref[...], preferred_element_type=jnp.float32)
        + b_ref[...])


def _tc3_body(aggp_ref, g2_ref, dinv_ref, wf_ref, bf_ref, out_ref):
    dinv = dinv_ref[...]
    h2 = jnp.maximum(dinv * (aggp_ref[0] + aggp_ref[1] + g2_ref[...]), 0.0)
    row = lax.broadcasted_iota(jnp.int32, (NPAD, 1), 0)
    h2 = jnp.where(row < N_NODES, h2, 0.0)
    m = jnp.sum(h2, axis=0, keepdims=True) * (1.0 / N_NODES)
    out_ref[...] = jnp.dot(m, wf_ref[...],
                           preferred_element_type=jnp.float32) + bf_ref[...]



def kernel(x, edge_index, W1, b1, W2, b2, Wf, bf):
    src = edge_index[0].astype(jnp.int32)
    dst = edge_index[1].astype(jnp.int32)
    pad = EPAD - N_EDGES
    srcp = jnp.concatenate(
        [src, jnp.full((pad,), N_NODES, jnp.int32)]).reshape(NW, NCHUNK, CH)
    dstp = jnp.concatenate(
        [dst, jnp.full((pad,), N_NODES, jnp.int32)]).reshape(NW, NCHUNK, CH)
    xp = jnp.pad(x, ((0, NPAD - N_NODES), (0, 0)))

    degp = _deg_kernel(dstp)
    degp3 = degp.reshape(NC, NPAD, 1)

    g1, dinv = pl.pallas_call(
        _tc1_body,
        out_shape=[
            jax.ShapeDtypeStruct((NPAD, H1), jnp.float32),
            jax.ShapeDtypeStruct((NPAD, 1), jnp.float32),
        ],
    )(xp, W1, b1.reshape(1, H1), degp3)

    aggp1 = _agg64(g1, srcp, dstp)

    g2 = pl.pallas_call(
        _tc2_body,
        out_shape=jax.ShapeDtypeStruct((NPAD, H2), jnp.float32),
    )(aggp1, g1, dinv, W2, b2.reshape(1, H2))

    aggp2 = _agg32(g2, srcp, dstp)

    out = pl.pallas_call(
        _tc3_body,
        out_shape=jax.ShapeDtypeStruct((1, N_CLASSES), jnp.float32),
    )(aggp2, g2, dinv, Wf, bf.reshape(1, N_CLASSES))

    return out.reshape(N_CLASSES)

# --- scband reference (transcript-rebuilt; emitter-appended) ---
"""Pipeline reference for scband-disease-gnn-8005819040544 (READ-ONLY COPY).

The authoritative reference and input builder live on the scoring server;
editing this copy changes nothing except your own understanding.
"""

import jax, jax.numpy as jnp
import numpy as np

N_NODES = 10000
N_EDGES = 320000
D_FEAT = 128
H1 = 64
H2 = 32
N_CLASSES = 41


def gcn_conv(x, src, dst, W, b):
    # GCNConv: linear transform, add self-loops, symmetric normalization, aggregate
    N = x.shape[0]
    h = x @ W + b
    loop = jnp.arange(N, dtype=src.dtype)
    src2 = jnp.concatenate([src, loop])
    dst2 = jnp.concatenate([dst, loop])
    deg = jax.ops.segment_sum(jnp.ones(src2.shape[0], dtype=h.dtype), dst2, num_segments=N)
    dinv = jnp.where(deg > 0, 1.0 / jnp.sqrt(deg), 0.0)
    norm = dinv[src2] * dinv[dst2]
    msg = h[src2] * norm[:, None]
    return jax.ops.segment_sum(msg, dst2, num_segments=N)


def setup_inputs(seed: int = 0) -> dict:
    key = jax.random.key(seed)
    k_x, k_e, k_w1, k_b1, k_w2, k_b2, k_wf, k_bf = jax.random.split(key, 8)
    x = jax.random.normal(k_x, (N_NODES, D_FEAT), dtype=jnp.float32)
    edge_index = jax.random.randint(k_e, (2, N_EDGES), 0, N_NODES, dtype=jnp.int64)
    # GCNConv weights (glorot) and biases
    W1 = jax.random.normal(k_w1, (D_FEAT, H1), dtype=jnp.float32) * (1.0 / np.sqrt(D_FEAT))
    b1 = jnp.zeros((H1,), dtype=jnp.float32)
    W2 = jax.random.normal(k_w2, (H1, H2), dtype=jnp.float32) * (1.0 / np.sqrt(H1))
    b2 = jnp.zeros((H2,), dtype=jnp.float32)
    Wf = jax.random.normal(k_wf, (H2, N_CLASSES), dtype=jnp.float32) * (1.0 / np.sqrt(H2))
    bf = jnp.zeros((N_CLASSES,), dtype=jnp.float32)
    return {"x": x, "edge_index": edge_index, "W1": W1, "b1": b1, "W2": W2, "b2": b2, "Wf": Wf, "bf": bf}


def reference(x, edge_index, W1, b1, W2, b2, Wf, bf):
    src = edge_index[0]
    dst = edge_index[1]
    h = jax.nn.relu(gcn_conv(x, src, dst, W1, b1))
    h = jax.nn.relu(gcn_conv(h, src, dst, W2, b2))
    m = jnp.mean(h, axis=0)
    out = m @ Wf + bf
    return out

if __name__ == "__main__":
    import jax
    _d = setup_inputs()
    print(jax.jit(kernel)(*tuple(_d.values())))

</pallas_src>

<mosaic_0001>
#map = affine_map<(d0, d1) -> (0, 0, 0)>
#map1 = affine_map<(d0, d1) -> (0, 0)>
module attributes {stable_mosaic.version = 14 : i64} {
  func.func @_deg_kernel(%arg0: i32, %arg1: i32, %arg2: memref<32x79x128xi32, #tpu.memory_space<hbm>>, %arg3: memref<2x10240xf32, #tpu.memory_space<hbm>>, %arg4: memref<79x128xi32, #tpu.memory_space<vmem>>, %arg5: memref<128xf32, #tpu.memory_space<vmem>>, %arg6: memref<640xf32, #tpu.memory_space<vmem>>, %arg7: memref<10240xf32, #tpu.memory_space<vmem_shared>>) attributes {dimension_semantics = [#tpu.dimension_semantics<core_parallel>, #tpu.dimension_semantics<subcore_parallel>], iteration_bounds = array<i64: 2, 16>, scalar_prefetch = 0 : i64, scratch_operands = 4 : i64, tpu.core_type = #tpu.core_type<sc_vector_subcore>, window_params = [{transform_indices = #map}, {transform_indices = #map1}]} {
    %mul3A = arith.constant 2 : i32
    %mul3A_0 = arith.muli %arg1, %mul3A : i32
    %add3A = arith.addi %mul3A_0, %arg0 : i32
    %broadcast_in_dim3A = arith.constant 1.000000e+00 : f32
    %broadcast_in_dim3A_1 = vector.broadcast %broadcast_in_dim3A : f32 to vector<16xf32>
    %swap3A = arith.constant 0 : index
    %swap3A_2 = tpu.vector_load %arg5[%swap3A] {strides = array<i32>} : memref<128xf32, #tpu.memory_space<vmem>>, vector<16xf32>,
    %swap3A_3 = vector.shape_cast %swap3A_2 : vector<16xf32> to vector<16xf32>
    %swap3A_4 = vector.shape_cast %broadcast_in_dim3A_1 : vector<16xf32> to vector<16xf32>
    tpu.vector_store %arg5[%swap3A], %swap3A_4 {strides = array<i32>} : memref<128xf32, #tpu.memory_space<vmem>>, vector<16xf32>,
    %broadcast_in_dim3A_5 = arith.constant 1.000000e+00 : f32
    %broadcast_in_dim3A_6 = vector.broadcast %broadcast_in_dim3A_5 : f32 to vector<16xf32>
    %swap3A_7 = arith.constant 16 : index
    %swap3A_8 = tpu.vector_load %arg5[%swap3A_7] {strides = array<i32>} : memref<128xf32, #tpu.memory_space<vmem>>, vector<16xf32>,
    %swap3A_9 = vector.shape_cast %swap3A_8 : vector<16xf32> to vector<16xf32>
    %swap3A_10 = vector.shape_cast %broadcast_in_dim3A_6 : vector<16xf32> to vector<16xf32>
    tpu.vector_store %arg5[%swap3A_7], %swap3A_10 {strides = array<i32>} : memref<128xf32, #tpu.memory_space<vmem>>, vector<16xf32>,
    %broadcast_in_dim3A_11 = arith.constant 1.000000e+00 : f32
    %broadcast_in_dim3A_12 = vector.broadcast %broadcast_in_dim3A_11 : f32 to vector<16xf32>
    %swap3A_13 = arith.constant 32 : index
    %swap3A_14 = tpu.vector_load %arg5[%swap3A_13] {strides = array<i32>} : memref<128xf32, #tpu.memory_space<vmem>>, vector<16xf32>,
    %swap3A_15 = vector.shape_cast %swap3A_14 : vector<16xf32> to vector<16xf32>
    %swap3A_16 = vector.shape_cast %broadcast_in_dim3A_12 : vector<16xf32> to vector<16xf32>
    tpu.vector_store %arg5[%swap3A_13], %swap3A_16 {strides = array<i32>} : memref<128xf32, #tpu.memory_space<vmem>>, vector<16xf32>,
    %broadcast_in_dim3A_17 = arith.constant 1.000000e+00 : f32
    %broadcast_in_dim3A_18 = vector.broadcast %broadcast_in_dim3A_17 : f32 to vector<16xf32>
    %swap3A_19 = arith.constant 48 : index
    %swap3A_20 = tpu.vector_load %arg5[%swap3A_19] {strides = array<i32>} : memref<128xf32, #tpu.memory_space<vmem>>, vector<16xf32>,
    %swap3A_21 = vector.shape_cast %swap3A_20 : vector<16xf32> to vector<16xf32>
    %swap3A_22 = vector.shape_cast %broadcast_in_dim3A_18 : vector<16xf32> to vector<16xf32>
    tpu.vector_store %arg5[%swap3A_19], %swap3A_22 {strides = array<i32>} : memref<128xf32, #tpu.memory_space<vmem>>, vector<16xf32>,
    %broadcast_in_dim3A_23 = arith.constant 1.000000e+00 : f32
    %broadcast_in_dim3A_24 = vector.broadcast %broadcast_in_dim3A_23 : f32 to vector<16xf32>
    %swap3A_25 = arith.constant 64 : index
    %swap3A_26 = tpu.vector_load %arg5[%swap3A_25] {strides = array<i32>} : memref<128xf32, #tpu.memory_space<vmem>>, vector<16xf32>,
    %swap3A_27 = vector.shape_cast %swap3A_26 : vector<16xf32> to vector<16xf32>
    %swap3A_28 = vector.shape_cast %broadcast_in_dim3A_24 : vector<16xf32> to vector<16xf32>
    tpu.vector_store %arg5[%swap3A_25], %swap3A_28 {strides = array<i32>} : memref<128xf32, #tpu.memory_space<vmem>>, vector<16xf32>,
    %broadcast_in_dim3A_29 = arith.constant 1.000000e+00 : f32
    %broadcast_in_dim3A_30 = vector.broadcast %broadcast_in_dim3A_29 : f32 to vector<16xf32>
    %swap3A_31 = arith.constant 80 : index
    %swap3A_32 = tpu.vector_load %arg5[%swap3A_31] {strides = array<i32>} : memref<128xf32, #tpu.memory_space<vmem>>, vector<16xf32>,
    %swap3A_33 = vector.shape_cast %swap3A_32 : vector<16xf32> to vector<16xf32>
    %swap3A_34 = vector.shape_cast %broadcast_in_dim3A_30 : vector<16xf32> to vector<16xf32>
    tpu.vector_store %arg5[%swap3A_31], %swap3A_34 {strides = array<i32>} : memref<128xf32, #tpu.memory_space<vmem>>, vector<16xf32>,
    %broadcast_in_dim3A_35 = arith.constant 1.000000e+00 : f32
    %broadcast_in_dim3A_36 = vector.broadcast %broadcast_in_dim3A_35 : f32 to vector<16xf32>
    %swap3A_37 = arith.constant 96 : index
    %swap3A_38 = tpu.vector_load %arg5[%swap3A_37] {strides = array<i32>} : memref<128xf32, #tpu.memory_space<vmem>>, vector<16xf32>,
    %swap3A_39 = vector.shape_cast %swap3A_38 : vector<16xf32> to vector<16xf32>
    %swap3A_40 = vector.shape_cast %broadcast_in_dim3A_36 : vector<16xf32> to vector<16xf32>
    tpu.vector_store %arg5[%swap3A_37], %swap3A_40 {strides = array<i32>} : memref<128xf32, #tpu.memory_space<vmem>>, vector<16xf32>,
    %broadcast_in_dim3A_41 = arith.constant 1.000000e+00 : f32
    %broadcast_in_dim3A_42 = vector.broadcast %broadcast_in_dim3A_41 : f32 to vector<16xf32>
    %swap3A_43 = arith.constant 112 : index
    %swap3A_44 = tpu.vector_load %arg5[%swap3A_43] {strides = array<i32>} : memref<128xf32, #tpu.memory_space<vmem>>, vector<16xf32>,
    %swap3A_45 = vector.shape_cast %swap3A_44 : vector<16xf32> to vector<16xf32>
    %swap3A_46 = vector.shape_cast %broadcast_in_dim3A_42 : vector<16xf32> to vector<16xf32>
    tpu.vector_store %arg5[%swap3A_43], %swap3A_46 {strides = array<i32>} : memref<128xf32, #tpu.memory_space<vmem>>, vector<16xf32>,
    %broadcast_in_dim3A_47 = arith.constant 0.000000e+00 : f32
    %broadcast_in_dim3A_48 = vector.broadcast %broadcast_in_dim3A_47 : f32 to vector<16xf32>
    %swap3A_49 = arith.constant 0 : index
    %swap3A_50 = tpu.vector_load %arg6[%swap3A_49] {strides = array<i32>} : memref<640xf32, #tpu.memory_space<vmem>>, vector<16xf32>,
    %swap3A_51 = vector.shape_cast %swap3A_50 : vector<16xf32> to vector<16xf32>
    %swap3A_52 = vector.shape_cast %broadcast_in_dim3A_48 : vector<16xf32> to vector<16xf32>
    tpu.vector_store %arg6[%swap3A_49], %swap3A_52 {strides = array<i32>} : memref<640xf32, #tpu.memory_space<vmem>>, vector<16xf32>,
    %broadcast_in_dim3A_53 = arith.constant 0.000000e+00 : f32
    %broadcast_in_dim3A_54 = vector.broadcast %broadcast_in_dim3A_53 : f32 to vector<16xf32>
    %swap3A_55 = arith.constant 16 : index
    %swap3A_56 = tpu.vector_load %arg6[%swap3A_55] {strides = array<i32>} : memref<640xf32, #tpu.memory_space<vmem>>, vector<16xf32>,
    %swap3A_57 = vector.shape_cast %swap3A_56 : vector<16xf32> to vector<16xf32>
    %swap3A_58 = vector.shape_cast %broadcast_in_dim3A_54 : vector<16xf32> to vector<16xf32>
    tpu.vector_store %arg6[%swap3A_55], %swap3A_58 {strides = array<i32>} : memref<640xf32, #tpu.memory_space<vmem>>, vector<16xf32>,
    %broadcast_in_dim3A_59 = arith.constant 0.000000e+00 : f32
    %broadcast_in_dim3A_60 = vector.broadcast %broadcast_in_dim3A_59 : f32 to vector<16xf32>
    %swap3A_61 = arith.constant 32 : index
    %swap3A_62 = tpu.vector_load %arg6[%swap3A_61] {strides = array<i32>} : memref<640xf32, #tpu.memory_space<vmem>>, vector<16xf32>,
    %swap3A_63 = vector.shape_cast %swap3A_62 : vector<16xf32> to vector<16xf32>
    %swap3A_64 = vector.shape_cast %broadcast_in_dim3A_60 : vector<16xf32> to vector<16xf32>
    tpu.vector_store %arg6[%swap3A_61], %swap3A_64 {strides = array<i32>} : memref<640xf32, #tpu.memory_space<vmem>>, vector<16xf32>,
    %broadcast_in_dim3A_65 = arith.constant 0.000000e+00 : f32
    %broadcast_in_dim3A_66 = vector.broadcast %broadcast_in_dim3A_65 : f32 to vector<16xf32>
    %swap3A_67 = arith.constant 48 : index
    %swap3A_68 = tpu.vector_load %arg6[%swap3A_67] {strides = array<i32>} : memref<640xf32, #tpu.memory_space<vmem>>, vector<16xf32>,
    %swap3A_69 = vector.shape_cast %swap3A_68 : vector<16xf32> to vector<16xf32>
    %swap3A_70 = vector.shape_cast %broadcast_in_dim3A_66 : vector<16xf32> to vector<16xf32>
    tpu.vector_store %arg6[%swap3A_67], %swap3A_70 {strides = array<i32>} : memref<640xf32, #tpu.memory_space<vmem>>, vector<16xf32>,
    %broadcast_in_dim3A_71 = arith.constant 0.000000e+00 : f32
    %broadcast_in_dim3A_72 = vector.broadcast %broadcast_in_dim3A_71 : f32 to vector<16xf32>
    %swap3A_73 = arith.constant 64 : index
    %swap3A_74 = tpu.vector_load %arg6[%swap3A_73] {strides = array<i32>} : memref<640xf32, #tpu.memory_space<vmem>>, vector<16xf32>,
    %swap3A_75 = vector.shape_cast %swap3A_74 : vector<16xf32> to vector<16xf32>
    %swap3A_76 = vector.shape_cast %broadcast_in_dim3A_72 : vector<16xf32> to vector<16xf32>
    tpu.vector_store %arg6[%swap3A_73], %swap3A_76 {strides = array<i32>} : memref<640xf32, #tpu.memory_space<vmem>>, vector<16xf32>,
    %broadcast_in_dim3A_77 = arith.constant 0.000000e+00 : f32
    %broadcast_in_dim3A_78 = vector.broadcast %broadcast_in_dim3A_77 : f32 to vector<16xf32>
    %swap3A_79 = arith.constant 80 : index
    %swap3A_80 = tpu.vector_load %arg6[%swap3A_79] {strides = array<i32>} : memref<640xf32, #tpu.memory_space<vmem>>, vector<16xf32>,
    %swap3A_81 = vector.shape_cast %swap3A_80 : vector<16xf32> to vector<16xf32>
    %swap3A_82 = vector.shape_cast %broadcast_in_dim3A_78 : vector<16xf32> to vector<16xf32>
    tpu.vector_store %arg6[%swap3A_79], %swap3A_82 {strides = array<i32>} : memref<640xf32, #tpu.memory_space<vmem>>, vector<16xf32>,
    %broadcast_in_dim3A_83 = arith.constant 0.000000e+00 : f32
    %broadcast_in_dim3A_84 = vector.broadcast %broadcast_in_dim3A_83 : f32 to vector<16xf32>
    %swap3A_85 = arith.constant 96 : index
    %swap3A_86 = tpu.vector_load %arg6[%swap3A_85] {strides = array<i32>} : memref<640xf32, #tpu.memory_space<vmem>>, vector<16xf32>,
    %swap3A_87 = vector.shape_cast %swap3A_86 : vector<16xf32> to vector<16xf32>
    %swap3A_88 = vector.shape_cast %broadcast_in_dim3A_84 : vector<16xf32> to vector<16xf32>
    tpu.vector_store %arg6[%swap3A_85], %swap3A_88 {strides = array<i32>} : memref<640xf32, #tpu.memory_space<vmem>>, vector<16xf32>,
    %broadcast_in_dim3A_89 = arith.constant 0.000000e+00 : f32
    %broadcast_in_dim3A_90 = vector.broadcast %broadcast_in_dim3A_89 : f32 to vector<16xf32>
    %swap3A_91 = arith.constant 112 : index
    %swap3A_92 = tpu.vector_load %arg6[%swap3A_91] {strides = array<i32>} : memref<640xf32, #tpu.memory_space<vmem>>, vector<16xf32>,
    %swap3A_93 = vector.shape_cast %swap3A_92 : vector<16xf32> to vector<16xf32>
    %swap3A_94 = vector.shape_cast %broadcast_in_dim3A_90 : vector<16xf32> to vector<16xf32>
    tpu.vector_store %arg6[%swap3A_91], %swap3A_94 {strides = array<i32>} : memref<640xf32, #tpu.memory_space<vmem>>, vector<16xf32>,
    %broadcast_in_dim3A_95 = arith.constant 0.000000e+00 : f32
    %broadcast_in_dim3A_96 = vector.broadcast %broadcast_in_dim3A_95 : f32 to vector<16xf32>
    %swap3A_97 = arith.constant 128 : index
    %swap3A_98 = tpu.vector_load %arg6[%swap3A_97] {strides = array<i32>} : memref<640xf32, #tpu.memory_space<vmem>>, vector<16xf32>,
    %swap3A_99 = vector.shape_cast %swap3A_98 : vector<16xf32> to vector<16xf32>
    %swap3A_100 = vector.shape_cast %broadcast_in_dim3A_96 : vector<16xf32> to vector<16xf32>
    tpu.vector_store %arg6[%swap3A_97], %swap3A_100 {strides = array<i32>} : memref<640xf32, #tpu.memory_space<vmem>>, vector<16xf32>,
    %broadcast_in_dim3A_101 = arith.constant 0.000000e+00 : f32
    %broadcast_in_dim3A_102 = vector.broadcast %broadcast_in_dim3A_101 : f32 to vector<16xf32>
    %swap3A_103 = arith.constant 144 : index
    %swap3A_104 = tpu.vector_load %arg6[%swap3A_103] {strides = array<i32>} : memref<640xf32, #tpu.memory_space<vmem>>, vector<16xf32>,
    %swap3A_105 = vector.shape_cast %swap3A_104 : vector<16xf32> to vector<16xf32>
    %swap3A_106 = vector.shape_cast %broadcast_in_dim3A_102 : vector<16xf32> to vector<16xf32>
    tpu.vector_store %arg6[%swap3A_103], %swap3A_106 {strides = array<i32>} : memref<640xf32, #tpu.memory_space<vmem>>, vector<16xf32>,
    %broadcast_in_dim3A_107 = arith.constant 0.000000e+00 : f32
    %broadcast_in_dim3A_108 = vector.broadcast %broadcast_in_dim3A_107 : f32 to vector<16xf32>
    %swap3A_109 = arith.constant 160 : index
    %swap3A_110 = tpu.vector_load %arg6[%swap3A_109] {strides = array<i32>} : memref<640xf32, #tpu.memory_space<vmem>>, vector<16xf32>,
    %swap3A_111 = vector.shape_cast %swap3A_110 : vector<16xf32> to vector<16xf32>
    %swap3A_112 = vector.shape_cast %broadcast_in_dim3A_108 : vector<16xf32> to vector<16xf32>
    tpu.vector_store %arg6[%swap3A_109], %swap3A_112 {strides = array<i32>} : memref<640xf32, #tpu.memory_space<vmem>>, vector<16xf32>,
    %broadcast_in_dim3A_113 = arith.constant 0.000000e+00 : f32
    %broadcast_in_dim3A_114 = vector.broadcast %broadcast_in_dim3A_113 : f32 to vector<16xf32>
    %swap3A_115 = arith.constant 176 : index
    %swap3A_116 = tpu.vector_load %arg6[%swap3A_115] {strides = array<i32>} : memref<640xf32, #tpu.memory_space<vmem>>, vector<16xf32>,
    %swap3A_117 = vector.shape_cast %swap3A_116 : vector<16xf32> to vector<16xf32>
    %swap3A_118 = vector.shape_cast %broadcast_in_dim3A_114 : vector<16xf32> to vector<16xf32>
    tpu.vector_store %arg6[%swap3A_115], %swap3A_118 {strides = array<i32>} : memref<640xf32, #tpu.memory_space<vmem>>, vector<16xf32>,
    %broadcast_in_dim3A_119 = arith.constant 0.000000e+00 : f32
    %broadcast_in_dim3A_120 = vector.broadcast %broadcast_in_dim3A_119 : f32 to vector<16xf32>
    %swap3A_121 = arith.constant 192 : index
    %swap3A_122 = tpu.vector_load %arg6[%swap3A_121] {strides = array<i32>} : memref<640xf32, #tpu.memory_space<vmem>>, vector<16xf32>,
    %swap3A_123 = vector.shape_cast %swap3A_122 : vector<16xf32> to vector<16xf32>
    %swap3A_124 = vector.shape_cast %broadcast_in_dim3A_120 : vector<16xf32> to vector<16xf32>
    tpu.vector_store %arg6[%swap3A_121], %swap3A_124 {strides = array<i32>} : memref<640xf32, #tpu.memory_space<vmem>>, vector<16xf32>,
    %broadcast_in_dim3A_125 = arith.constant 0.000000e+00 : f32
    %broadcast_in_dim3A_126 = vector.broadcast %broadcast_in_dim3A_125 : f32 to vector<16xf32>
    %swap3A_127 = arith.constant 208 : index
    %swap3A_128 = tpu.vector_load %arg6[%swap3A_127] {strides = array<i32>} : memref<640xf32, #tpu.memory_space<vmem>>, vector<16xf32>,
    %swap3A_129 = vector.shape_cast %swap3A_128 : vector<16xf32> to vector<16xf32>
    %swap3A_130 = vector.shape_cast %broadcast_in_dim3A_126 : vector<16xf32> to vector<16xf32>
    tpu.vector_store %arg6[%swap3A_127], %swap3A_130 {strides = array<i32>} : memref<640xf32, #tpu.memory_space<vmem>>, vector<16xf32>,
    %broadcast_in_dim3A_131 = arith.constant 0.000000e+00 : f32
    %broadcast_in_dim3A_132 = vector.broadcast %broadcast_in_dim3A_131 : f32 to vector<16xf32>
    %swap3A_133 = arith.constant 224 : index
    %swap3A_134 = tpu.vector_load %arg6[%swap3A_133] {strides = array<i32>} : memref<640xf32, #tpu.memory_space<vmem>>, vector<16xf32>,
    %swap3A_135 = vector.shape_cast %swap3A_134 : vector<16xf32> to vector<16xf32>
    %swap3A_136 = vector.shape_cast %broadcast_in_dim3A_132 : vector<16xf32> to vector<16xf32>
    tpu.vector_store %arg6[%swap3A_133], %swap3A_136 {strides = array<i32>} : memref<640xf32, #tpu.memory_space<vmem>>, vector<16xf32>,
    %broadcast_in_dim3A_137 = arith.constant 0.000000e+00 : f32
    %broadcast_in_dim3A_138 = vector.broadcast %broadcast_in_dim3A_137 : f32 to vector<16xf32>
    %swap3A_139 = arith.constant 240 : index
    %swap3A_140 = tpu.vector_load %arg6[%swap3A_139] {strides = array<i32>} : memref<640xf32, #tpu.memory_space<vmem>>, vector<16xf32>,
    %swap3A_141 = vector.shape_cast %swap3A_140 : vector<16xf32> to vector<16xf32>
    %swap3A_142 = vector.shape_cast %broadcast_in_dim3A_138 : vector<16xf32> to vector<16xf32>
    tpu.vector_store %arg6[%swap3A_139], %swap3A_142 {strides = array<i32>} : memref<640xf32, #tpu.memory_space<vmem>>, vector<16xf32>,
    %broadcast_in_dim3A_143 = arith.constant 0.000000e+00 : f32
    %broadcast_in_dim3A_144 = vector.broadcast %broadcast_in_dim3A_143 : f32 to vector<16xf32>
    %swap3A_145 = arith.constant 256 : index
    %swap3A_146 = tpu.vector_load %arg6[%swap3A_145] {strides = array<i32>} : memref<640xf32, #tpu.memory_space<vmem>>, vector<16xf32>,
    %swap3A_147 = vector.shape_cast %swap3A_146 : vector<16xf32> to vector<16xf32>
    %swap3A_148 = vector.shape_cast %broadcast_in_dim3A_144 : vector<16xf32> to vector<16xf32>
    tpu.vector_store %arg6[%swap3A_145], %swap3A_148 {strides = array<i32>} : memref<640xf32, #tpu.memory_space<vmem>>, vector<16xf32>,
    %broadcast_in_dim3A_149 = arith.constant 0.000000e+00 : f32
    %broadcast_in_dim3A_150 = vector.broadcast %broadcast_in_dim3A_149 : f32 to vector<16xf32>
    %swap3A_151 = arith.constant 272 : index
    %swap3A_152 = tpu.vector_load %arg6[%swap3A_151] {strides = array<i32>} : memref<640xf32, #tpu.memory_space<vmem>>, vector<16xf32>,
    %swap3A_153 = vector.shape_cast %swap3A_152 : vector<16xf32> to vector<16xf32>
    %swap3A_154 = vector.shape_cast %broadcast_in_dim3A_150 : vector<16xf32> to vector<16xf32>
    tpu.vector_store %arg6[%swap3A_151], %swap3A_154 {strides = array<i32>} : memref<640xf32, #tpu.memory_space<vmem>>, vector<16xf32>,
    %broadcast_in_dim3A_155 = arith.constant 0.000000e+00 : f32
    %broadcast_in_dim3A_156 = vector.broadcast %broadcast_in_dim3A_155 : f32 to vector<16xf32>
    %swap3A_157 = arith.constant 288 : index
    %swap3A_158 = tpu.vector_load %arg6[%swap3A_157] {strides = array<i32>} : memref<640xf32, #tpu.memory_space<vmem>>, vector<16xf32>,
    %swap3A_159 = vector.shape_cast %swap3A_158 : vector<16xf32> to vector<16xf32>
    %swap3A_160 = vector.shape_cast %broadcast_in_dim3A_156 : vector<16xf32> to vector<16xf32>
    tpu.vector_store %arg6[%swap3A_157], %swap3A_160 {strides = array<i32>} : memref<640xf32, #tpu.memory_space<vmem>>, vector<16xf32>,
    %broadcast_in_dim3A_161 = arith.constant 0.000000e+00 : f32
    %broadcast_in_dim3A_162 = vector.broadcast %broadcast_in_dim3A_161 : f32 to vector<16xf32>
    %swap3A_163 = arith.constant 304 : index
    %swap3A_164 = tpu.vector_load %arg6[%swap3A_163] {strides = array<i32>} : memref<640xf32, #tpu.memory_space<vmem>>, vector<16xf32>,
    %swap3A_165 = vector.shape_cast %swap3A_164 : vector<16xf32> to vector<16xf32>
    %swap3A_166 = vector.shape_cast %broadcast_in_dim3A_162 : vector<16xf32> to vector<16xf32>
    tpu.vector_store %arg6[%swap3A_163], %swap3A_166 {strides = array<i32>} : memref<640xf32, #tpu.memory_space<vmem>>, vector<16xf32>,
    %broadcast_in_dim3A_167 = arith.constant 0.000000e+00 : f32
    %broadcast_in_dim3A_168 = vector.broadcast %broadcast_in_dim3A_167 : f32 to vector<16xf32>
    %swap3A_169 = arith.constant 320 : index
    %swap3A_170 = tpu.vector_load %arg6[%swap3A_169] {strides = array<i32>} : memref<640xf32, #tpu.memory_space<vmem>>, vector<16xf32>,
    %swap3A_171 = vector.shape_cast %swap3A_170 : vector<16xf32> to vector<16xf32>
    %swap3A_172 = vector.shape_cast %broadcast_in_dim3A_168 : vector<16xf32> to vector<16xf32>
    tpu.vector_store %arg6[%swap3A_169], %swap3A_172 {strides = array<i32>} : memref<640xf32, #tpu.memory_space<vmem>>, vector<16xf32>,
    %broadcast_in_dim3A_173 = arith.constant 0.000000e+00 : f32
    %broadcast_in_dim3A_174 = vector.broadcast %broadcast_in_dim3A_173 : f32 to vector<16xf32>
    %swap3A_175 = arith.constant 336 : index
    %swap3A_176 = tpu.vector_load %arg6[%swap3A_175] {strides = array<i32>} : memref<640xf32, #tpu.memory_space<vmem>>, vector<16xf32>,
    %swap3A_177 = vector.shape_cast %swap3A_176 : vector<16xf32> to vector<16xf32>
    %swap3A_178 = vector.shape_cast %broadcast_in_dim3A_174 : vector<16xf32> to vector<16xf32>
    tpu.vector_store %arg6[%swap3A_175], %swap3A_178 {strides = array<i32>} : memref<640xf32, #tpu.memory_space<vmem>>, vector<16xf32>,
    %broadcast_in_dim3A_179 = arith.constant 0.000000e+00 : f32
    %broadcast_in_dim3A_180 = vector.broadcast %broadcast_in_dim3A_179 : f32 to vector<16xf32>
    %swap3A_181 = arith.constant 352 : index
    %swap3A_182 = tpu.vector_load %arg6[%swap3A_181] {strides = array<i32>} : memref<640xf32, #tpu.memory_space<vmem>>, vector<16xf32>,
    %swap3A_183 = vector.shape_cast %swap3A_182 : vector<16xf32> to vector<16xf32>
    %swap3A_184 = vector.shape_cast %broadcast_in_dim3A_180 : vector<16xf32> to vector<16xf32>
    tpu.vector_store %arg6[%swap3A_181], %swap3A_184 {strides = array<i32>} : memref<640xf32, #tpu.memory_space<vmem>>, vector<16xf32>,
    %broadcast_in_dim3A_185 = arith.constant 0.000000e+00 : f32
    %broadcast_in_dim3A_186 = vector.broadcast %broadcast_in_dim3A_185 : f32 to vector<16xf32>
    %swap3A_187 = arith.constant 368 : index
    %swap3A_188 = tpu.vector_load %arg6[%swap3A_187] {strides = array<i32>} : memref<640xf32, #tpu.memory_space<vmem>>, vector<16xf32>,
    %swap3A_189 = vector.shape_cast %swap3A_188 : vector<16xf32> to vector<16xf32>
    %swap3A_190 = vector.shape_cast %broadcast_in_dim3A_186 : vector<16xf32> to vector<16xf32>
    tpu.vector_store %arg6[%swap3A_187], %swap3A_190 {strides = array<i32>} : memref<640xf32, #tpu.memory_space<vmem>>, vector<16xf32>,
    %broadcast_in_dim3A_191 = arith.constant 0.000000e+00 : f32
    %broadcast_in_dim3A_192 = vector.broadcast %broadcast_in_dim3A_191 : f32 to vector<16xf32>
    %swap3A_193 = arith.constant 384 : index
    %swap3A_194 = tpu.vector_load %arg6[%swap3A_193] {strides = array<i32>} : memref<640xf32, #tpu.memory_space<vmem>>, vector<16xf32>,
    %swap3A_195 = vector.shape_cast %swap3A_194 : vector<16xf32> to vector<16xf32>
    %swap3A_196 = vector.shape_cast %broadcast_in_dim3A_192 : vector<16xf32> to vector<16xf32>
    tpu.vector_store %arg6[%swap3A_193], %swap3A_196 {strides = array<i32>} : memref<640xf32, #tpu.memory_space<vmem>>, vector<16xf32>,
    %broadcast_in_dim3A_197 = arith.constant 0.000000e+00 : f32
    %broadcast_in_dim3A_198 = vector.broadcast %broadcast_in_dim3A_197 : f32 to vector<16xf32>
    %swap3A_199 = arith.constant 400 : index
    %swap3A_200 = tpu.vector_load %arg6[%swap3A_199] {strides = array<i32>} : memref<640xf32, #tpu.memory_space<vmem>>, vector<16xf32>,
    %swap3A_201 = vector.shape_cast %swap3A_200 : vector<16xf32> to vector<16xf32>
    %swap3A_202 = vector.shape_cast %broadcast_in_dim3A_198 : vector<16xf32> to vector<16xf32>
    tpu.vector_store %arg6[%swap3A_199], %swap3A_202 {strides = array<i32>} : memref<640xf32, #tpu.memory_space<vmem>>, vector<16xf32>,
    %broadcast_in_dim3A_203 = arith.constant 0.000000e+00 : f32
    %broadcast_in_dim3A_204 = vector.broadcast %broadcast_in_dim3A_203 : f32 to vector<16xf32>
    %swap3A_205 = arith.constant 416 : index
    %swap3A_206 = tpu.vector_load %arg6[%swap3A_205] {strides = array<i32>} : memref<640xf32, #tpu.memory_space<vmem>>, vector<16xf32>,
    %swap3A_207 = vector.shape_cast %swap3A_206 : vector<16xf32> to vector<16xf32>
    %swap3A_208 = vector.shape_cast %broadcast_in_dim3A_204 : vector<16xf32> to vector<16xf32>
    tpu.vector_store %arg6[%swap3A_205], %swap3A_208 {strides = array<i32>} : memref<640xf32, #tpu.memory_space<vmem>>, vector<16xf32>,
    %broadcast_in_dim3A_209 = arith.constant 0.000000e+00 : f32
    %broadcast_in_dim3A_210 = vector.broadcast %broadcast_in_dim3A_209 : f32 to vector<16xf32>
    %swap3A_211 = arith.constant 432 : index
    %swap3A_212 = tpu.vector_load %arg6[%swap3A_211] {strides = array<i32>} : memref<640xf32, #tpu.memory_space<vmem>>, vector<16xf32>,
    %swap3A_213 = vector.shape_cast %swap3A_212 : vector<16xf32> to vector<16xf32>
    %swap3A_214 = vector.shape_cast %broadcast_in_dim3A_210 : vector<16xf32> to vector<16xf32>
    tpu.vector_store %arg6[%swap3A_211], %swap3A_214 {strides = array<i32>} : memref<640xf32, #tpu.memory_space<vmem>>, vector<16xf32>,
    %broadcast_in_dim3A_215 = arith.constant 0.000000e+00 : f32
    %broadcast_in_dim3A_216 = vector.broadcast %broadcast_in_dim3A_215 : f32 to vector<16xf32>
    %swap3A_217 = arith.constant 448 : index
    %swap3A_218 = tpu.vector_load %arg6[%swap3A_217] {strides = array<i32>} : memref<640xf32, #tpu.memory_space<vmem>>, vector<16xf32>,
    %swap3A_219 = vector.shape_cast %swap3A_218 : vector<16xf32> to vector<16xf32>
    %swap3A_220 = vector.shape_cast %broadcast_in_dim3A_216 : vector<16xf32> to vector<16xf32>
    tpu.vector_store %arg6[%swap3A_217], %swap3A_220 {strides = array<i32>} : memref<640xf32, #tpu.memory_space<vmem>>, vector<16xf32>,
    %broadcast_in_dim3A_221 = arith.constant 0.000000e+00 : f32
    %broadcast_in_dim3A_222 = vector.broadcast %broadcast_in_dim3A_221 : f32 to vector<16xf32>
    %swap3A_223 = arith.constant 464 : index
    %swap3A_224 = tpu.vector_load %arg6[%swap3A_223] {strides = array<i32>} : memref<640xf32, #tpu.memory_space<vmem>>, vector<16xf32>,
    %swap3A_225 = vector.shape_cast %swap3A_224 : vector<16xf32> to vector<16xf32>
    %swap3A_226 = vector.shape_cast %broadcast_in_dim3A_222 : vector<16xf32> to vector<16xf32>
    tpu.vector_store %arg6[%swap3A_223], %swap3A_226 {strides = array<i32>} : memref<640xf32, #tpu.memory_space<vmem>>, vector<16xf32>,
    %broadcast_in_dim3A_227 = arith.constant 0.000000e+00 : f32
    %broadcast_in_dim3A_228 = vector.broadcast %broadcast_in_dim3A_227 : f32 to vector<16xf32>
    %swap3A_229 = arith.constant 480 : index
    %swap3A_230 = tpu.vector_load %arg6[%swap3A_229] {strides = array<i32>} : memref<640xf32, #tpu.memory_space<vmem>>, vector<16xf32>,
    %swap3A_231 = vector.shape_cast %swap3A_230 : vector<16xf32> to vector<16xf32>
    %swap3A_232 = vector.shape_cast %broadcast_in_dim3A_228 : vector<16xf32> to vector<16xf32>
    tpu.vector_store %arg6[%swap3A_229], %swap3A_232 {strides = array<i32>} : memref<640xf32, #tpu.memory_space<vmem>>, vector<16xf32>,
    %broadcast_in_dim3A_233 = arith.constant 0.000000e+00 : f32
    %broadcast_in_dim3A_234 = vector.broadcast %broadcast_in_dim3A_233 : f32 to vector<16xf32>
    %swap3A_235 = arith.constant 496 : index
    %swap3A_236 = tpu.vector_load %arg6[%swap3A_235] {strides = array<i32>} : memref<640xf32, #tpu.memory_space<vmem>>, vector<16xf32>,
    %swap3A_237 = vector.shape_cast %swap3A_236 : vector<16xf32> to vector<16xf32>
    %swap3A_238 = vector.shape_cast %broadcast_in_dim3A_234 : vector<16xf32> to vector<16xf32>
    tpu.vector_store %arg6[%swap3A_235], %swap3A_238 {strides = array<i32>} : memref<640xf32, #tpu.memory_space<vmem>>, vector<16xf32>,
    %broadcast_in_dim3A_239 = arith.constant 0.000000e+00 : f32
    %broadcast_in_dim3A_240 = vector.broadcast %broadcast_in_dim3A_239 : f32 to vector<16xf32>
    %swap3A_241 = arith.constant 512 : index
    %swap3A_242 = tpu.vector_load %arg6[%swap3A_241] {strides = array<i32>} : memref<640xf32, #tpu.memory_space<vmem>>, vector<16xf32>,
    %swap3A_243 = vector.shape_cast %swap3A_242 : vector<16xf32> to vector<16xf32>
    %swap3A_244 = vector.shape_cast %broadcast_in_dim3A_240 : vector<16xf32> to vector<16xf32>
    tpu.vector_store %arg6[%swap3A_241], %swap3A_244 {strides = array<i32>} : memref<640xf32, #tpu.memory_space<vmem>>, vector<16xf32>,
    %broadcast_in_dim3A_245 = arith.constant 0.000000e+00 : f32
    %broadcast_in_dim3A_246 = vector.broadcast %broadcast_in_dim3A_245 : f32 to vector<16xf32>
    %swap3A_247 = arith.constant 528 : index
    %swap3A_248 = tpu.vector_load %arg6[%swap3A_247] {strides = array<i32>} : memref<640xf32, #tpu.memory_space<vmem>>, vector<16xf32>,
    %swap3A_249 = vector.shape_cast %swap3A_248 : vector<16xf32> to vector<16xf32>
    %swap3A_250 = vector.shape_cast %broadcast_in_dim3A_246 : vector<16xf32> to vector<16xf32>
    tpu.vector_store %arg6[%swap3A_247], %swap3A_250 {strides = array<i32>} : memref<640xf32, #tpu.memory_space<vmem>>, vector<16xf32>,
    %broadcast_in_dim3A_251 = arith.constant 0.000000e+00 : f32
    %broadcast_in_dim3A_252 = vector.broadcast %broadcast_in_dim3A_251 : f32 to vector<16xf32>
    %swap3A_253 = arith.constant 544 : index
    %swap3A_254 = tpu.vector_load %arg6[%swap3A_253] {strides = array<i32>} : memref<640xf32, #tpu.memory_space<vmem>>, vector<16xf32>,
    %swap3A_255 = vector.shape_cast %swap3A_254 : vector<16xf32> to vector<16xf32>
    %swap3A_256 = vector.shape_cast %broadcast_in_dim3A_252 : vector<16xf32> to vector<16xf32>
    tpu.vector_store %arg6[%swap3A_253], %swap3A_256 {strides = array<i32>} : memref<640xf32, #tpu.memory_space<vmem>>, vector<16xf32>,
    %broadcast_in_dim3A_257 = arith.constant 0.000000e+00 : f32
    %broadcast_in_dim3A_258 = vector.broadcast %broadcast_in_dim3A_257 : f32 to vector<16xf32>
    %swap3A_259 = arith.constant 560 : index
    %swap3A_260 = tpu.vector_load %arg6[%swap3A_259] {strides = array<i32>} : memref<640xf32, #tpu.memory_space<vmem>>, vector<16xf32>,
    %swap3A_261 = vector.shape_cast %swap3A_260 : vector<16xf32> to vector<16xf32>
    %swap3A_262 = vector.shape_cast %broadcast_in_dim3A_258 : vector<16xf32> to vector<16xf32>
    tpu.vector_store %arg6[%swap3A_259], %swap3A_262 {strides = array<i32>} : memref<640xf32, #tpu.memory_space<vmem>>, vector<16xf32>,
    %broadcast_in_dim3A_263 = arith.constant 0.000000e+00 : f32
    %broadcast_in_dim3A_264 = vector.broadcast %broadcast_in_dim3A_263 : f32 to vector<16xf32>
    %swap3A_265 = arith.constant 576 : index
    %swap3A_266 = tpu.vector_load %arg6[%swap3A_265] {strides = array<i32>} : memref<640xf32, #tpu.memory_space<vmem>>, vector<16xf32>,
    %swap3A_267 = vector.shape_cast %swap3A_266 : vector<16xf32> to vector<16xf32>
    %swap3A_268 = vector.shape_cast %broadcast_in_dim3A_264 : vector<16xf32> to vector<16xf32>
    tpu.vector_store %arg6[%swap3A_265], %swap3A_268 {strides = array<i32>} : memref<640xf32, #tpu.memory_space<vmem>>, vector<16xf32>,
    %broadcast_in_dim3A_269 = arith.constant 0.000000e+00 : f32
    %broadcast_in_dim3A_270 = vector.broadcast %broadcast_in_dim3A_269 : f32 to vector<16xf32>
    %swap3A_271 = arith.constant 592 : index
    %swap3A_272 = tpu.vector_load %arg6[%swap3A_271] {strides = array<i32>} : memref<640xf32, #tpu.memory_space<vmem>>, vector<16xf32>,
    %swap3A_273 = vector.shape_cast %swap3A_272 : vector<16xf32> to vector<16xf32>
    %swap3A_274 = vector.shape_cast %broadcast_in_dim3A_270 : vector<16xf32> to vector<16xf32>
    tpu.vector_store %arg6[%swap3A_271], %swap3A_274 {strides = array<i32>} : memref<640xf32, #tpu.memory_space<vmem>>, vector<16xf32>,
    %broadcast_in_dim3A_275 = arith.constant 0.000000e+00 : f32
    %broadcast_in_dim3A_276 = vector.broadcast %broadcast_in_dim3A_275 : f32 to vector<16xf32>
    %swap3A_277 = arith.constant 608 : index
    %swap3A_278 = tpu.vector_load %arg6[%swap3A_277] {strides = array<i32>} : memref<640xf32, #tpu.memory_space<vmem>>, vector<16xf32>,
    %swap3A_279 = vector.shape_cast %swap3A_278 : vector<16xf32> to vector<16xf32>
    %swap3A_280 = vector.shape_cast %broadcast_in_dim3A_276 : vector<16xf32> to vector<16xf32>
    tpu.vector_store %arg6[%swap3A_277], %swap3A_280 {strides = array<i32>} : memref<640xf32, #tpu.memory_space<vmem>>, vector<16xf32>,
    %broadcast_in_dim3A_281 = arith.constant 0.000000e+00 : f32
    %broadcast_in_dim3A_282 = vector.broadcast %broadcast_in_dim3A_281 : f32 to vector<16xf32>
    %swap3A_283 = arith.constant 624 : index
    %swap3A_284 = tpu.vector_load %arg6[%swap3A_283] {strides = array<i32>} : memref<640xf32, #tpu.memory_space<vmem>>, vector<16xf32>,
    %swap3A_285 = vector.shape_cast %swap3A_284 : vector<16xf32> to vector<16xf32>
    %swap3A_286 = vector.shape_cast %broadcast_in_dim3A_282 : vector<16xf32> to vector<16xf32>
    tpu.vector_store %arg6[%swap3A_283], %swap3A_286 {strides = array<i32>} : memref<640xf32, #tpu.memory_space<vmem>>, vector<16xf32>,
    %mul3A_287 = arith.constant 640 : i32
    %mul3A_288 = arith.muli %arg1, %mul3A_287 : i32
    "tpu.region"() ({
      %run_scoped3A = tpu.sem_alloc : memref<!tpu.dma_semaphore, #tpu.memory_space<semaphore_mem>>
      %dma_start3A = tpu.memref_slice %arg7[%mul3A_288] : memref<10240xf32, #tpu.memory_space<vmem_shared>> -> memref<640xf32, #tpu.memory_space<vmem_shared>>
      %dma_start3A_299 = tpu.memref_slice %arg7[%mul3A_288] : memref<10240xf32, #tpu.memory_space<vmem_shared>> -> memref<640xf32, #tpu.memory_space<vmem_shared>>
      tpu.enqueue_dma source(%arg6 : memref<640xf32, #tpu.memory_space<vmem>>) target(%dma_start3A_299 : memref<640xf32, #tpu.memory_space<vmem_shared>>) target_semaphore(%run_scoped3A : memref<!tpu.dma_semaphore, #tpu.memory_space<semaphore_mem>>)
      %dma_wait3A = tpu.memref_slice %arg7[%mul3A_288] : memref<10240xf32, #tpu.memory_space<vmem_shared>> -> memref<640xf32, #tpu.memory_space<vmem_shared>>
      %dma_wait3A_300 = tpu.memref_slice %arg7[%mul3A_288] : memref<10240xf32, #tpu.memory_space<vmem_shared>> -> memref<640xf32, #tpu.memory_space<vmem_shared>>
      tpu.wait_dma2 semaphore(%run_scoped3A : memref<!tpu.dma_semaphore, #tpu.memory_space<semaphore_mem>>) src(%arg6 : memref<640xf32, #tpu.memory_space<vmem>>) dst(%dma_wait3A_300 : memref<640xf32, #tpu.memory_space<vmem_shared>>)
      tpu.yield
    }) : () -> ()
    %barrier3A = arith.constant 0 : index
    tpu.barrier barrier_id(%barrier3A)
    "tpu.region"() ({
      %run_scoped3A = tpu.sem_alloc : memref<!tpu.dma_semaphore, #tpu.memory_space<semaphore_mem>>
      %dma_start3A = arith.constant 0 : i32
      %dma_start3A_299 = arith.constant 0 : i32
      %dma_start3A_300 = tpu.memref_slice %arg2[%add3A, %dma_start3A, %dma_start3A_299] : memref<32x79x128xi32, #tpu.memory_space<hbm>> -> memref<1x79x128xi32, #tpu.memory_space<hbm>>
      %dma_start3A_301 = tpu.memref_squeeze %dma_start3A_300 : memref<1x79x128xi32, #tpu.memory_space<hbm>> -> memref<79x128xi32, #tpu.memory_space<hbm>>
      %dma_start3A_302 = arith.constant 0 : i32
      %dma_start3A_303 = arith.constant 0 : i32
      %dma_start3A_304 = tpu.memref_slice %arg2[%add3A, %dma_start3A_302, %dma_start3A_303] : memref<32x79x128xi32, #tpu.memory_space<hbm>> -> memref<1x79x128xi32, #tpu.memory_space<hbm>>
      %dma_start3A_305 = tpu.memref_squeeze %dma_start3A_304 : memref<1x79x128xi32, #tpu.memory_space<hbm>> -> memref<79x128xi32, #tpu.memory_space<hbm>>
      tpu.enqueue_dma source(%dma_start3A_305 : memref<79x128xi32, #tpu.memory_space<hbm>>) target(%arg4 : memref<79x128xi32, #tpu.memory_space<vmem>>) target_semaphore(%run_scoped3A : memref<!tpu.dma_semaphore, #tpu.memory_space<semaphore_mem>>)
      %dma_wait3A = arith.constant 0 : i32
      %dma_wait3A_306 = arith.constant 0 : i32
      %dma_wait3A_307 = tpu.memref_slice %arg2[%add3A, %dma_wait3A, %dma_wait3A_306] : memref<32x79x128xi32, #tpu.memory_space<hbm>> -> memref<1x79x128xi32, #tpu.memory_space<hbm>>
      %dma_wait3A_308 = tpu.memref_squeeze %dma_wait3A_307 : memref<1x79x128xi32, #tpu.memory_space<hbm>> -> memref<79x128xi32, #tpu.memory_space<hbm>>
      %dma_wait3A_309 = arith.constant 0 : i32
      %dma_wait3A_310 = arith.constant 0 : i32
      %dma_wait3A_311 = tpu.memref_slice %arg2[%add3A, %dma_wait3A_309, %dma_wait3A_310] : memref<32x79x128xi32, #tpu.memory_space<hbm>> -> memref<1x79x128xi32, #tpu.memory_space<hbm>>
      %dma_wait3A_312 = tpu.memref_squeeze %dma_wait3A_311 : memref<1x79x128xi32, #tpu.memory_space<hbm>> -> memref<79x128xi32, #tpu.memory_space<hbm>>
      tpu.wait_dma2 semaphore(%run_scoped3A : memref<!tpu.dma_semaphore, #tpu.memory_space<semaphore_mem>>) src(%dma_wait3A_312 : memref<79x128xi32, #tpu.memory_space<hbm>>) dst(%arg4 : memref<79x128xi32, #tpu.memory_space<vmem>>)
      tpu.yield
    }) : () -> ()
    %scan3A = arith.constant 0 : i32
    %scan3A_289 = arith.constant 0 : i32
    %scan3A_290 = arith.constant 79 : i32
    %scan3A_291 = arith.addi %scan3A_289, %scan3A_290 : i32
    %scan3A_292 = arith.constant 1 : i32
    scf.for %scan3A_299 = %scan3A_289 to %scan3A_291 step %scan3A_292  : i32 {
      "tpu.region"() ({
        %run_scoped3A = tpu.sem_alloc : memref<!tpu.dma_semaphore, #tpu.memory_space<semaphore_mem>>
        %dma_start3A = arith.constant 0 : i32
        %dma_start3A_300 = tpu.memref_slice %arg4[%scan3A_299, %dma_start3A] : memref<79x128xi32, #tpu.memory_space<vmem>> -> memref<1x128xi32, #tpu.memory_space<vmem>>
        %dma_start3A_301 = tpu.memref_squeeze %dma_start3A_300 : memref<1x128xi32, #tpu.memory_space<vmem>> -> memref<128xi32, #tpu.memory_space<vmem>>
        %dma_start3A_302 = arith.constant 0 : i32
        %dma_start3A_303 = tpu.memref_slice %arg7[%dma_start3A_302] : memref<10240xf32, #tpu.memory_space<vmem_shared>> -> memref<10240xf32, #tpu.memory_space<vmem_shared>>
        tpu.enqueue_indirect_dma source(%arg5 : memref<128xf32, #tpu.memory_space<vmem>>) target(%dma_start3A_303 : memref<10240xf32, #tpu.memory_space<vmem_shared>>) offsets(%dma_start3A_301 : memref<128xi32, #tpu.memory_space<vmem>>) semaphore(%run_scoped3A : memref<!tpu.dma_semaphore, #tpu.memory_space<semaphore_mem>>) {add = true}
        %dma_wait3A = arith.constant 0 : i32
        %dma_wait3A_304 = tpu.memref_slice %arg4[%scan3A_299, %dma_wait3A] : memref<79x128xi32, #tpu.memory_space<vmem>> -> memref<1x128xi32, #tpu.memory_space<vmem>>
        %dma_wait3A_305 = tpu.memref_squeeze %dma_wait3A_304 : memref<1x128xi32, #tpu.memory_space<vmem>> -> memref<128xi32, #tpu.memory_space<vmem>>
        %dma_wait3A_306 = arith.constant 0 : i32
        %dma_wait3A_307 = tpu.memref_slice %arg7[%dma_wait3A_306] : memref<10240xf32, #tpu.memory_space<vmem_shared>> -> memref<10240xf32, #tpu.memory_space<vmem_shared>>
        tpu.wait_indirect_dma semaphore(%run_scoped3A : memref<!tpu.dma_semaphore, #tpu.memory_space<semaphore_mem>>) src(%arg5 : memref<128xf32, #tpu.memory_space<vmem>>) dst(%dma_wait3A_307 : memref<10240xf32, #tpu.memory_space<vmem_shared>>)
        tpu.yield
      }) : () -> ()
    }
    %scan3A_293 = arith.constant 79 : i32
    %barrier3A_294 = arith.constant 0 : index
    tpu.barrier barrier_id(%barrier3A_294)
    %mul3A_295 = arith.constant 640 : i32
    %mul3A_296 = arith.muli %arg1, %mul3A_295 : i32
    %mul3A_297 = arith.constant 640 : i32
    %mul3A_298 = arith.muli %arg1, %mul3A_297 : i32
    "tpu.region"() ({
      %run_scoped3A = tpu.sem_alloc : memref<!tpu.dma_semaphore, #tpu.memory_space<semaphore_mem>>
      %dma_start3A = tpu.memref_slice %arg3[%arg0, %mul3A_298] : memref<2x10240xf32, #tpu.memory_space<hbm>> -> memref<1x640xf32, #tpu.memory_space<hbm>>
      %dma_start3A_299 = tpu.memref_squeeze %dma_start3A : memref<1x640xf32, #tpu.memory_space<hbm>> -> memref<640xf32, #tpu.memory_space<hbm>>
      %dma_start3A_300 = tpu.memref_slice %arg7[%mul3A_296] : memref<10240xf32, #tpu.memory_space<vmem_shared>> -> memref<640xf32, #tpu.memory_space<vmem_shared>>
      tpu.enqueue_dma source(%dma_start3A_300 : memref<640xf32, #tpu.memory_space<vmem_shared>>) target(%dma_start3A_299 : memref<640xf32, #tpu.memory_space<hbm>>) target_semaphore(%run_scoped3A : memref<!tpu.dma_semaphore, #tpu.memory_space<semaphore_mem>>)
      %dma_wait3A = tpu.memref_slice %arg3[%arg0, %mul3A_298] : memref<2x10240xf32, #tpu.memory_space<hbm>> -> memref<1x640xf32, #tpu.memory_space<hbm>>
      %dma_wait3A_301 = tpu.memref_squeeze %dma_wait3A : memref<1x640xf32, #tpu.memory_space<hbm>> -> memref<640xf32, #tpu.memory_space<hbm>>
      %dma_wait3A_302 = tpu.memref_slice %arg7[%mul3A_296] : memref<10240xf32, #tpu.memory_space<vmem_shared>> -> memref<640xf32, #tpu.memory_space<vmem_shared>>
      tpu.wait_dma2 semaphore(%run_scoped3A : memref<!tpu.dma_semaphore, #tpu.memory_space<semaphore_mem>>) src(%dma_wait3A_302 : memref<640xf32, #tpu.memory_space<vmem_shared>>) dst(%dma_wait3A_301 : memref<640xf32, #tpu.memory_space<hbm>>)
      tpu.yield
    }) : () -> ()
    return
  }
}

#map = affine_map<(d0, d1) -> (0, 0)>
#map1 = affine_map<(d0, d1) -> (0, 0, 0)>
module attributes {stable_mosaic.version = 14 : i64} {
  func.func @agg(%arg0: i32, %arg1: i32, %arg2: memref<10240x32xf32, #tpu.memory_space<hbm>>, %arg3: memref<32x79x128xi32, #tpu.memory_space<hbm>>, %arg4: memref<32x79x128xi32, #tpu.memory_space<hbm>>, %arg5: memref<2x10240x32xf32, #tpu.memory_space<hbm>>, %arg6: memref<79x128xi32, #tpu.memory_space<vmem>>, %arg7: memref<79x128xi32, #tpu.memory_space<vmem>>, %arg8: memref<128x32xf32, #tpu.memory_space<vmem>>, %arg9: memref<16x32xf32, #tpu.memory_space<vmem>>, %arg10: memref<10240x32xf32, #tpu.memory_space<vmem_shared>>, %arg11: memref<!tpu.dma_semaphore, #tpu.memory_space<semaphore_mem>>) attributes {dimension_semantics = [#tpu.dimension_semantics<core_parallel>, #tpu.dimension_semantics<subcore_parallel>], iteration_bounds = array<i64: 2, 16>, scalar_prefetch = 0 : i64, scratch_operands = 6 : i64, tpu.core_type = #tpu.core_type<sc_vector_subcore>, window_params = [{transform_indices = #map}, {transform_indices = #map1}, {transform_indices = #map1}, {transform_indices = #map1}]} {
    %mul3A = arith.constant 2 : i32
    %mul3A_0 = arith.muli %arg1, %mul3A : i32
    %add3A = arith.addi %mul3A_0, %arg0 : i32
    %broadcast_in_dim3A = arith.constant 0.000000e+00 : f32
    %broadcast_in_dim3A_1 = vector.broadcast %broadcast_in_dim3A : f32 to vector<16xf32>
    %swap3A = arith.constant 0 : i32
    %swap3A_2 = arith.index_cast %swap3A : i32 to index
    %swap3A_3 = arith.constant 0 : index
    %swap3A_4 = tpu.vector_load %arg9[%swap3A_2, %swap3A_3] {strides = array<i32>} : memref<16x32xf32, #tpu.memory_space<vmem>>, vector<1x16xf32>,
    %swap3A_5 = vector.shape_cast %swap3A_4 : vector<1x16xf32> to vector<16xf32>
    %swap3A_6 = vector.shape_cast %broadcast_in_dim3A_1 : vector<16xf32> to vector<1x16xf32>
    tpu.vector_store %arg9[%swap3A_2, %swap3A_3], %swap3A_6 {strides = array<i32>} : memref<16x32xf32, #tpu.memory_space<vmem>>, vector<1x16xf32>,
    %broadcast_in_dim3A_7 = arith.constant 0.000000e+00 : f32
    %broadcast_in_dim3A_8 = vector.broadcast %broadcast_in_dim3A_7 : f32 to vector<16xf32>
    %swap3A_9 = arith.constant 0 : i32
    %swap3A_10 = arith.index_cast %swap3A_9 : i32 to index
    %swap3A_11 = arith.constant 16 : index
    %swap3A_12 = tpu.vector_load %arg9[%swap3A_10, %swap3A_11] {strides = array<i32>} : memref<16x32xf32, #tpu.memory_space<vmem>>, vector<1x16xf32>,
    %swap3A_13 = vector.shape_cast %swap3A_12 : vector<1x16xf32> to vector<16xf32>
    %swap3A_14 = vector.shape_cast %broadcast_in_dim3A_8 : vector<16xf32> to vector<1x16xf32>
    tpu.vector_store %arg9[%swap3A_10, %swap3A_11], %swap3A_14 {strides = array<i32>} : memref<16x32xf32, #tpu.memory_space<vmem>>, vector<1x16xf32>,
    %broadcast_in_dim3A_15 = arith.constant 0.000000e+00 : f32
    %broadcast_in_dim3A_16 = vector.broadcast %broadcast_in_dim3A_15 : f32 to vector<16xf32>
    %swap3A_17 = arith.constant 1 : i32
    %swap3A_18 = arith.index_cast %swap3A_17 : i32 to index
    %swap3A_19 = arith.constant 0 : index
    %swap3A_20 = tpu.vector_load %arg9[%swap3A_18, %swap3A_19] {strides = array<i32>} : memref<16x32xf32, #tpu.memory_space<vmem>>, vector<1x16xf32>,
    %swap3A_21 = vector.shape_cast %swap3A_20 : vector<1x16xf32> to vector<16xf32>
    %swap3A_22 = vector.shape_cast %broadcast_in_dim3A_16 : vector<16xf32> to vector<1x16xf32>
    tpu.vector_store %arg9[%swap3A_18, %swap3A_19], %swap3A_22 {strides = array<i32>} : memref<16x32xf32, #tpu.memory_space<vmem>>, vector<1x16xf32>,
    %broadcast_in_dim3A_23 = arith.constant 0.000000e+00 : f32
    %broadcast_in_dim3A_24 = vector.broadcast %broadcast_in_dim3A_23 : f32 to vector<16xf32>
    %swap3A_25 = arith.constant 1 : i32
    %swap3A_26 = arith.index_cast %swap3A_25 : i32 to index
    %swap3A_27 = arith.constant 16 : index
    %swap3A_28 = tpu.vector_load %arg9[%swap3A_26, %swap3A_27] {strides = array<i32>} : memref<16x32xf32, #tpu.memory_space<vmem>>, vector<1x16xf32>,
    %swap3A_29 = vector.shape_cast %swap3A_28 : vector<1x16xf32> to vector<16xf32>
    %swap3A_30 = vector.shape_cast %broadcast_in_dim3A_24 : vector<16xf32> to vector<1x16xf32>
    tpu.vector_store %arg9[%swap3A_26, %swap3A_27], %swap3A_30 {strides = array<i32>} : memref<16x32xf32, #tpu.memory_space<vmem>>, vector<1x16xf32>,
    %broadcast_in_dim3A_31 = arith.constant 0.000000e+00 : f32
    %broadcast_in_dim3A_32 = vector.broadcast %broadcast_in_dim3A_31 : f32 to vector<16xf32>
    %swap3A_33 = arith.constant 2 : i32
    %swap3A_34 = arith.index_cast %swap3A_33 : i32 to index
    %swap3A_35 = arith.constant 0 : index
    %swap3A_36 = tpu.vector_load %arg9[%swap3A_34, %swap3A_35] {strides = array<i32>} : memref<16x32xf32, #tpu.memory_space<vmem>>, vector<1x16xf32>,
    %swap3A_37 = vector.shape_cast %swap3A_36 : vector<1x16xf32> to vector<16xf32>
    %swap3A_38 = vector.shape_cast %broadcast_in_dim3A_32 : vector<16xf32> to vector<1x16xf32>
    tpu.vector_store %arg9[%swap3A_34, %swap3A_35], %swap3A_38 {strides = array<i32>} : memref<16x32xf32, #tpu.memory_space<vmem>>, vector<1x16xf32>,
    %broadcast_in_dim3A_39 = arith.constant 0.000000e+00 : f32
    %broadcast_in_dim3A_40 = vector.broadcast %broadcast_in_dim3A_39 : f32 to vector<16xf32>
    %swap3A_41 = arith.constant 2 : i32
    %swap3A_42 = arith.index_cast %swap3A_41 : i32 to index
    %swap3A_43 = arith.constant 16 : index
    %swap3A_44 = tpu.vector_load %arg9[%swap3A_42, %swap3A_43] {strides = array<i32>} : memref<16x32xf32, #tpu.memory_space<vmem>>, vector<1x16xf32>,
    %swap3A_45 = vector.shape_cast %swap3A_44 : vector<1x16xf32> to vector<16xf32>
    %swap3A_46 = vector.shape_cast %broadcast_in_dim3A_40 : vector<16xf32> to vector<1x16xf32>
    tpu.vector_store %arg9[%swap3A_42, %swap3A_43], %swap3A_46 {strides = array<i32>} : memref<16x32xf32, #tpu.memory_space<vmem>>, vector<1x16xf32>,
    %broadcast_in_dim3A_47 = arith.constant 0.000000e+00 : f32
    %broadcast_in_dim3A_48 = vector.broadcast %broadcast_in_dim3A_47 : f32 to vector<16xf32>
    %swap3A_49 = arith.constant 3 : i32
    %swap3A_50 = arith.index_cast %swap3A_49 : i32 to index
    %swap3A_51 = arith.constant 0 : index
    %swap3A_52 = tpu.vector_load %arg9[%swap3A_50, %swap3A_51] {strides = array<i32>} : memref<16x32xf32, #tpu.memory_space<vmem>>, vector<1x16xf32>,
    %swap3A_53 = vector.shape_cast %swap3A_52 : vector<1x16xf32> to vector<16xf32>
    %swap3A_54 = vector.shape_cast %broadcast_in_dim3A_48 : vector<16xf32> to vector<1x16xf32>
    tpu.vector_store %arg9[%swap3A_50, %swap3A_51], %swap3A_54 {strides = array<i32>} : memref<16x32xf32, #tpu.memory_space<vmem>>, vector<1x16xf32>,
    %broadcast_in_dim3A_55 = arith.constant 0.000000e+00 : f32
    %broadcast_in_dim3A_56 = vector.broadcast %broadcast_in_dim3A_55 : f32 to vector<16xf32>
    %swap3A_57 = arith.constant 3 : i32
    %swap3A_58 = arith.index_cast %swap3A_57 : i32 to index
    %swap3A_59 = arith.constant 16 : index
    %swap3A_60 = tpu.vector_load %arg9[%swap3A_58, %swap3A_59] {strides = array<i32>} : memref<16x32xf32, #tpu.memory_space<vmem>>, vector<1x16xf32>,
    %swap3A_61 = vector.shape_cast %swap3A_60 : vector<1x16xf32> to vector<16xf32>
    %swap3A_62 = vector.shape_cast %broadcast_in_dim3A_56 : vector<16xf32> to vector<1x16xf32>
    tpu.vector_store %arg9[%swap3A_58, %swap3A_59], %swap3A_62 {strides = array<i32>} : memref<16x32xf32, #tpu.memory_space<vmem>>, vector<1x16xf32>,
    %broadcast_in_dim3A_63 = arith.constant 0.000000e+00 : f32
    %broadcast_in_dim3A_64 = vector.broadcast %broadcast_in_dim3A_63 : f32 to vector<16xf32>
    %swap3A_65 = arith.constant 4 : i32
    %swap3A_66 = arith.index_cast %swap3A_65 : i32 to index
    %swap3A_67 = arith.constant 0 : index
    %swap3A_68 = tpu.vector_load %arg9[%swap3A_66, %swap3A_67] {strides = array<i32>} : memref<16x32xf32, #tpu.memory_space<vmem>>, vector<1x16xf32>,
    %swap3A_69 = vector.shape_cast %swap3A_68 : vector<1x16xf32> to vector<16xf32>
    %swap3A_70 = vector.shape_cast %broadcast_in_dim3A_64 : vector<16xf32> to vector<1x16xf32>
    tpu.vector_store %arg9[%swap3A_66, %swap3A_67], %swap3A_70 {strides = array<i32>} : memref<16x32xf32, #tpu.memory_space<vmem>>, vector<1x16xf32>,
    %broadcast_in_dim3A_71 = arith.constant 0.000000e+00 : f32
    %broadcast_in_dim3A_72 = vector.broadcast %broadcast_in_dim3A_71 : f32 to vector<16xf32>
    %swap3A_73 = arith.constant 4 : i32
    %swap3A_74 = arith.index_cast %swap3A_73 : i32 to index
    %swap3A_75 = arith.constant 16 : index
    %swap3A_76 = tpu.vector_load %arg9[%swap3A_74, %swap3A_75] {strides = array<i32>} : memref<16x32xf32, #tpu.memory_space<vmem>>, vector<1x16xf32>,
    %swap3A_77 = vector.shape_cast %swap3A_76 : vector<1x16xf32> to vector<16xf32>
    %swap3A_78 = vector.shape_cast %broadcast_in_dim3A_72 : vector<16xf32> to vector<1x16xf32>
    tpu.vector_store %arg9[%swap3A_74, %swap3A_75], %swap3A_78 {strides = array<i32>} : memref<16x32xf32, #tpu.memory_space<vmem>>, vector<1x16xf32>,
    %broadcast_in_dim3A_79 = arith.constant 0.000000e+00 : f32
    %broadcast_in_dim3A_80 = vector.broadcast %broadcast_in_dim3A_79 : f32 to vector<16xf32>
    %swap3A_81 = arith.constant 5 : i32
    %swap3A_82 = arith.index_cast %swap3A_81 : i32 to index
    %swap3A_83 = arith.constant 0 : index
    %swap3A_84 = tpu.vector_load %arg9[%swap3A_82, %swap3A_83] {strides = array<i32>} : memref<16x32xf32, #tpu.memory_space<vmem>>, vector<1x16xf32>,
    %swap3A_85 = vector.shape_cast %swap3A_84 : vector<1x16xf32> to vector<16xf32>
    %swap3A_86 = vector.shape_cast %broadcast_in_dim3A_80 : vector<16xf32> to vector<1x16xf32>
    tpu.vector_store %arg9[%swap3A_82, %swap3A_83], %swap3A_86 {strides = array<i32>} : memref<16x32xf32, #tpu.memory_space<vmem>>, vector<1x16xf32>,
    %broadcast_in_dim3A_87 = arith.constant 0.000000e+00 : f32
    %broadcast_in_dim3A_88 = vector.broadcast %broadcast_in_dim3A_87 : f32 to vector<16xf32>
    %swap3A_89 = arith.constant 5 : i32
    %swap3A_90 = arith.index_cast %swap3A_89 : i32 to index
    %swap3A_91 = arith.constant 16 : index
    %swap3A_92 = tpu.vector_load %arg9[%swap3A_90, %swap3A_91] {strides = array<i32>} : memref<16x32xf32, #tpu.memory_space<vmem>>, vector<1x16xf32>,
    %swap3A_93 = vector.shape_cast %swap3A_92 : vector<1x16xf32> to vector<16xf32>
    %swap3A_94 = vector.shape_cast %broadcast_in_dim3A_88 : vector<16xf32> to vector<1x16xf32>
    tpu.vector_store %arg9[%swap3A_90, %swap3A_91], %swap3A_94 {strides = array<i32>} : memref<16x32xf32, #tpu.memory_space<vmem>>, vector<1x16xf32>,
    %broadcast_in_dim3A_95 = arith.constant 0.000000e+00 : f32
    %broadcast_in_dim3A_96 = vector.broadcast %broadcast_in_dim3A_95 : f32 to vector<16xf32>
    %swap3A_97 = arith.constant 6 : i32
    %swap3A_98 = arith.index_cast %swap3A_97 : i32 to index
    %swap3A_99 = arith.constant 0 : index
    %swap3A_100 = tpu.vector_load %arg9[%swap3A_98, %swap3A_99] {strides = array<i32>} : memref<16x32xf32, #tpu.memory_space<vmem>>, vector<1x16xf32>,
    %swap3A_101 = vector.shape_cast %swap3A_100 : vector<1x16xf32> to vector<16xf32>
    %swap3A_102 = vector.shape_cast %broadcast_in_dim3A_96 : vector<16xf32> to vector<1x16xf32>
    tpu.vector_store %arg9[%swap3A_98, %swap3A_99], %swap3A_102 {strides = array<i32>} : memref<16x32xf32, #tpu.memory_space<vmem>>, vector<1x16xf32>,
    %broadcast_in_dim3A_103 = arith.constant 0.000000e+00 : f32
    %broadcast_in_dim3A_104 = vector.broadcast %broadcast_in_dim3A_103 : f32 to vector<16xf32>
    %swap3A_105 = arith.constant 6 : i32
    %swap3A_106 = arith.index_cast %swap3A_105 : i32 to index
    %swap3A_107 = arith.constant 16 : index
    %swap3A_108 = tpu.vector_load %arg9[%swap3A_106, %swap3A_107] {strides = array<i32>} : memref<16x32xf32, #tpu.memory_space<vmem>>, vector<1x16xf32>,
    %swap3A_109 = vector.shape_cast %swap3A_108 : vector<1x16xf32> to vector<16xf32>
    %swap3A_110 = vector.shape_cast %broadcast_in_dim3A_104 : vector<16xf32> to vector<1x16xf32>
    tpu.vector_store %arg9[%swap3A_106, %swap3A_107], %swap3A_110 {strides = array<i32>} : memref<16x32xf32, #tpu.memory_space<vmem>>, vector<1x16xf32>,
    %broadcast_in_dim3A_111 = arith.constant 0.000000e+00 : f32
    %broadcast_in_dim3A_112 = vector.broadcast %broadcast_in_dim3A_111 : f32 to vector<16xf32>
    %swap3A_113 = arith.constant 7 : i32
    %swap3A_114 = arith.index_cast %swap3A_113 : i32 to index
    %swap3A_115 = arith.constant 0 : index
    %swap3A_116 = tpu.vector_load %arg9[%swap3A_114, %swap3A_115] {strides = array<i32>} : memref<16x32xf32, #tpu.memory_space<vmem>>, vector<1x16xf32>,
    %swap3A_117 = vector.shape_cast %swap3A_116 : vector<1x16xf32> to vector<16xf32>
    %swap3A_118 = vector.shape_cast %broadcast_in_dim3A_112 : vector<16xf32> to vector<1x16xf32>
    tpu.vector_store %arg9[%swap3A_114, %swap3A_115], %swap3A_118 {strides = array<i32>} : memref<16x32xf32, #tpu.memory_space<vmem>>, vector<1x16xf32>,
    %broadcast_in_dim3A_119 = arith.constant 0.000000e+00 : f32
    %broadcast_in_dim3A_120 = vector.broadcast %broadcast_in_dim3A_119 : f32 to vector<16xf32>
    %swap3A_121 = arith.constant 7 : i32
    %swap3A_122 = arith.index_cast %swap3A_121 : i32 to index
    %swap3A_123 = arith.constant 16 : index
    %swap3A_124 = tpu.vector_load %arg9[%swap3A_122, %swap3A_123] {strides = array<i32>} : memref<16x32xf32, #tpu.memory_space<vmem>>, vector<1x16xf32>,
    %swap3A_125 = vector.shape_cast %swap3A_124 : vector<1x16xf32> to vector<16xf32>
    %swap3A_126 = vector.shape_cast %broadcast_in_dim3A_120 : vector<16xf32> to vector<1x16xf32>
    tpu.vector_store %arg9[%swap3A_122, %swap3A_123], %swap3A_126 {strides = array<i32>} : memref<16x32xf32, #tpu.memory_space<vmem>>, vector<1x16xf32>,
    %broadcast_in_dim3A_127 = arith.constant 0.000000e+00 : f32
    %broadcast_in_dim3A_128 = vector.broadcast %broadcast_in_dim3A_127 : f32 to vector<16xf32>
    %swap3A_129 = arith.constant 8 : i32
    %swap3A_130 = arith.index_cast %swap3A_129 : i32 to index
    %swap3A_131 = arith.constant 0 : index
    %swap3A_132 = tpu.vector_load %arg9[%swap3A_130, %swap3A_131] {strides = array<i32>} : memref<16x32xf32, #tpu.memory_space<vmem>>, vector<1x16xf32>,
    %swap3A_133 = vector.shape_cast %swap3A_132 : vector<1x16xf32> to vector<16xf32>
    %swap3A_134 = vector.shape_cast %broadcast_in_dim3A_128 : vector<16xf32> to vector<1x16xf32>
    tpu.vector_store %arg9[%swap3A_130, %swap3A_131], %swap3A_134 {strides = array<i32>} : memref<16x32xf32, #tpu.memory_space<vmem>>, vector<1x16xf32>,
    %broadcast_in_dim3A_135 = arith.constant 0.000000e+00 : f32
    %broadcast_in_dim3A_136 = vector.broadcast %broadcast_in_dim3A_135 : f32 to vector<16xf32>
    %swap3A_137 = arith.constant 8 : i32
    %swap3A_138 = arith.index_cast %swap3A_137 : i32 to index
    %swap3A_139 = arith.constant 16 : index
    %swap3A_140 = tpu.vector_load %arg9[%swap3A_138, %swap3A_139] {strides = array<i32>} : memref<16x32xf32, #tpu.memory_space<vmem>>, vector<1x16xf32>,
    %swap3A_141 = vector.shape_cast %swap3A_140 : vector<1x16xf32> to vector<16xf32>
    %swap3A_142 = vector.shape_cast %broadcast_in_dim3A_136 : vector<16xf32> to vector<1x16xf32>
    tpu.vector_store %arg9[%swap3A_138, %swap3A_139], %swap3A_142 {strides = array<i32>} : memref<16x32xf32, #tpu.memory_space<vmem>>, vector<1x16xf32>,
    %broadcast_in_dim3A_143 = arith.constant 0.000000e+00 : f32
    %broadcast_in_dim3A_144 = vector.broadcast %broadcast_in_dim3A_143 : f32 to vector<16xf32>
    %swap3A_145 = arith.constant 9 : i32
    %swap3A_146 = arith.index_cast %swap3A_145 : i32 to index
    %swap3A_147 = arith.constant 0 : index
    %swap3A_148 = tpu.vector_load %arg9[%swap3A_146, %swap3A_147] {strides = array<i32>} : memref<16x32xf32, #tpu.memory_space<vmem>>, vector<1x16xf32>,
    %swap3A_149 = vector.shape_cast %swap3A_148 : vector<1x16xf32> to vector<16xf32>
    %swap3A_150 = vector.shape_cast %broadcast_in_dim3A_144 : vector<16xf32> to vector<1x16xf32>
    tpu.vector_store %arg9[%swap3A_146, %swap3A_147], %swap3A_150 {strides = array<i32>} : memref<16x32xf32, #tpu.memory_space<vmem>>, vector<1x16xf32>,
    %broadcast_in_dim3A_151 = arith.constant 0.000000e+00 : f32
    %broadcast_in_dim3A_152 = vector.broadcast %broadcast_in_dim3A_151 : f32 to vector<16xf32>
    %swap3A_153 = arith.constant 9 : i32
    %swap3A_154 = arith.index_cast %swap3A_153 : i32 to index
    %swap3A_155 = arith.constant 16 : index
    %swap3A_156 = tpu.vector_load %arg9[%swap3A_154, %swap3A_155] {strides = array<i32>} : memref<16x32xf32, #tpu.memory_space<vmem>>, vector<1x16xf32>,
    %swap3A_157 = vector.shape_cast %swap3A_156 : vector<1x16xf32> to vector<16xf32>
    %swap3A_158 = vector.shape_cast %broadcast_in_dim3A_152 : vector<16xf32> to vector<1x16xf32>
    tpu.vector_store %arg9[%swap3A_154, %swap3A_155], %swap3A_158 {strides = array<i32>} : memref<16x32xf32, #tpu.memory_space<vmem>>, vector<1x16xf32>,
    %broadcast_in_dim3A_159 = arith.constant 0.000000e+00 : f32
    %broadcast_in_dim3A_160 = vector.broadcast %broadcast_in_dim3A_159 : f32 to vector<16xf32>
    %swap3A_161 = arith.constant 10 : i32
    %swap3A_162 = arith.index_cast %swap3A_161 : i32 to index
    %swap3A_163 = arith.constant 0 : index
    %swap3A_164 = tpu.vector_load %arg9[%swap3A_162, %swap3A_163] {strides = array<i32>} : memref<16x32xf32, #tpu.memory_space<vmem>>, vector<1x16xf32>,
    %swap3A_165 = vector.shape_cast %swap3A_164 : vector<1x16xf32> to vector<16xf32>
    %swap3A_166 = vector.shape_cast %broadcast_in_dim3A_160 : vector<16xf32> to vector<1x16xf32>
    tpu.vector_store %arg9[%swap3A_162, %swap3A_163], %swap3A_166 {strides = array<i32>} : memref<16x32xf32, #tpu.memory_space<vmem>>, vector<1x16xf32>,
    %broadcast_in_dim3A_167 = arith.constant 0.000000e+00 : f32
    %broadcast_in_dim3A_168 = vector.broadcast %broadcast_in_dim3A_167 : f32 to vector<16xf32>
    %swap3A_169 = arith.constant 10 : i32
    %swap3A_170 = arith.index_cast %swap3A_169 : i32 to index
    %swap3A_171 = arith.constant 16 : index
    %swap3A_172 = tpu.vector_load %arg9[%swap3A_170, %swap3A_171] {strides = array<i32>} : memref<16x32xf32, #tpu.memory_space<vmem>>, vector<1x16xf32>,
    %swap3A_173 = vector.shape_cast %swap3A_172 : vector<1x16xf32> to vector<16xf32>
    %swap3A_174 = vector.shape_cast %broadcast_in_dim3A_168 : vector<16xf32> to vector<1x16xf32>
    tpu.vector_store %arg9[%swap3A_170, %swap3A_171], %swap3A_174 {strides = array<i32>} : memref<16x32xf32, #tpu.memory_space<vmem>>, vector<1x16xf32>,
    %broadcast_in_dim3A_175 = arith.constant 0.000000e+00 : f32
    %broadcast_in_dim3A_176 = vector.broadcast %broadcast_in_dim3A_175 : f32 to vector<16xf32>
    %swap3A_177 = arith.constant 11 : i32
    %swap3A_178 = arith.index_cast %swap3A_177 : i32 to index
    %swap3A_179 = arith.constant 0 : index
    %swap3A_180 = tpu.vector_load %arg9[%swap3A_178, %swap3A_179] {strides = array<i32>} : memref<16x32xf32, #tpu.memory_space<vmem>>, vector<1x16xf32>,
    %swap3A_181 = vector.shape_cast %swap3A_180 : vector<1x16xf32> to vector<16xf32>
    %swap3A_182 = vector.shape_cast %broadcast_in_dim3A_176 : vector<16xf32> to vector<1x16xf32>
    tpu.vector_store %arg9[%swap3A_178, %swap3A_179], %swap3A_182 {strides = array<i32>} : memref<16x32xf32, #tpu.memory_space<vmem>>, vector<1x16xf32>,
    %broadcast_in_dim3A_183 = arith.constant 0.000000e+00 : f32
    %broadcast_in_dim3A_184 = vector.broadcast %broadcast_in_dim3A_183 : f32 to vector<16xf32>
    %swap3A_185 = arith.constant 11 : i32
    %swap3A_186 = arith.index_cast %swap3A_185 : i32 to index
    %swap3A_187 = arith.constant 16 : index
    %swap3A_188 = tpu.vector_load %arg9[%swap3A_186, %swap3A_187] {strides = array<i32>} : memref<16x32xf32, #tpu.memory_space<vmem>>, vector<1x16xf32>,
    %swap3A_189 = vector.shape_cast %swap3A_188 : vector<1x16xf32> to vector<16xf32>
    %swap3A_190 = vector.shape_cast %broadcast_in_dim3A_184 : vector<16xf32> to vector<1x16xf32>
    tpu.vector_store %arg9[%swap3A_186, %swap3A_187], %swap3A_190 {strides = array<i32>} : memref<16x32xf32, #tpu.memory_space<vmem>>, vector<1x16xf32>,
    %broadcast_in_dim3A_191 = arith.constant 0.000000e+00 : f32
    %broadcast_in_dim3A_192 = vector.broadcast %broadcast_in_dim3A_191 : f32 to vector<16xf32>
    %swap3A_193 = arith.constant 12 : i32
    %swap3A_194 = arith.index_cast %swap3A_193 : i32 to index
    %swap3A_195 = arith.constant 0 : index
    %swap3A_196 = tpu.vector_load %arg9[%swap3A_194, %swap3A_195] {strides = array<i32>} : memref<16x32xf32, #tpu.memory_space<vmem>>, vector<1x16xf32>,
    %swap3A_197 = vector.shape_cast %swap3A_196 : vector<1x16xf32> to vector<16xf32>
    %swap3A_198 = vector.shape_cast %broadcast_in_dim3A_192 : vector<16xf32> to vector<1x16xf32>
    tpu.vector_store %arg9[%swap3A_194, %swap3A_195], %swap3A_198 {strides = array<i32>} : memref<16x32xf32, #tpu.memory_space<vmem>>, vector<1x16xf32>,
    %broadcast_in_dim3A_199 = arith.constant 0.000000e+00 : f32
    %broadcast_in_dim3A_200 = vector.broadcast %broadcast_in_dim3A_199 : f32 to vector<16xf32>
    %swap3A_201 = arith.constant 12 : i32
    %swap3A_202 = arith.index_cast %swap3A_201 : i32 to index
    %swap3A_203 = arith.constant 16 : index
    %swap3A_204 = tpu.vector_load %arg9[%swap3A_202, %swap3A_203] {strides = array<i32>} : memref<16x32xf32, #tpu.memory_space<vmem>>, vector<1x16xf32>,
    %swap3A_205 = vector.shape_cast %swap3A_204 : vector<1x16xf32> to vector<16xf32>
    %swap3A_206 = vector.shape_cast %broadcast_in_dim3A_200 : vector<16xf32> to vector<1x16xf32>
    tpu.vector_store %arg9[%swap3A_202, %swap3A_203], %swap3A_206 {strides = array<i32>} : memref<16x32xf32, #tpu.memory_space<vmem>>, vector<1x16xf32>,
    %broadcast_in_dim3A_207 = arith.constant 0.000000e+00 : f32
    %broadcast_in_dim3A_208 = vector.broadcast %broadcast_in_dim3A_207 : f32 to vector<16xf32>
    %swap3A_209 = arith.constant 13 : i32
    %swap3A_210 = arith.index_cast %swap3A_209 : i32 to index
    %swap3A_211 = arith.constant 0 : index
    %swap3A_212 = tpu.vector_load %arg9[%swap3A_210, %swap3A_211] {strides = array<i32>} : memref<16x32xf32, #tpu.memory_space<vmem>>, vector<1x16xf32>,
    %swap3A_213 = vector.shape_cast %swap3A_212 : vector<1x16xf32> to vector<16xf32>
    %swap3A_214 = vector.shape_cast %broadcast_in_dim3A_208 : vector<16xf32> to vector<1x16xf32>
    tpu.vector_store %arg9[%swap3A_210, %swap3A_211], %swap3A_214 {strides = array<i32>} : memref<16x32xf32, #tpu.memory_space<vmem>>, vector<1x16xf32>,
    %broadcast_in_dim3A_215 = arith.constant 0.000000e+00 : f32
    %broadcast_in_dim3A_216 = vector.broadcast %broadcast_in_dim3A_215 : f32 to vector<16xf32>
    %swap3A_217 = arith.constant 13 : i32
    %swap3A_218 = arith.index_cast %swap3A_217 : i32 to index
    %swap3A_219 = arith.constant 16 : index
    %swap3A_220 = tpu.vector_load %arg9[%swap3A_218, %swap3A_219] {strides = array<i32>} : memref<16x32xf32, #tpu.memory_space<vmem>>, vector<1x16xf32>,
    %swap3A_221 = vector.shape_cast %swap3A_220 : vector<1x16xf32> to vector<16xf32>
    %swap3A_222 = vector.shape_cast %broadcast_in_dim3A_216 : vector<16xf32> to vector<1x16xf32>
    tpu.vector_store %arg9[%swap3A_218, %swap3A_219], %swap3A_222 {strides = array<i32>} : memref<16x32xf32, #tpu.memory_space<vmem>>, vector<1x16xf32>,
    %broadcast_in_dim3A_223 = arith.constant 0.000000e+00 : f32
    %broadcast_in_dim3A_224 = vector.broadcast %broadcast_in_dim3A_223 : f32 to vector<16xf32>
    %swap3A_225 = arith.constant 14 : i32
    %swap3A_226 = arith.index_cast %swap3A_225 : i32 to index
    %swap3A_227 = arith.constant 0 : index
    %swap3A_228 = tpu.vector_load %arg9[%swap3A_226, %swap3A_227] {strides = array<i32>} : memref<16x32xf32, #tpu.memory_space<vmem>>, vector<1x16xf32>,
    %swap3A_229 = vector.shape_cast %swap3A_228 : vector<1x16xf32> to vector<16xf32>
    %swap3A_230 = vector.shape_cast %broadcast_in_dim3A_224 : vector<16xf32> to vector<1x16xf32>
    tpu.vector_store %arg9[%swap3A_226, %swap3A_227], %swap3A_230 {strides = array<i32>} : memref<16x32xf32, #tpu.memory_space<vmem>>, vector<1x16xf32>,
    %broadcast_in_dim3A_231 = arith.constant 0.000000e+00 : f32
    %broadcast_in_dim3A_232 = vector.broadcast %broadcast_in_dim3A_231 : f32 to vector<16xf32>
    %swap3A_233 = arith.constant 14 : i32
    %swap3A_234 = arith.index_cast %swap3A_233 : i32 to index
    %swap3A_235 = arith.constant 16 : index
    %swap3A_236 = tpu.vector_load %arg9[%swap3A_234, %swap3A_235] {strides = array<i32>} : memref<16x32xf32, #tpu.memory_space<vmem>>, vector<1x16xf32>,
    %swap3A_237 = vector.shape_cast %swap3A_236 : vector<1x16xf32> to vector<16xf32>
    %swap3A_238 = vector.shape_cast %broadcast_in_dim3A_232 : vector<16xf32> to vector<1x16xf32>
    tpu.vector_store %arg9[%swap3A_234, %swap3A_235], %swap3A_238 {strides = array<i32>} : memref<16x32xf32, #tpu.memory_space<vmem>>, vector<1x16xf32>,
    %broadcast_in_dim3A_239 = arith.constant 0.000000e+00 : f32
    %broadcast_in_dim3A_240 = vector.broadcast %broadcast_in_dim3A_239 : f32 to vector<16xf32>
    %swap3A_241 = arith.constant 15 : i32
    %swap3A_242 = arith.index_cast %swap3A_241 : i32 to index
    %swap3A_243 = arith.constant 0 : index
    %swap3A_244 = tpu.vector_load %arg9[%swap3A_242, %swap3A_243] {strides = array<i32>} : memref<16x32xf32, #tpu.memory_space<vmem>>, vector<1x16xf32>,
    %swap3A_245 = vector.shape_cast %swap3A_244 : vector<1x16xf32> to vector<16xf32>
    %swap3A_246 = vector.shape_cast %broadcast_in_dim3A_240 : vector<16xf32> to vector<1x16xf32>
    tpu.vector_store %arg9[%swap3A_242, %swap3A_243], %swap3A_246 {strides = array<i32>} : memref<16x32xf32, #tpu.memory_space<vmem>>, vector<1x16xf32>,
    %broadcast_in_dim3A_247 = arith.constant 0.000000e+00 : f32
    %broadcast_in_dim3A_248 = vector.broadcast %broadcast_in_dim3A_247 : f32 to vector<16xf32>
    %swap3A_249 = arith.constant 15 : i32
    %swap3A_250 = arith.index_cast %swap3A_249 : i32 to index
    %swap3A_251 = arith.constant 16 : index
    %swap3A_252 = tpu.vector_load %arg9[%swap3A_250, %swap3A_251] {strides = array<i32>} : memref<16x32xf32, #tpu.memory_space<vmem>>, vector<1x16xf32>,
    %swap3A_253 = vector.shape_cast %swap3A_252 : vector<1x16xf32> to vector<16xf32>
    %swap3A_254 = vector.shape_cast %broadcast_in_dim3A_248 : vector<16xf32> to vector<1x16xf32>
    tpu.vector_store %arg9[%swap3A_250, %swap3A_251], %swap3A_254 {strides = array<i32>} : memref<16x32xf32, #tpu.memory_space<vmem>>, vector<1x16xf32>,
    %scan3A = arith.constant 0 : i32
    %scan3A_255 = arith.constant 0 : i32
    %scan3A_256 = arith.constant 40 : i32
    %scan3A_257 = arith.addi %scan3A_255, %scan3A_256 : i32
    %scan3A_258 = arith.constant 1 : i32
    scf.for %scan3A_271 = %scan3A_255 to %scan3A_257 step %scan3A_258  : i32 {
      %mul3A_272 = arith.constant 640 : i32
      %mul3A_273 = arith.muli %arg1, %mul3A_272 : i32
      %mul3A_274 = arith.constant 16 : i32
      %mul3A_275 = arith.muli %scan3A_271, %mul3A_274 : i32
      %add3A_276 = arith.addi %mul3A_273, %mul3A_275 : i32
      "tpu.region"() ({
        %run_scoped3A = tpu.sem_alloc : memref<!tpu.dma_semaphore, #tpu.memory_space<semaphore_mem>>
        %dma_start3A = arith.constant 0 : i32
        %dma_start3A_277 = tpu.memref_slice %arg10[%add3A_276, %dma_start3A] : memref<10240x32xf32, #tpu.memory_space<vmem_shared>> -> memref<16x32xf32, #tpu.memory_space<vmem_shared>>
        %dma_start3A_278 = arith.constant 0 : i32
        %dma_start3A_279 = tpu.memref_slice %arg10[%add3A_276, %dma_start3A_278] : memref<10240x32xf32, #tpu.memory_space<vmem_shared>> -> memref<16x32xf32, #tpu.memory_space<vmem_shared>>
        tpu.enqueue_dma source(%arg9 : memref<16x32xf32, #tpu.memory_space<vmem>>) target(%dma_start3A_279 : memref<16x32xf32, #tpu.memory_space<vmem_shared>>) target_semaphore(%run_scoped3A : memref<!tpu.dma_semaphore, #tpu.memory_space<semaphore_mem>>)
        %dma_wait3A = arith.constant 0 : i32
        %dma_wait3A_280 = tpu.memref_slice %arg10[%add3A_276, %dma_wait3A] : memref<10240x32xf32, #tpu.memory_space<vmem_shared>> -> memref<16x32xf32, #tpu.memory_space<vmem_shared>>
        %dma_wait3A_281 = arith.constant 0 : i32
        %dma_wait3A_282 = tpu.memref_slice %arg10[%add3A_276, %dma_wait3A_281] : memref<10240x32xf32, #tpu.memory_space<vmem_shared>> -> memref<16x32xf32, #tpu.memory_space<vmem_shared>>
        tpu.wait_dma2 semaphore(%run_scoped3A : memref<!tpu.dma_semaphore, #tpu.memory_space<semaphore_mem>>) src(%arg9 : memref<16x32xf32, #tpu.memory_space<vmem>>) dst(%dma_wait3A_282 : memref<16x32xf32, #tpu.memory_space<vmem_shared>>)
        tpu.yield
      }) : () -> ()
    }
    %scan3A_259 = arith.constant 40 : i32
    %barrier3A = arith.constant 0 : index
    tpu.barrier barrier_id(%barrier3A)
    "tpu.region"() ({
      %run_scoped3A = tpu.sem_alloc : memref<!tpu.dma_semaphore, #tpu.memory_space<semaphore_mem>>
      %dma_start3A = arith.constant 0 : i32
      %dma_start3A_271 = arith.constant 0 : i32
      %dma_start3A_272 = tpu.memref_slice %arg3[%add3A, %dma_start3A, %dma_start3A_271] : memref<32x79x128xi32, #tpu.memory_space<hbm>> -> memref<1x79x128xi32, #tpu.memory_space<hbm>>
      %dma_start3A_273 = tpu.memref_squeeze %dma_start3A_272 : memref<1x79x128xi32, #tpu.memory_space<hbm>> -> memref<79x128xi32, #tpu.memory_space<hbm>>
      %dma_start3A_274 = arith.constant 0 : i32
      %dma_start3A_275 = arith.constant 0 : i32
      %dma_start3A_276 = tpu.memref_slice %arg3[%add3A, %dma_start3A_274, %dma_start3A_275] : memref<32x79x128xi32, #tpu.memory_space<hbm>> -> memref<1x79x128xi32, #tpu.memory_space<hbm>>
      %dma_start3A_277 = tpu.memref_squeeze %dma_start3A_276 : memref<1x79x128xi32, #tpu.memory_space<hbm>> -> memref<79x128xi32, #tpu.memory_space<hbm>>
      tpu.enqueue_dma source(%dma_start3A_277 : memref<79x128xi32, #tpu.memory_space<hbm>>) target(%arg6 : memref<79x128xi32, #tpu.memory_space<vmem>>) target_semaphore(%run_scoped3A : memref<!tpu.dma_semaphore, #tpu.memory_space<semaphore_mem>>)
      %dma_wait3A = arith.constant 0 : i32
      %dma_wait3A_278 = arith.constant 0 : i32
      %dma_wait3A_279 = tpu.memref_slice %arg3[%add3A, %dma_wait3A, %dma_wait3A_278] : memref<32x79x128xi32, #tpu.memory_space<hbm>> -> memref<1x79x128xi32, #tpu.memory_space<hbm>>
      %dma_wait3A_280 = tpu.memref_squeeze %dma_wait3A_279 : memref<1x79x128xi32, #tpu.memory_space<hbm>> -> memref<79x128xi32, #tpu.memory_space<hbm>>
      %dma_wait3A_281 = arith.constant 0 : i32
      %dma_wait3A_282 = arith.constant 0 : i32
      %dma_wait3A_283 = tpu.memref_slice %arg3[%add3A, %dma_wait3A_281, %dma_wait3A_282] : memref<32x79x128xi32, #tpu.memory_space<hbm>> -> memref<1x79x128xi32, #tpu.memory_space<hbm>>
      %dma_wait3A_284 = tpu.memref_squeeze %dma_wait3A_283 : memref<1x79x128xi32, #tpu.memory_space<hbm>> -> memref<79x128xi32, #tpu.memory_space<hbm>>
      tpu.wait_dma2 semaphore(%run_scoped3A : memref<!tpu.dma_semaphore, #tpu.memory_space<semaphore_mem>>) src(%dma_wait3A_284 : memref<79x128xi32, #tpu.memory_space<hbm>>) dst(%arg6 : memref<79x128xi32, #tpu.memory_space<vmem>>)
      tpu.yield
    }) : () -> ()
    "tpu.region"() ({
      %run_scoped3A = tpu.sem_alloc : memref<!tpu.dma_semaphore, #tpu.memory_space<semaphore_mem>>
      %dma_start3A = arith.constant 0 : i32
      %dma_start3A_271 = arith.constant 0 : i32
      %dma_start3A_272 = tpu.memref_slice %arg4[%add3A, %dma_start3A, %dma_start3A_271] : memref<32x79x128xi32, #tpu.memory_space<hbm>> -> memref<1x79x128xi32, #tpu.memory_space<hbm>>
      %dma_start3A_273 = tpu.memref_squeeze %dma_start3A_272 : memref<1x79x128xi32, #tpu.memory_space<hbm>> -> memref<79x128xi32, #tpu.memory_space<hbm>>
      %dma_start3A_274 = arith.constant 0 : i32
      %dma_start3A_275 = arith.constant 0 : i32
      %dma_start3A_276 = tpu.memref_slice %arg4[%add3A, %dma_start3A_274, %dma_start3A_275] : memref<32x79x128xi32, #tpu.memory_space<hbm>> -> memref<1x79x128xi32, #tpu.memory_space<hbm>>
      %dma_start3A_277 = tpu.memref_squeeze %dma_start3A_276 : memref<1x79x128xi32, #tpu.memory_space<hbm>> -> memref<79x128xi32, #tpu.memory_space<hbm>>
      tpu.enqueue_dma source(%dma_start3A_277 : memref<79x128xi32, #tpu.memory_space<hbm>>) target(%arg7 : memref<79x128xi32, #tpu.memory_space<vmem>>) target_semaphore(%run_scoped3A : memref<!tpu.dma_semaphore, #tpu.memory_space<semaphore_mem>>)
      %dma_wait3A = arith.constant 0 : i32
      %dma_wait3A_278 = arith.constant 0 : i32
      %dma_wait3A_279 = tpu.memref_slice %arg4[%add3A, %dma_wait3A, %dma_wait3A_278] : memref<32x79x128xi32, #tpu.memory_space<hbm>> -> memref<1x79x128xi32, #tpu.memory_space<hbm>>
      %dma_wait3A_280 = tpu.memref_squeeze %dma_wait3A_279 : memref<1x79x128xi32, #tpu.memory_space<hbm>> -> memref<79x128xi32, #tpu.memory_space<hbm>>
      %dma_wait3A_281 = arith.constant 0 : i32
      %dma_wait3A_282 = arith.constant 0 : i32
      %dma_wait3A_283 = tpu.memref_slice %arg4[%add3A, %dma_wait3A_281, %dma_wait3A_282] : memref<32x79x128xi32, #tpu.memory_space<hbm>> -> memref<1x79x128xi32, #tpu.memory_space<hbm>>
      %dma_wait3A_284 = tpu.memref_squeeze %dma_wait3A_283 : memref<1x79x128xi32, #tpu.memory_space<hbm>> -> memref<79x128xi32, #tpu.memory_space<hbm>>
      tpu.wait_dma2 semaphore(%run_scoped3A : memref<!tpu.dma_semaphore, #tpu.memory_space<semaphore_mem>>) src(%dma_wait3A_284 : memref<79x128xi32, #tpu.memory_space<hbm>>) dst(%arg7 : memref<79x128xi32, #tpu.memory_space<vmem>>)
      tpu.yield
    }) : () -> ()
    %scan3A_260 = arith.constant 0 : i32
    %scan3A_261 = arith.constant 0 : i32
    %scan3A_262 = arith.constant 79 : i32
    %scan3A_263 = arith.addi %scan3A_261, %scan3A_262 : i32
    %scan3A_264 = arith.constant 1 : i32
    scf.for %scan3A_271 = %scan3A_261 to %scan3A_263 step %scan3A_264  : i32 {
      %dma_start3A = arith.constant 0 : i32
      %dma_start3A_272 = tpu.memref_slice %arg6[%scan3A_271, %dma_start3A] : memref<79x128xi32, #tpu.memory_space<vmem>> -> memref<1x128xi32, #tpu.memory_space<vmem>>
      %dma_start3A_273 = tpu.memref_squeeze %dma_start3A_272 : memref<1x128xi32, #tpu.memory_space<vmem>> -> memref<128xi32, #tpu.memory_space<vmem>>
      %dma_start3A_274 = arith.constant 0 : i32
      %dma_start3A_275 = arith.constant 0 : i32
      %dma_start3A_276 = tpu.memref_slice %arg2[%dma_start3A_274, %dma_start3A_275] : memref<10240x32xf32, #tpu.memory_space<hbm>> -> memref<10240x32xf32, #tpu.memory_space<hbm>>
      tpu.enqueue_indirect_dma source(%dma_start3A_276 : memref<10240x32xf32, #tpu.memory_space<hbm>>) target(%arg8 : memref<128x32xf32, #tpu.memory_space<vmem>>) offsets(%dma_start3A_273 : memref<128xi32, #tpu.memory_space<vmem>>) semaphore(%arg11 : memref<!tpu.dma_semaphore, #tpu.memory_space<semaphore_mem>>)
      %dma_wait3A = arith.constant 0 : i32
      %dma_wait3A_277 = tpu.memref_slice %arg6[%scan3A_271, %dma_wait3A] : memref<79x128xi32, #tpu.memory_space<vmem>> -> memref<1x128xi32, #tpu.memory_space<vmem>>
      %dma_wait3A_278 = tpu.memref_squeeze %dma_wait3A_277 : memref<1x128xi32, #tpu.memory_space<vmem>> -> memref<128xi32, #tpu.memory_space<vmem>>
      %dma_wait3A_279 = arith.constant 0 : i32
      %dma_wait3A_280 = arith.constant 0 : i32
      %dma_wait3A_281 = tpu.memref_slice %arg2[%dma_wait3A_279, %dma_wait3A_280] : memref<10240x32xf32, #tpu.memory_space<hbm>> -> memref<10240x32xf32, #tpu.memory_space<hbm>>
      tpu.wait_indirect_dma semaphore(%arg11 : memref<!tpu.dma_semaphore, #tpu.memory_space<semaphore_mem>>) src(%dma_wait3A_281 : memref<10240x32xf32, #tpu.memory_space<hbm>>) dst(%arg8 : memref<128x32xf32, #tpu.memory_space<vmem>>)
      "tpu.region"() ({
        %run_scoped3A = tpu.sem_alloc : memref<!tpu.dma_semaphore, #tpu.memory_space<semaphore_mem>>
        %dma_start3A_282 = arith.constant 0 : i32
        %dma_start3A_283 = tpu.memref_slice %arg7[%scan3A_271, %dma_start3A_282] : memref<79x128xi32, #tpu.memory_space<vmem>> -> memref<1x128xi32, #tpu.memory_space<vmem>>
        %dma_start3A_284 = tpu.memref_squeeze %dma_start3A_283 : memref<1x128xi32, #tpu.memory_space<vmem>> -> memref<128xi32, #tpu.memory_space<vmem>>
        %dma_start3A_285 = arith.constant 0 : i32
        %dma_start3A_286 = arith.constant 0 : i32
        %dma_start3A_287 = tpu.memref_slice %arg10[%dma_start3A_285, %dma_start3A_286] : memref<10240x32xf32, #tpu.memory_space<vmem_shared>> -> memref<10240x32xf32, #tpu.memory_space<vmem_shared>>
        tpu.enqueue_indirect_dma source(%arg8 : memref<128x32xf32, #tpu.memory_space<vmem>>) target(%dma_start3A_287 : memref<10240x32xf32, #tpu.memory_space<vmem_shared>>) offsets(%dma_start3A_284 : memref<128xi32, #tpu.memory_space<vmem>>) semaphore(%run_scoped3A : memref<!tpu.dma_semaphore, #tpu.memory_space<semaphore_mem>>) {add = true}
        %dma_wait3A_288 = arith.constant 0 : i32
        %dma_wait3A_289 = tpu.memref_slice %arg7[%scan3A_271, %dma_wait3A_288] : memref<79x128xi32, #tpu.memory_space<vmem>> -> memref<1x128xi32, #tpu.memory_space<vmem>>
        %dma_wait3A_290 = tpu.memref_squeeze %dma_wait3A_289 : memref<1x128xi32, #tpu.memory_space<vmem>> -> memref<128xi32, #tpu.memory_space<vmem>>
        %dma_wait3A_291 = arith.constant 0 : i32
        %dma_wait3A_292 = arith.constant 0 : i32
        %dma_wait3A_293 = tpu.memref_slice %arg10[%dma_wait3A_291, %dma_wait3A_292] : memref<10240x32xf32, #tpu.memory_space<vmem_shared>> -> memref<10240x32xf32, #tpu.memory_space<vmem_shared>>
        tpu.wait_indirect_dma semaphore(%run_scoped3A : memref<!tpu.dma_semaphore, #tpu.memory_space<semaphore_mem>>) src(%arg8 : memref<128x32xf32, #tpu.memory_space<vmem>>) dst(%dma_wait3A_293 : memref<10240x32xf32, #tpu.memory_space<vmem_shared>>)
        tpu.yield
      }) : () -> ()
    }
    %scan3A_265 = arith.constant 79 : i32
    %barrier3A_266 = arith.constant 0 : index
    tpu.barrier barrier_id(%barrier3A_266)
    %mul3A_267 = arith.constant 640 : i32
    %mul3A_268 = arith.muli %arg1, %mul3A_267 : i32
    %mul3A_269 = arith.constant 640 : i32
    %mul3A_270 = arith.muli %arg1, %mul3A_269 : i32
    "tpu.region"() ({
      %run_scoped3A = tpu.sem_alloc : memref<!tpu.dma_semaphore, #tpu.memory_space<semaphore_mem>>
      %dma_start3A = arith.constant 0 : i32
      %dma_start3A_271 = tpu.memref_slice %arg5[%arg0, %mul3A_270, %dma_start3A] : memref<2x10240x32xf32, #tpu.memory_space<hbm>> -> memref<1x640x32xf32, #tpu.memory_space<hbm>>
      %dma_start3A_272 = tpu.memref_squeeze %dma_start3A_271 : memref<1x640x32xf32, #tpu.memory_space<hbm>> -> memref<640x32xf32, #tpu.memory_space<hbm>>
      %dma_start3A_273 = arith.constant 0 : i32
      %dma_start3A_274 = tpu.memref_slice %arg10[%mul3A_268, %dma_start3A_273] : memref<10240x32xf32, #tpu.memory_space<vmem_shared>> -> memref<640x32xf32, #tpu.memory_space<vmem_shared>>
      tpu.enqueue_dma source(%dma_start3A_274 : memref<640x32xf32, #tpu.memory_space<vmem_shared>>) target(%dma_start3A_272 : memref<640x32xf32, #tpu.memory_space<hbm>>) target_semaphore(%run_scoped3A : memref<!tpu.dma_semaphore, #tpu.memory_space<semaphore_mem>>)
      %dma_wait3A = arith.constant 0 : i32
      %dma_wait3A_275 = tpu.memref_slice %arg5[%arg0, %mul3A_270, %dma_wait3A] : memref<2x10240x32xf32, #tpu.memory_space<hbm>> -> memref<1x640x32xf32, #tpu.memory_space<hbm>>
      %dma_wait3A_276 = tpu.memref_squeeze %dma_wait3A_275 : memref<1x640x32xf32, #tpu.memory_space<hbm>> -> memref<640x32xf32, #tpu.memory_space<hbm>>
      %dma_wait3A_277 = arith.constant 0 : i32
      %dma_wait3A_278 = tpu.memref_slice %arg10[%mul3A_268, %dma_wait3A_277] : memref<10240x32xf32, #tpu.memory_space<vmem_shared>> -> memref<640x32xf32, #tpu.memory_space<vmem_shared>>
      tpu.wait_dma2 semaphore(%run_scoped3A : memref<!tpu.dma_semaphore, #tpu.memory_space<semaphore_mem>>) src(%dma_wait3A_278 : memref<640x32xf32, #tpu.memory_space<vmem_shared>>) dst(%dma_wait3A_276 : memref<640x32xf32, #tpu.memory_space<hbm>>)
      tpu.yield
    }) : () -> ()
    return
  }
}

#map = affine_map<(d0, d1) -> (0, 0)>
#map1 = affine_map<(d0, d1) -> (0, 0, 0)>
module attributes {stable_mosaic.version = 14 : i64} {
  func.func @agg(%arg0: i32, %arg1: i32, %arg2: memref<10240x64xf32, #tpu.memory_space<hbm>>, %arg3: memref<32x79x128xi32, #tpu.memory_space<hbm>>, %arg4: memref<32x79x128xi32, #tpu.memory_space<hbm>>, %arg5: memref<2x10240x64xf32, #tpu.memory_space<hbm>>, %arg6: memref<79x128xi32, #tpu.memory_space<vmem>>, %arg7: memref<79x128xi32, #tpu.memory_space<vmem>>, %arg8: memref<128x64xf32, #tpu.memory_space<vmem>>, %arg9: memref<16x64xf32, #tpu.memory_space<vmem>>, %arg10: memref<10240x64xf32, #tpu.memory_space<vmem_shared>>, %arg11: memref<!tpu.dma_semaphore, #tpu.memory_space<semaphore_mem>>) attributes {dimension_semantics = [#tpu.dimension_semantics<core_parallel>, #tpu.dimension_semantics<subcore_parallel>], iteration_bounds = array<i64: 2, 16>, scalar_prefetch = 0 : i64, scratch_operands = 6 : i64, tpu.core_type = #tpu.core_type<sc_vector_subcore>, window_params = [{transform_indices = #map}, {transform_indices = #map1}, {transform_indices = #map1}, {transform_indices = #map1}]} {
    %mul3A = arith.constant 2 : i32
    %mul3A_0 = arith.muli %arg1, %mul3A : i32
    %add3A = arith.addi %mul3A_0, %arg0 : i32
    %broadcast_in_dim3A = arith.constant 0.000000e+00 : f32
    %broadcast_in_dim3A_1 = vector.broadcast %broadcast_in_dim3A : f32 to vector<16xf32>
    %swap3A = arith.constant 0 : i32
    %swap3A_2 = arith.index_cast %swap3A : i32 to index
    %swap3A_3 = arith.constant 0 : index
    %swap3A_4 = tpu.vector_load %arg9[%swap3A_2, %swap3A_3] {strides = array<i32>} : memref<16x64xf32, #tpu.memory_space<vmem>>, vector<1x16xf32>,
    %swap3A_5 = vector.shape_cast %swap3A_4 : vector<1x16xf32> to vector<16xf32>
    %swap3A_6 = vector.shape_cast %broadcast_in_dim3A_1 : vector<16xf32> to vector<1x16xf32>
    tpu.vector_store %arg9[%swap3A_2, %swap3A_3], %swap3A_6 {strides = array<i32>} : memref<16x64xf32, #tpu.memory_space<vmem>>, vector<1x16xf32>,
    %broadcast_in_dim3A_7 = arith.constant 0.000000e+00 : f32
    %broadcast_in_dim3A_8 = vector.broadcast %broadcast_in_dim3A_7 : f32 to vector<16xf32>
    %swap3A_9 = arith.constant 0 : i32
    %swap3A_10 = arith.index_cast %swap3A_9 : i32 to index
    %swap3A_11 = arith.constant 16 : index
    %swap3A_12 = tpu.vector_load %arg9[%swap3A_10, %swap3A_11] {strides = array<i32>} : memref<16x64xf32, #tpu.memory_space<vmem>>, vector<1x16xf32>,
    %swap3A_13 = vector.shape_cast %swap3A_12 : vector<1x16xf32> to vector<16xf32>
    %swap3A_14 = vector.shape_cast %broadcast_in_dim3A_8 : vector<16xf32> to vector<1x16xf32>
    tpu.vector_store %arg9[%swap3A_10, %swap3A_11], %swap3A_14 {strides = array<i32>} : memref<16x64xf32, #tpu.memory_space<vmem>>, vector<1x16xf32>,
    %broadcast_in_dim3A_15 = arith.constant 0.000000e+00 : f32
    %broadcast_in_dim3A_16 = vector.broadcast %broadcast_in_dim3A_15 : f32 to vector<16xf32>
    %swap3A_17 = arith.constant 0 : i32
    %swap3A_18 = arith.index_cast %swap3A_17 : i32 to index
    %swap3A_19 = arith.constant 32 : index
    %swap3A_20 = tpu.vector_load %arg9[%swap3A_18, %swap3A_19] {strides = array<i32>} : memref<16x64xf32, #tpu.memory_space<vmem>>, vector<1x16xf32>,
    %swap3A_21 = vector.shape_cast %swap3A_20 : vector<1x16xf32> to vector<16xf32>
    %swap3A_22 = vector.shape_cast %broadcast_in_dim3A_16 : vector<16xf32> to vector<1x16xf32>
    tpu.vector_store %arg9[%swap3A_18, %swap3A_19], %swap3A_22 {strides = array<i32>} : memref<16x64xf32, #tpu.memory_space<vmem>>, vector<1x16xf32>,
    %broadcast_in_dim3A_23 = arith.constant 0.000000e+00 : f32
    %broadcast_in_dim3A_24 = vector.broadcast %broadcast_in_dim3A_23 : f32 to vector<16xf32>
    %swap3A_25 = arith.constant 0 : i32
    %swap3A_26 = arith.index_cast %swap3A_25 : i32 to index
    %swap3A_27 = arith.constant 48 : index
    %swap3A_28 = tpu.vector_load %arg9[%swap3A_26, %swap3A_27] {strides = array<i32>} : memref<16x64xf32, #tpu.memory_space<vmem>>, vector<1x16xf32>,
    %swap3A_29 = vector.shape_cast %swap3A_28 : vector<1x16xf32> to vector<16xf32>
    %swap3A_30 = vector.shape_cast %broadcast_in_dim3A_24 : vector<16xf32> to vector<1x16xf32>
    tpu.vector_store %arg9[%swap3A_26, %swap3A_27], %swap3A_30 {strides = array<i32>} : memref<16x64xf32, #tpu.memory_space<vmem>>, vector<1x16xf32>,
    %broadcast_in_dim3A_31 = arith.constant 0.000000e+00 : f32
    %broadcast_in_dim3A_32 = vector.broadcast %broadcast_in_dim3A_31 : f32 to vector<16xf32>
    %swap3A_33 = arith.constant 1 : i32
    %swap3A_34 = arith.index_cast %swap3A_33 : i32 to index
    %swap3A_35 = arith.constant 0 : index
    %swap3A_36 = tpu.vector_load %arg9[%swap3A_34, %swap3A_35] {strides = array<i32>} : memref<16x64xf32, #tpu.memory_space<vmem>>, vector<1x16xf32>,
    %swap3A_37 = vector.shape_cast %swap3A_36 : vector<1x16xf32> to vector<16xf32>
    %swap3A_38 = vector.shape_cast %broadcast_in_dim3A_32 : vector<16xf32> to vector<1x16xf32>
    tpu.vector_store %arg9[%swap3A_34, %swap3A_35], %swap3A_38 {strides = array<i32>} : memref<16x64xf32, #tpu.memory_space<vmem>>, vector<1x16xf32>,
    %broadcast_in_dim3A_39 = arith.constant 0.000000e+00 : f32
    %broadcast_in_dim3A_40 = vector.broadcast %broadcast_in_dim3A_39 : f32 to vector<16xf32>
    %swap3A_41 = arith.constant 1 : i32
    %swap3A_42 = arith.index_cast %swap3A_41 : i32 to index
    %swap3A_43 = arith.constant 16 : index
    %swap3A_44 = tpu.vector_load %arg9[%swap3A_42, %swap3A_43] {strides = array<i32>} : memref<16x64xf32, #tpu.memory_space<vmem>>, vector<1x16xf32>,
    %swap3A_45 = vector.shape_cast %swap3A_44 : vector<1x16xf32> to vector<16xf32>
    %swap3A_46 = vector.shape_cast %broadcast_in_dim3A_40 : vector<16xf32> to vector<1x16xf32>
    tpu.vector_store %arg9[%swap3A_42, %swap3A_43], %swap3A_46 {strides = array<i32>} : memref<16x64xf32, #tpu.memory_space<vmem>>, vector<1x16xf32>,
    %broadcast_in_dim3A_47 = arith.constant 0.000000e+00 : f32
    %broadcast_in_dim3A_48 = vector.broadcast %broadcast_in_dim3A_47 : f32 to vector<16xf32>
    %swap3A_49 = arith.constant 1 : i32
    %swap3A_50 = arith.index_cast %swap3A_49 : i32 to index
    %swap3A_51 = arith.constant 32 : index
    %swap3A_52 = tpu.vector_load %arg9[%swap3A_50, %swap3A_51] {strides = array<i32>} : memref<16x64xf32, #tpu.memory_space<vmem>>, vector<1x16xf32>,
    %swap3A_53 = vector.shape_cast %swap3A_52 : vector<1x16xf32> to vector<16xf32>
    %swap3A_54 = vector.shape_cast %broadcast_in_dim3A_48 : vector<16xf32> to vector<1x16xf32>
    tpu.vector_store %arg9[%swap3A_50, %swap3A_51], %swap3A_54 {strides = array<i32>} : memref<16x64xf32, #tpu.memory_space<vmem>>, vector<1x16xf32>,
    %broadcast_in_dim3A_55 = arith.constant 0.000000e+00 : f32
    %broadcast_in_dim3A_56 = vector.broadcast %broadcast_in_dim3A_55 : f32 to vector<16xf32>
    %swap3A_57 = arith.constant 1 : i32
    %swap3A_58 = arith.index_cast %swap3A_57 : i32 to index
    %swap3A_59 = arith.constant 48 : index
    %swap3A_60 = tpu.vector_load %arg9[%swap3A_58, %swap3A_59] {strides = array<i32>} : memref<16x64xf32, #tpu.memory_space<vmem>>, vector<1x16xf32>,
    %swap3A_61 = vector.shape_cast %swap3A_60 : vector<1x16xf32> to vector<16xf32>
    %swap3A_62 = vector.shape_cast %broadcast_in_dim3A_56 : vector<16xf32> to vector<1x16xf32>
    tpu.vector_store %arg9[%swap3A_58, %swap3A_59], %swap3A_62 {strides = array<i32>} : memref<16x64xf32, #tpu.memory_space<vmem>>, vector<1x16xf32>,
    %broadcast_in_dim3A_63 = arith.constant 0.000000e+00 : f32
    %broadcast_in_dim3A_64 = vector.broadcast %broadcast_in_dim3A_63 : f32 to vector<16xf32>
    %swap3A_65 = arith.constant 2 : i32
    %swap3A_66 = arith.index_cast %swap3A_65 : i32 to index
    %swap3A_67 = arith.constant 0 : index
    %swap3A_68 = tpu.vector_load %arg9[%swap3A_66, %swap3A_67] {strides = array<i32>} : memref<16x64xf32, #tpu.memory_space<vmem>>, vector<1x16xf32>,
    %swap3A_69 = vector.shape_cast %swap3A_68 : vector<1x16xf32> to vector<16xf32>
    %swap3A_70 = vector.shape_cast %broadcast_in_dim3A_64 : vector<16xf32> to vector<1x16xf32>
    tpu.vector_store %arg9[%swap3A_66, %swap3A_67], %swap3A_70 {strides = array<i32>} : memref<16x64xf32, #tpu.memory_space<vmem>>, vector<1x16xf32>,
    %broadcast_in_dim3A_71 = arith.constant 0.000000e+00 : f32
    %broadcast_in_dim3A_72 = vector.broadcast %broadcast_in_dim3A_71 : f32 to vector<16xf32>
    %swap3A_73 = arith.constant 2 : i32
    %swap3A_74 = arith.index_cast %swap3A_73 : i32 to index
    %swap3A_75 = arith.constant 16 : index
    %swap3A_76 = tpu.vector_load %arg9[%swap3A_74, %swap3A_75] {strides = array<i32>} : memref<16x64xf32, #tpu.memory_space<vmem>>, vector<1x16xf32>,
    %swap3A_77 = vector.shape_cast %swap3A_76 : vector<1x16xf32> to vector<16xf32>
    %swap3A_78 = vector.shape_cast %broadcast_in_dim3A_72 : vector<16xf32> to vector<1x16xf32>
    tpu.vector_store %arg9[%swap3A_74, %swap3A_75], %swap3A_78 {strides = array<i32>} : memref<16x64xf32, #tpu.memory_space<vmem>>, vector<1x16xf32>,
    %broadcast_in_dim3A_79 = arith.constant 0.000000e+00 : f32
    %broadcast_in_dim3A_80 = vector.broadcast %broadcast_in_dim3A_79 : f32 to vector<16xf32>
    %swap3A_81 = arith.constant 2 : i32
    %swap3A_82 = arith.index_cast %swap3A_81 : i32 to index
    %swap3A_83 = arith.constant 32 : index
    %swap3A_84 = tpu.vector_load %arg9[%swap3A_82, %swap3A_83] {strides = array<i32>} : memref<16x64xf32, #tpu.memory_space<vmem>>, vector<1x16xf32>,
    %swap3A_85 = vector.shape_cast %swap3A_84 : vector<1x16xf32> to vector<16xf32>
    %swap3A_86 = vector.shape_cast %broadcast_in_dim3A_80 : vector<16xf32> to vector<1x16xf32>
    tpu.vector_store %arg9[%swap3A_82, %swap3A_83], %swap3A_86 {strides = array<i32>} : memref<16x64xf32, #tpu.memory_space<vmem>>, vector<1x16xf32>,
    %broadcast_in_dim3A_87 = arith.constant 0.000000e+00 : f32
    %broadcast_in_dim3A_88 = vector.broadcast %broadcast_in_dim3A_87 : f32 to vector<16xf32>
    %swap3A_89 = arith.constant 2 : i32
    %swap3A_90 = arith.index_cast %swap3A_89 : i32 to index
    %swap3A_91 = arith.constant 48 : index
    %swap3A_92 = tpu.vector_load %arg9[%swap3A_90, %swap3A_91] {strides = array<i32>} : memref<16x64xf32, #tpu.memory_space<vmem>>, vector<1x16xf32>,
    %swap3A_93 = vector.shape_cast %swap3A_92 : vector<1x16xf32> to vector<16xf32>
    %swap3A_94 = vector.shape_cast %broadcast_in_dim3A_88 : vector<16xf32> to vector<1x16xf32>
    tpu.vector_store %arg9[%swap3A_90, %swap3A_91], %swap3A_94 {strides = array<i32>} : memref<16x64xf32, #tpu.memory_space<vmem>>, vector<1x16xf32>,
    %broadcast_in_dim3A_95 = arith.constant 0.000000e+00 : f32
    %broadcast_in_dim3A_96 = vector.broadcast %broadcast_in_dim3A_95 : f32 to vector<16xf32>
    %swap3A_97 = arith.constant 3 : i32
    %swap3A_98 = arith.index_cast %swap3A_97 : i32 to index
    %swap3A_99 = arith.constant 0 : index
    %swap3A_100 = tpu.vector_load %arg9[%swap3A_98, %swap3A_99] {strides = array<i32>} : memref<16x64xf32, #tpu.memory_space<vmem>>, vector<1x16xf32>,
    %swap3A_101 = vector.shape_cast %swap3A_100 : vector<1x16xf32> to vector<16xf32>
    %swap3A_102 = vector.shape_cast %broadcast_in_dim3A_96 : vector<16xf32> to vector<1x16xf32>
    tpu.vector_store %arg9[%swap3A_98, %swap3A_99], %swap3A_102 {strides = array<i32>} : memref<16x64xf32, #tpu.memory_space<vmem>>, vector<1x16xf32>,
    %broadcast_in_dim3A_103 = arith.constant 0.000000e+00 : f32
    %broadcast_in_dim3A_104 = vector.broadcast %broadcast_in_dim3A_103 : f32 to vector<16xf32>
    %swap3A_105 = arith.constant 3 : i32
    %swap3A_106 = arith.index_cast %swap3A_105 : i32 to index
    %swap3A_107 = arith.constant 16 : index
    %swap3A_108 = tpu.vector_load %arg9[%swap3A_106, %swap3A_107] {strides = array<i32>} : memref<16x64xf32, #tpu.memory_space<vmem>>, vector<1x16xf32>,
    %swap3A_109 = vector.shape_cast %swap3A_108 : vector<1x16xf32> to vector<16xf32>
    %swap3A_110 = vector.shape_cast %broadcast_in_dim3A_104 : vector<16xf32> to vector<1x16xf32>
    tpu.vector_store %arg9[%swap3A_106, %swap3A_107], %swap3A_110 {strides = array<i32>} : memref<16x64xf32, #tpu.memory_space<vmem>>, vector<1x16xf32>,
    %broadcast_in_dim3A_111 = arith.constant 0.000000e+00 : f32
    %broadcast_in_dim3A_112 = vector.broadcast %broadcast_in_dim3A_111 : f32 to vector<16xf32>
    %swap3A_113 = arith.constant 3 : i32
    %swap3A_114 = arith.index_cast %swap3A_113 : i32 to index
    %swap3A_115 = arith.constant 32 : index
    %swap3A_116 = tpu.vector_load %arg9[%swap3A_114, %swap3A_115] {strides = array<i32>} : memref<16x64xf32, #tpu.memory_space<vmem>>, vector<1x16xf32>,
    %swap3A_117 = vector.shape_cast %swap3A_116 : vector<1x16xf32> to vector<16xf32>
    %swap3A_118 = vector.shape_cast %broadcast_in_dim3A_112 : vector<16xf32> to vector<1x16xf32>
    tpu.vector_store %arg9[%swap3A_114, %swap3A_115], %swap3A_118 {strides = array<i32>} : memref<16x64xf32, #tpu.memory_space<vmem>>, vector<1x16xf32>,
    %broadcast_in_dim3A_119 = arith.constant 0.000000e+00 : f32
    %broadcast_in_dim3A_120 = vector.broadcast %broadcast_in_dim3A_119 : f32 to vector<16xf32>
    %swap3A_121 = arith.constant 3 : i32
    %swap3A_122 = arith.index_cast %swap3A_121 : i32 to index
    %swap3A_123 = arith.constant 48 : index
    %swap3A_124 = tpu.vector_load %arg9[%swap3A_122, %swap3A_123] {strides = array<i32>} : memref<16x64xf32, #tpu.memory_space<vmem>>, vector<1x16xf32>,
    %swap3A_125 = vector.shape_cast %swap3A_124 : vector<1x16xf32> to vector<16xf32>
    %swap3A_126 = vector.shape_cast %broadcast_in_dim3A_120 : vector<16xf32> to vector<1x16xf32>
    tpu.vector_store %arg9[%swap3A_122, %swap3A_123], %swap3A_126 {strides = array<i32>} : memref<16x64xf32, #tpu.memory_space<vmem>>, vector<1x16xf32>,
    %broadcast_in_dim3A_127 = arith.constant 0.000000e+00 : f32
    %broadcast_in_dim3A_128 = vector.broadcast %broadcast_in_dim3A_127 : f32 to vector<16xf32>
    %swap3A_129 = arith.constant 4 : i32
    %swap3A_130 = arith.index_cast %swap3A_129 : i32 to index
    %swap3A_131 = arith.constant 0 : index
    %swap3A_132 = tpu.vector_load %arg9[%swap3A_130, %swap3A_131] {strides = array<i32>} : memref<16x64xf32, #tpu.memory_space<vmem>>, vector<1x16xf32>,
    %swap3A_133 = vector.shape_cast %swap3A_132 : vector<1x16xf32> to vector<16xf32>
    %swap3A_134 = vector.shape_cast %broadcast_in_dim3A_128 : vector<16xf32> to vector<1x16xf32>
    tpu.vector_store %arg9[%swap3A_130, %swap3A_131], %swap3A_134 {strides = array<i32>} : memref<16x64xf32, #tpu.memory_space<vmem>>, vector<1x16xf32>,
    %broadcast_in_dim3A_135 = arith.constant 0.000000e+00 : f32
    %broadcast_in_dim3A_136 = vector.broadcast %broadcast_in_dim3A_135 : f32 to vector<16xf32>
    %swap3A_137 = arith.constant 4 : i32
    %swap3A_138 = arith.index_cast %swap3A_137 : i32 to index
    %swap3A_139 = arith.constant 16 : index
    %swap3A_140 = tpu.vector_load %arg9[%swap3A_138, %swap3A_139] {strides = array<i32>} : memref<16x64xf32, #tpu.memory_space<vmem>>, vector<1x16xf32>,
    %swap3A_141 = vector.shape_cast %swap3A_140 : vector<1x16xf32> to vector<16xf32>
    %swap3A_142 = vector.shape_cast %broadcast_in_dim3A_136 : vector<16xf32> to vector<1x16xf32>
    tpu.vector_store %arg9[%swap3A_138, %swap3A_139], %swap3A_142 {strides = array<i32>} : memref<16x64xf32, #tpu.memory_space<vmem>>, vector<1x16xf32>,
    %broadcast_in_dim3A_143 = arith.constant 0.000000e+00 : f32
    %broadcast_in_dim3A_144 = vector.broadcast %broadcast_in_dim3A_143 : f32 to vector<16xf32>
    %swap3A_145 = arith.constant 4 : i32
    %swap3A_146 = arith.index_cast %swap3A_145 : i32 to index
    %swap3A_147 = arith.constant 32 : index
    %swap3A_148 = tpu.vector_load %arg9[%swap3A_146, %swap3A_147] {strides = array<i32>} : memref<16x64xf32, #tpu.memory_space<vmem>>, vector<1x16xf32>,
    %swap3A_149 = vector.shape_cast %swap3A_148 : vector<1x16xf32> to vector<16xf32>
    %swap3A_150 = vector.shape_cast %broadcast_in_dim3A_144 : vector<16xf32> to vector<1x16xf32>
    tpu.vector_store %arg9[%swap3A_146, %swap3A_147], %swap3A_150 {strides = array<i32>} : memref<16x64xf32, #tpu.memory_space<vmem>>, vector<1x16xf32>,
    %broadcast_in_dim3A_151 = arith.constant 0.000000e+00 : f32
    %broadcast_in_dim3A_152 = vector.broadcast %broadcast_in_dim3A_151 : f32 to vector<16xf32>
    %swap3A_153 = arith.constant 4 : i32
    %swap3A_154 = arith.index_cast %swap3A_153 : i32 to index
    %swap3A_155 = arith.constant 48 : index
    %swap3A_156 = tpu.vector_load %arg9[%swap3A_154, %swap3A_155] {strides = array<i32>} : memref<16x64xf32, #tpu.memory_space<vmem>>, vector<1x16xf32>,
    %swap3A_157 = vector.shape_cast %swap3A_156 : vector<1x16xf32> to vector<16xf32>
    %swap3A_158 = vector.shape_cast %broadcast_in_dim3A_152 : vector<16xf32> to vector<1x16xf32>
    tpu.vector_store %arg9[%swap3A_154, %swap3A_155], %swap3A_158 {strides = array<i32>} : memref<16x64xf32, #tpu.memory_space<vmem>>, vector<1x16xf32>,
    %broadcast_in_dim3A_159 = arith.constant 0.000000e+00 : f32
    %broadcast_in_dim3A_160 = vector.broadcast %broadcast_in_dim3A_159 : f32 to vector<16xf32>
    %swap3A_161 = arith.constant 5 : i32
    %swap3A_162 = arith.index_cast %swap3A_161 : i32 to index
    %swap3A_163 = arith.constant 0 : index
    %swap3A_164 = tpu.vector_load %arg9[%swap3A_162, %swap3A_163] {strides = array<i32>} : memref<16x64xf32, #tpu.memory_space<vmem>>, vector<1x16xf32>,
    %swap3A_165 = vector.shape_cast %swap3A_164 : vector<1x16xf32> to vector<16xf32>
    %swap3A_166 = vector.shape_cast %broadcast_in_dim3A_160 : vector<16xf32> to vector<1x16xf32>
    tpu.vector_store %arg9[%swap3A_162, %swap3A_163], %swap3A_166 {strides = array<i32>} : memref<16x64xf32, #tpu.memory_space<vmem>>, vector<1x16xf32>,
    %broadcast_in_dim3A_167 = arith.constant 0.000000e+00 : f32
    %broadcast_in_dim3A_168 = vector.broadcast %broadcast_in_dim3A_167 : f32 to vector<16xf32>
    %swap3A_169 = arith.constant 5 : i32
    %swap3A_170 = arith.index_cast %swap3A_169 : i32 to index
    %swap3A_171 = arith.constant 16 : index
    %swap3A_172 = tpu.vector_load %arg9[%swap3A_170, %swap3A_171] {strides = array<i32>} : memref<16x64xf32, #tpu.memory_space<vmem>>, vector<1x16xf32>,
    %swap3A_173 = vector.shape_cast %swap3A_172 : vector<1x16xf32> to vector<16xf32>
    %swap3A_174 = vector.shape_cast %broadcast_in_dim3A_168 : vector<16xf32> to vector<1x16xf32>
    tpu.vector_store %arg9[%swap3A_170, %swap3A_171], %swap3A_174 {strides = array<i32>} : memref<16x64xf32, #tpu.memory_space<vmem>>, vector<1x16xf32>,
    %broadcast_in_dim3A_175 = arith.constant 0.000000e+00 : f32
    %broadcast_in_dim3A_176 = vector.broadcast %broadcast_in_dim3A_175 : f32 to vector<16xf32>
    %swap3A_177 = arith.constant 5 : i32
    %swap3A_178 = arith.index_cast %swap3A_177 : i32 to index
    %swap3A_179 = arith.constant 32 : index
    %swap3A_180 = tpu.vector_load %arg9[%swap3A_178, %swap3A_179] {strides = array<i32>} : memref<16x64xf32, #tpu.memory_space<vmem>>, vector<1x16xf32>,
    %swap3A_181 = vector.shape_cast %swap3A_180 : vector<1x16xf32> to vector<16xf32>
    %swap3A_182 = vector.shape_cast %broadcast_in_dim3A_176 : vector<16xf32> to vector<1x16xf32>
    tpu.vector_store %arg9[%swap3A_178, %swap3A_179], %swap3A_182 {strides = array<i32>} : memref<16x64xf32, #tpu.memory_space<vmem>>, vector<1x16xf32>,
    %broadcast_in_dim3A_183 = arith.constant 0.000000e+00 : f32
    %broadcast_in_dim3A_184 = vector.broadcast %broadcast_in_dim3A_183 : f32 to vector<16xf32>
    %swap3A_185 = arith.constant 5 : i32
    %swap3A_186 = arith.index_cast %swap3A_185 : i32 to index
    %swap3A_187 = arith.constant 48 : index
    %swap3A_188 = tpu.vector_load %arg9[%swap3A_186, %swap3A_187] {strides = array<i32>} : memref<16x64xf32, #tpu.memory_space<vmem>>, vector<1x16xf32>,
    %swap3A_189 = vector.shape_cast %swap3A_188 : vector<1x16xf32> to vector<16xf32>
    %swap3A_190 = vector.shape_cast %broadcast_in_dim3A_184 : vector<16xf32> to vector<1x16xf32>
    tpu.vector_store %arg9[%swap3A_186, %swap3A_187], %swap3A_190 {strides = array<i32>} : memref<16x64xf32, #tpu.memory_space<vmem>>, vector<1x16xf32>,
    %broadcast_in_dim3A_191 = arith.constant 0.000000e+00 : f32
    %broadcast_in_dim3A_192 = vector.broadcast %broadcast_in_dim3A_191 : f32 to vector<16xf32>
    %swap3A_193 = arith.constant 6 : i32
    %swap3A_194 = arith.index_cast %swap3A_193 : i32 to index
    %swap3A_195 = arith.constant 0 : index
    %swap3A_196 = tpu.vector_load %arg9[%swap3A_194, %swap3A_195] {strides = array<i32>} : memref<16x64xf32, #tpu.memory_space<vmem>>, vector<1x16xf32>,
    %swap3A_197 = vector.shape_cast %swap3A_196 : vector<1x16xf32> to vector<16xf32>
    %swap3A_198 = vector.shape_cast %broadcast_in_dim3A_192 : vector<16xf32> to vector<1x16xf32>
    tpu.vector_store %arg9[%swap3A_194, %swap3A_195], %swap3A_198 {strides = array<i32>} : memref<16x64xf32, #tpu.memory_space<vmem>>, vector<1x16xf32>,
    %broadcast_in_dim3A_199 = arith.constant 0.000000e+00 : f32
    %broadcast_in_dim3A_200 = vector.broadcast %broadcast_in_dim3A_199 : f32 to vector<16xf32>
    %swap3A_201 = arith.constant 6 : i32
    %swap3A_202 = arith.index_cast %swap3A_201 : i32 to index
    %swap3A_203 = arith.constant 16 : index
    %swap3A_204 = tpu.vector_load %arg9[%swap3A_202, %swap3A_203] {strides = array<i32>} : memref<16x64xf32, #tpu.memory_space<vmem>>, vector<1x16xf32>,
    %swap3A_205 = vector.shape_cast %swap3A_204 : vector<1x16xf32> to vector<16xf32>
    %swap3A_206 = vector.shape_cast %broadcast_in_dim3A_200 : vector<16xf32> to vector<1x16xf32>
    tpu.vector_store %arg9[%swap3A_202, %swap3A_203], %swap3A_206 {strides = array<i32>} : memref<16x64xf32, #tpu.memory_space<vmem>>, vector<1x16xf32>,
    %broadcast_in_dim3A_207 = arith.constant 0.000000e+00 : f32
    %broadcast_in_dim3A_208 = vector.broadcast %broadcast_in_dim3A_207 : f32 to vector<16xf32>
    %swap3A_209 = arith.constant 6 : i32
    %swap3A_210 = arith.index_cast %swap3A_209 : i32 to index
    %swap3A_211 = arith.constant 32 : index
    %swap3A_212 = tpu.vector_load %arg9[%swap3A_210, %swap3A_211] {strides = array<i32>} : memref<16x64xf32, #tpu.memory_space<vmem>>, vector<1x16xf32>,
    %swap3A_213 = vector.shape_cast %swap3A_212 : vector<1x16xf32> to vector<16xf32>
    %swap3A_214 = vector.shape_cast %broadcast_in_dim3A_208 : vector<16xf32> to vector<1x16xf32>
    tpu.vector_store %arg9[%swap3A_210, %swap3A_211], %swap3A_214 {strides = array<i32>} : memref<16x64xf32, #tpu.memory_space<vmem>>, vector<1x16xf32>,
    %broadcast_in_dim3A_215 = arith.constant 0.000000e+00 : f32
    %broadcast_in_dim3A_216 = vector.broadcast %broadcast_in_dim3A_215 : f32 to vector<16xf32>
    %swap3A_217 = arith.constant 6 : i32
    %swap3A_218 = arith.index_cast %swap3A_217 : i32 to index
    %swap3A_219 = arith.constant 48 : index
    %swap3A_220 = tpu.vector_load %arg9[%swap3A_218, %swap3A_219] {strides = array<i32>} : memref<16x64xf32, #tpu.memory_space<vmem>>, vector<1x16xf32>,
    %swap3A_221 = vector.shape_cast %swap3A_220 : vector<1x16xf32> to vector<16xf32>
    %swap3A_222 = vector.shape_cast %broadcast_in_dim3A_216 : vector<16xf32> to vector<1x16xf32>
    tpu.vector_store %arg9[%swap3A_218, %swap3A_219], %swap3A_222 {strides = array<i32>} : memref<16x64xf32, #tpu.memory_space<vmem>>, vector<1x16xf32>,
    %broadcast_in_dim3A_223 = arith.constant 0.000000e+00 : f32
    %broadcast_in_dim3A_224 = vector.broadcast %broadcast_in_dim3A_223 : f32 to vector<16xf32>
    %swap3A_225 = arith.constant 7 : i32
    %swap3A_226 = arith.index_cast %swap3A_225 : i32 to index
    %swap3A_227 = arith.constant 0 : index
    %swap3A_228 = tpu.vector_load %arg9[%swap3A_226, %swap3A_227] {strides = array<i32>} : memref<16x64xf32, #tpu.memory_space<vmem>>, vector<1x16xf32>,
    %swap3A_229 = vector.shape_cast %swap3A_228 : vector<1x16xf32> to vector<16xf32>
    %swap3A_230 = vector.shape_cast %broadcast_in_dim3A_224 : vector<16xf32> to vector<1x16xf32>
    tpu.vector_store %arg9[%swap3A_226, %swap3A_227], %swap3A_230 {strides = array<i32>} : memref<16x64xf32, #tpu.memory_space<vmem>>, vector<1x16xf32>,
    %broadcast_in_dim3A_231 = arith.constant 0.000000e+00 : f32
    %broadcast_in_dim3A_232 = vector.broadcast %broadcast_in_dim3A_231 : f32 to vector<16xf32>
    %swap3A_233 = arith.constant 7 : i32
    %swap3A_234 = arith.index_cast %swap3A_233 : i32 to index
    %swap3A_235 = arith.constant 16 : index
    %swap3A_236 = tpu.vector_load %arg9[%swap3A_234, %swap3A_235] {strides = array<i32>} : memref<16x64xf32, #tpu.memory_space<vmem>>, vector<1x16xf32>,
    %swap3A_237 = vector.shape_cast %swap3A_236 : vector<1x16xf32> to vector<16xf32>
    %swap3A_238 = vector.shape_cast %broadcast_in_dim3A_232 : vector<16xf32> to vector<1x16xf32>
    tpu.vector_store %arg9[%swap3A_234, %swap3A_235], %swap3A_238 {strides = array<i32>} : memref<16x64xf32, #tpu.memory_space<vmem>>, vector<1x16xf32>,
    %broadcast_in_dim3A_239 = arith.constant 0.000000e+00 : f32
    %broadcast_in_dim3A_240 = vector.broadcast %broadcast_in_dim3A_239 : f32 to vector<16xf32>
    %swap3A_241 = arith.constant 7 : i32
    %swap3A_242 = arith.index_cast %swap3A_241 : i32 to index
    %swap3A_243 = arith.constant 32 : index
    %swap3A_244 = tpu.vector_load %arg9[%swap3A_242, %swap3A_243] {strides = array<i32>} : memref<16x64xf32, #tpu.memory_space<vmem>>, vector<1x16xf32>,
    %swap3A_245 = vector.shape_cast %swap3A_244 : vector<1x16xf32> to vector<16xf32>
    %swap3A_246 = vector.shape_cast %broadcast_in_dim3A_240 : vector<16xf32> to vector<1x16xf32>
    tpu.vector_store %arg9[%swap3A_242, %swap3A_243], %swap3A_246 {strides = array<i32>} : memref<16x64xf32, #tpu.memory_space<vmem>>, vector<1x16xf32>,
    %broadcast_in_dim3A_247 = arith.constant 0.000000e+00 : f32
    %broadcast_in_dim3A_248 = vector.broadcast %broadcast_in_dim3A_247 : f32 to vector<16xf32>
    %swap3A_249 = arith.constant 7 : i32
    %swap3A_250 = arith.index_cast %swap3A_249 : i32 to index
    %swap3A_251 = arith.constant 48 : index
    %swap3A_252 = tpu.vector_load %arg9[%swap3A_250, %swap3A_251] {strides = array<i32>} : memref<16x64xf32, #tpu.memory_space<vmem>>, vector<1x16xf32>,
    %swap3A_253 = vector.shape_cast %swap3A_252 : vector<1x16xf32> to vector<16xf32>
    %swap3A_254 = vector.shape_cast %broadcast_in_dim3A_248 : vector<16xf32> to vector<1x16xf32>
    tpu.vector_store %arg9[%swap3A_250, %swap3A_251], %swap3A_254 {strides = array<i32>} : memref<16x64xf32, #tpu.memory_space<vmem>>, vector<1x16xf32>,
    %broadcast_in_dim3A_255 = arith.constant 0.000000e+00 : f32
    %broadcast_in_dim3A_256 = vector.broadcast %broadcast_in_dim3A_255 : f32 to vector<16xf32>
    %swap3A_257 = arith.constant 8 : i32
    %swap3A_258 = arith.index_cast %swap3A_257 : i32 to index
    %swap3A_259 = arith.constant 0 : index
    %swap3A_260 = tpu.vector_load %arg9[%swap3A_258, %swap3A_259] {strides = array<i32>} : memref<16x64xf32, #tpu.memory_space<vmem>>, vector<1x16xf32>,
    %swap3A_261 = vector.shape_cast %swap3A_260 : vector<1x16xf32> to vector<16xf32>
    %swap3A_262 = vector.shape_cast %broadcast_in_dim3A_256 : vector<16xf32> to vector<1x16xf32>
    tpu.vector_store %arg9[%swap3A_258, %swap3A_259], %swap3A_262 {strides = array<i32>} : memref<16x64xf32, #tpu.memory_space<vmem>>, vector<1x16xf32>,
    %broadcast_in_dim3A_263 = arith.constant 0.000000e+00 : f32
    %broadcast_in_dim3A_264 = vector.broadcast %broadcast_in_dim3A_263 : f32 to vector<16xf32>
    %swap3A_265 = arith.constant 8 : i32
    %swap3A_266 = arith.index_cast %swap3A_265 : i32 to index
    %swap3A_267 = arith.constant 16 : index
    %swap3A_268 = tpu.vector_load %arg9[%swap3A_266, %swap3A_267] {strides = array<i32>} : memref<16x64xf32, #tpu.memory_space<vmem>>, vector<1x16xf32>,
    %swap3A_269 = vector.shape_cast %swap3A_268 : vector<1x16xf32> to vector<16xf32>
    %swap3A_270 = vector.shape_cast %broadcast_in_dim3A_264 : vector<16xf32> to vector<1x16xf32>
    tpu.vector_store %arg9[%swap3A_266, %swap3A_267], %swap3A_270 {strides = array<i32>} : memref<16x64xf32, #tpu.memory_space<vmem>>, vector<1x16xf32>,
    %broadcast_in_dim3A_271 = arith.constant 0.000000e+00 : f32
    %broadcast_in_dim3A_272 = vector.broadcast %broadcast_in_dim3A_271 : f32 to vector<16xf32>
    %swap3A_273 = arith.constant 8 : i32
    %swap3A_274 = arith.index_cast %swap3A_273 : i32 to index
    %swap3A_275 = arith.constant 32 : index
    %swap3A_276 = tpu.vector_load %arg9[%swap3A_274, %swap3A_275] {strides = array<i32>} : memref<16x64xf32, #tpu.memory_space<vmem>>, vector<1x16xf32>,
    %swap3A_277 = vector.shape_cast %swap3A_276 : vector<1x16xf32> to vector<16xf32>
    %swap3A_278 = vector.shape_cast %broadcast_in_dim3A_272 : vector<16xf32> to vector<1x16xf32>
    tpu.vector_store %arg9[%swap3A_274, %swap3A_275], %swap3A_278 {strides = array<i32>} : memref<16x64xf32, #tpu.memory_space<vmem>>, vector<1x16xf32>,
    %broadcast_in_dim3A_279 = arith.constant 0.000000e+00 : f32
    %broadcast_in_dim3A_280 = vector.broadcast %broadcast_in_dim3A_279 : f32 to vector<16xf32>
    %swap3A_281 = arith.constant 8 : i32
    %swap3A_282 = arith.index_cast %swap3A_281 : i32 to index
    %swap3A_283 = arith.constant 48 : index
    %swap3A_284 = tpu.vector_load %arg9[%swap3A_282, %swap3A_283] {strides = array<i32>} : memref<16x64xf32, #tpu.memory_space<vmem>>, vector<1x16xf32>,
    %swap3A_285 = vector.shape_cast %swap3A_284 : vector<1x16xf32> to vector<16xf32>
    %swap3A_286 = vector.shape_cast %broadcast_in_dim3A_280 : vector<16xf32> to vector<1x16xf32>
    tpu.vector_store %arg9[%swap3A_282, %swap3A_283], %swap3A_286 {strides = array<i32>} : memref<16x64xf32, #tpu.memory_space<vmem>>, vector<1x16xf32>,
    %broadcast_in_dim3A_287 = arith.constant 0.000000e+00 : f32
    %broadcast_in_dim3A_288 = vector.broadcast %broadcast_in_dim3A_287 : f32 to vector<16xf32>
    %swap3A_289 = arith.constant 9 : i32
    %swap3A_290 = arith.index_cast %swap3A_289 : i32 to index
    %swap3A_291 = arith.constant 0 : index
    %swap3A_292 = tpu.vector_load %arg9[%swap3A_290, %swap3A_291] {strides = array<i32>} : memref<16x64xf32, #tpu.memory_space<vmem>>, vector<1x16xf32>,
    %swap3A_293 = vector.shape_cast %swap3A_292 : vector<1x16xf32> to vector<16xf32>
    %swap3A_294 = vector.shape_cast %broadcast_in_dim3A_288 : vector<16xf32> to vector<1x16xf32>
    tpu.vector_store %arg9[%swap3A_290, %swap3A_291], %swap3A_294 {strides = array<i32>} : memref<16x64xf32, #tpu.memory_space<vmem>>, vector<1x16xf32>,
    %broadcast_in_dim3A_295 = arith.constant 0.000000e+00 : f32
    %broadcast_in_dim3A_296 = vector.broadcast %broadcast_in_dim3A_295 : f32 to vector<16xf32>
    %swap3A_297 = arith.constant 9 : i32
    %swap3A_298 = arith.index_cast %swap3A_297 : i32 to index
    %swap3A_299 = arith.constant 16 : index
    %swap3A_300 = tpu.vector_load %arg9[%swap3A_298, %swap3A_299] {strides = array<i32>} : memref<16x64xf32, #tpu.memory_space<vmem>>, vector<1x16xf32>,
    %swap3A_301 = vector.shape_cast %swap3A_300 : vector<1x16xf32> to vector<16xf32>
    %swap3A_302 = vector.shape_cast %broadcast_in_dim3A_296 : vector<16xf32> to vector<1x16xf32>
    tpu.vector_store %arg9[%swap3A_298, %swap3A_299], %swap3A_302 {strides = array<i32>} : memref<16x64xf32, #tpu.memory_space<vmem>>, vector<1x16xf32>,
    %broadcast_in_dim3A_303 = arith.constant 0.000000e+00 : f32
    %broadcast_in_dim3A_304 = vector.broadcast %broadcast_in_dim3A_303 : f32 to vector<16xf32>
    %swap3A_305 = arith.constant 9 : i32
    %swap3A_306 = arith.index_cast %swap3A_305 : i32 to index
    %swap3A_307 = arith.constant 32 : index
    %swap3A_308 = tpu.vector_load %arg9[%swap3A_306, %swap3A_307] {strides = array<i32>} : memref<16x64xf32, #tpu.memory_space<vmem>>, vector<1x16xf32>,
    %swap3A_309 = vector.shape_cast %swap3A_308 : vector<1x16xf32> to vector<16xf32>
    %swap3A_310 = vector.shape_cast %broadcast_in_dim3A_304 : vector<16xf32> to vector<1x16xf32>
    tpu.vector_store %arg9[%swap3A_306, %swap3A_307], %swap3A_310 {strides = array<i32>} : memref<16x64xf32, #tpu.memory_space<vmem>>, vector<1x16xf32>,
    %broadcast_in_dim3A_311 = arith.constant 0.000000e+00 : f32
    %broadcast_in_dim3A_312 = vector.broadcast %broadcast_in_dim3A_311 : f32 to vector<16xf32>
    %swap3A_313 = arith.constant 9 : i32
    %swap3A_314 = arith.index_cast %swap3A_313 : i32 to index
    %swap3A_315 = arith.constant 48 : index
    %swap3A_316 = tpu.vector_load %arg9[%swap3A_314, %swap3A_315] {strides = array<i32>} : memref<16x64xf32, #tpu.memory_space<vmem>>, vector<1x16xf32>,
    %swap3A_317 = vector.shape_cast %swap3A_316 : vector<1x16xf32> to vector<16xf32>
    %swap3A_318 = vector.shape_cast %broadcast_in_dim3A_312 : vector<16xf32> to vector<1x16xf32>
    tpu.vector_store %arg9[%swap3A_314, %swap3A_315], %swap3A_318 {strides = array<i32>} : memref<16x64xf32, #tpu.memory_space<vmem>>, vector<1x16xf32>,
    %broadcast_in_dim3A_319 = arith.constant 0.000000e+00 : f32
    %broadcast_in_dim3A_320 = vector.broadcast %broadcast_in_dim3A_319 : f32 to vector<16xf32>
    %swap3A_321 = arith.constant 10 : i32
    %swap3A_322 = arith.index_cast %swap3A_321 : i32 to index
    %swap3A_323 = arith.constant 0 : index
    %swap3A_324 = tpu.vector_load %arg9[%swap3A_322, %swap3A_323] {strides = array<i32>} : memref<16x64xf32, #tpu.memory_space<vmem>>, vector<1x16xf32>,
    %swap3A_325 = vector.shape_cast %swap3A_324 : vector<1x16xf32> to vector<16xf32>
    %swap3A_326 = vector.shape_cast %broadcast_in_dim3A_320 : vector<16xf32> to vector<1x16xf32>
    tpu.vector_store %arg9[%swap3A_322, %swap3A_323], %swap3A_326 {strides = array<i32>} : memref<16x64xf32, #tpu.memory_space<vmem>>, vector<1x16xf32>,
    %broadcast_in_dim3A_327 = arith.constant 0.000000e+00 : f32
    %broadcast_in_dim3A_328 = vector.broadcast %broadcast_in_dim3A_327 : f32 to vector<16xf32>
    %swap3A_329 = arith.constant 10 : i32
    %swap3A_330 = arith.index_cast %swap3A_329 : i32 to index
    %swap3A_331 = arith.constant 16 : index
    %swap3A_332 = tpu.vector_load %arg9[%swap3A_330, %swap3A_331] {strides = array<i32>} : memref<16x64xf32, #tpu.memory_space<vmem>>, vector<1x16xf32>,
    %swap3A_333 = vector.shape_cast %swap3A_332 : vector<1x16xf32> to vector<16xf32>
    %swap3A_334 = vector.shape_cast %broadcast_in_dim3A_328 : vector<16xf32> to vector<1x16xf32>
    tpu.vector_store %arg9[%swap3A_330, %swap3A_331], %swap3A_334 {strides = array<i32>} : memref<16x64xf32, #tpu.memory_space<vmem>>, vector<1x16xf32>,
    %broadcast_in_dim3A_335 = arith.constant 0.000000e+00 : f32
    %broadcast_in_dim3A_336 = vector.broadcast %broadcast_in_dim3A_335 : f32 to vector<16xf32>
    %swap3A_337 = arith.constant 10 : i32
    %swap3A_338 = arith.index_cast %swap3A_337 : i32 to index
    %swap3A_339 = arith.constant 32 : index
    %swap3A_340 = tpu.vector_load %arg9[%swap3A_338, %swap3A_339] {strides = array<i32>} : memref<16x64xf32, #tpu.memory_space<vmem>>, vector<1x16xf32>,
    %swap3A_341 = vector.shape_cast %swap3A_340 : vector<1x16xf32> to vector<16xf32>
    %swap3A_342 = vector.shape_cast %broadcast_in_dim3A_336 : vector<16xf32> to vector<1x16xf32>
    tpu.vector_store %arg9[%swap3A_338, %swap3A_339], %swap3A_342 {strides = array<i32>} : memref<16x64xf32, #tpu.memory_space<vmem>>, vector<1x16xf32>,
    %broadcast_in_dim3A_343 = arith.constant 0.000000e+00 : f32
    %broadcast_in_dim3A_344 = vector.broadcast %broadcast_in_dim3A_343 : f32 to vector<16xf32>
    %swap3A_345 = arith.constant 10 : i32
    %swap3A_346 = arith.index_cast %swap3A_345 : i32 to index
    %swap3A_347 = arith.constant 48 : index
    %swap3A_348 = tpu.vector_load %arg9[%swap3A_346, %swap3A_347] {strides = array<i32>} : memref<16x64xf32, #tpu.memory_space<vmem>>, vector<1x16xf32>,
    %swap3A_349 = vector.shape_cast %swap3A_348 : vector<1x16xf32> to vector<16xf32>
    %swap3A_350 = vector.shape_cast %broadcast_in_dim3A_344 : vector<16xf32> to vector<1x16xf32>
    tpu.vector_store %arg9[%swap3A_346, %swap3A_347], %swap3A_350 {strides = array<i32>} : memref<16x64xf32, #tpu.memory_space<vmem>>, vector<1x16xf32>,
    %broadcast_in_dim3A_351 = arith.constant 0.000000e+00 : f32
    %broadcast_in_dim3A_352 = vector.broadcast %broadcast_in_dim3A_351 : f32 to vector<16xf32>
    %swap3A_353 = arith.constant 11 : i32
    %swap3A_354 = arith.index_cast %swap3A_353 : i32 to index
    %swap3A_355 = arith.constant 0 : index
    %swap3A_356 = tpu.vector_load %arg9[%swap3A_354, %swap3A_355] {strides = array<i32>} : memref<16x64xf32, #tpu.memory_space<vmem>>, vector<1x16xf32>,
    %swap3A_357 = vector.shape_cast %swap3A_356 : vector<1x16xf32> to vector<16xf32>
    %swap3A_358 = vector.shape_cast %broadcast_in_dim3A_352 : vector<16xf32> to vector<1x16xf32>
    tpu.vector_store %arg9[%swap3A_354, %swap3A_355], %swap3A_358 {strides = array<i32>} : memref<16x64xf32, #tpu.memory_space<vmem>>, vector<1x16xf32>,
    %broadcast_in_dim3A_359 = arith.constant 0.000000e+00 : f32
    %broadcast_in_dim3A_360 = vector.broadcast %broadcast_in_dim3A_359 : f32 to vector<16xf32>
    %swap3A_361 = arith.constant 11 : i32
    %swap3A_362 = arith.index_cast %swap3A_361 : i32 to index
    %swap3A_363 = arith.constant 16 : index
    %swap3A_364 = tpu.vector_load %arg9[%swap3A_362, %swap3A_363] {strides = array<i32>} : memref<16x64xf32, #tpu.memory_space<vmem>>, vector<1x16xf32>,
    %swap3A_365 = vector.shape_cast %swap3A_364 : vector<1x16xf32> to vector<16xf32>
    %swap3A_366 = vector.shape_cast %broadcast_in_dim3A_360 : vector<16xf32> to vector<1x16xf32>
    tpu.vector_store %arg9[%swap3A_362, %swap3A_363], %swap3A_366 {strides = array<i32>} : memref<16x64xf32, #tpu.memory_space<vmem>>, vector<1x16xf32>,
    %broadcast_in_dim3A_367 = arith.constant 0.000000e+00 : f32
    %broadcast_in_dim3A_368 = vector.broadcast %broadcast_in_dim3A_367 : f32 to vector<16xf32>
    %swap3A_369 = arith.constant 11 : i32
    %swap3A_370 = arith.index_cast %swap3A_369 : i32 to index
    %swap3A_371 = arith.constant 32 : index
    %swap3A_372 = tpu.vector_load %arg9[%swap3A_370, %swap3A_371] {strides = array<i32>} : memref<16x64xf32, #tpu.memory_space<vmem>>, vector<1x16xf32>,
    %swap3A_373 = vector.shape_cast %swap3A_372 : vector<1x16xf32> to vector<16xf32>
    %swap3A_374 = vector.shape_cast %broadcast_in_dim3A_368 : vector<16xf32> to vector<1x16xf32>
    tpu.vector_store %arg9[%swap3A_370, %swap3A_371], %swap3A_374 {strides = array<i32>} : memref<16x64xf32, #tpu.memory_space<vmem>>, vector<1x16xf32>,
    %broadcast_in_dim3A_375 = arith.constant 0.000000e+00 : f32
    %broadcast_in_dim3A_376 = vector.broadcast %broadcast_in_dim3A_375 : f32 to vector<16xf32>
    %swap3A_377 = arith.constant 11 : i32
    %swap3A_378 = arith.index_cast %swap3A_377 : i32 to index
    %swap3A_379 = arith.constant 48 : index
    %swap3A_380 = tpu.vector_load %arg9[%swap3A_378, %swap3A_379] {strides = array<i32>} : memref<16x64xf32, #tpu.memory_space<vmem>>, vector<1x16xf32>,
    %swap3A_381 = vector.shape_cast %swap3A_380 : vector<1x16xf32> to vector<16xf32>
    %swap3A_382 = vector.shape_cast %broadcast_in_dim3A_376 : vector<16xf32> to vector<1x16xf32>
    tpu.vector_store %arg9[%swap3A_378, %swap3A_379], %swap3A_382 {strides = array<i32>} : memref<16x64xf32, #tpu.memory_space<vmem>>, vector<1x16xf32>,
    %broadcast_in_dim3A_383 = arith.constant 0.000000e+00 : f32
    %broadcast_in_dim3A_384 = vector.broadcast %broadcast_in_dim3A_383 : f32 to vector<16xf32>
    %swap3A_385 = arith.constant 12 : i32
    %swap3A_386 = arith.index_cast %swap3A_385 : i32 to index
    %swap3A_387 = arith.constant 0 : index
    %swap3A_388 = tpu.vector_load %arg9[%swap3A_386, %swap3A_387] {strides = array<i32>} : memref<16x64xf32, #tpu.memory_space<vmem>>, vector<1x16xf32>,
    %swap3A_389 = vector.shape_cast %swap3A_388 : vector<1x16xf32> to vector<16xf32>
    %swap3A_390 = vector.shape_cast %broadcast_in_dim3A_384 : vector<16xf32> to vector<1x16xf32>
    tpu.vector_store %arg9[%swap3A_386, %swap3A_387], %swap3A_390 {strides = array<i32>} : memref<16x64xf32, #tpu.memory_space<vmem>>, vector<1x16xf32>,
    %broadcast_in_dim3A_391 = arith.constant 0.000000e+00 : f32
    %broadcast_in_dim3A_392 = vector.broadcast %broadcast_in_dim3A_391 : f32 to vector<16xf32>
    %swap3A_393 = arith.constant 12 : i32
    %swap3A_394 = arith.index_cast %swap3A_393 : i32 to index
    %swap3A_395 = arith.constant 16 : index
    %swap3A_396 = tpu.vector_load %arg9[%swap3A_394, %swap3A_395] {strides = array<i32>} : memref<16x64xf32, #tpu.memory_space<vmem>>, vector<1x16xf32>,
    %swap3A_397 = vector.shape_cast %swap3A_396 : vector<1x16xf32> to vector<16xf32>
    %swap3A_398 = vector.shape_cast %broadcast_in_dim3A_392 : vector<16xf32> to vector<1x16xf32>
    tpu.vector_store %arg9[%swap3A_394, %swap3A_395], %swap3A_398 {strides = array<i32>} : memref<16x64xf32, #tpu.memory_space<vmem>>, vector<1x16xf32>,
    %broadcast_in_dim3A_399 = arith.constant 0.000000e+00 : f32
    %broadcast_in_dim3A_400 = vector.broadcast %broadcast_in_dim3A_399 : f32 to vector<16xf32>
    %swap3A_401 = arith.constant 12 : i32
    %swap3A_402 = arith.index_cast %swap3A_401 : i32 to index
    %swap3A_403 = arith.constant 32 : index
    %swap3A_404 = tpu.vector_load %arg9[%swap3A_402, %swap3A_403] {strides = array<i32>} : memref<16x64xf32, #tpu.memory_space<vmem>>, vector<1x16xf32>,
    %swap3A_405 = vector.shape_cast %swap3A_404 : vector<1x16xf32> to vector<16xf32>
    %swap3A_406 = vector.shape_cast %broadcast_in_dim3A_400 : vector<16xf32> to vector<1x16xf32>
    tpu.vector_store %arg9[%swap3A_402, %swap3A_403], %swap3A_406 {strides = array<i32>} : memref<16x64xf32, #tpu.memory_space<vmem>>, vector<1x16xf32>,
    %broadcast_in_dim3A_407 = arith.constant 0.000000e+00 : f32
    %broadcast_in_dim3A_408 = vector.broadcast %broadcast_in_dim3A_407 : f32 to vector<16xf32>
    %swap3A_409 = arith.constant 12 : i32
    %swap3A_410 = arith.index_cast %swap3A_409 : i32 to index
    %swap3A_411 = arith.constant 48 : index
    %swap3A_412 = tpu.vector_load %arg9[%swap3A_410, %swap3A_411] {strides = array<i32>} : memref<16x64xf32, #tpu.memory_space<vmem>>, vector<1x16xf32>,
    %swap3A_413 = vector.shape_cast %swap3A_412 : vector<1x16xf32> to vector<16xf32>
    %swap3A_414 = vector.shape_cast %broadcast_in_dim3A_408 : vector<16xf32> to vector<1x16xf32>
    tpu.vector_store %arg9[%swap3A_410, %swap3A_411], %swap3A_414 {strides = array<i32>} : memref<16x64xf32, #tpu.memory_space<vmem>>, vector<1x16xf32>,
    %broadcast_in_dim3A_415 = arith.constant 0.000000e+00 : f32
    %broadcast_in_dim3A_416 = vector.broadcast %broadcast_in_dim3A_415 : f32 to vector<16xf32>
    %swap3A_417 = arith.constant 13 : i32
    %swap3A_418 = arith.index_cast %swap3A_417 : i32 to index
    %swap3A_419 = arith.constant 0 : index
    %swap3A_420 = tpu.vector_load %arg9[%swap3A_418, %swap3A_419] {strides = array<i32>} : memref<16x64xf32, #tpu.memory_space<vmem>>, vector<1x16xf32>,
    %swap3A_421 = vector.shape_cast %swap3A_420 : vector<1x16xf32> to vector<16xf32>
    %swap3A_422 = vector.shape_cast %broadcast_in_dim3A_416 : vector<16xf32> to vector<1x16xf32>
    tpu.vector_store %arg9[%swap3A_418, %swap3A_419], %swap3A_422 {strides = array<i32>} : memref<16x64xf32, #tpu.memory_space<vmem>>, vector<1x16xf32>,
    %broadcast_in_dim3A_423 = arith.constant 0.000000e+00 : f32
    %broadcast_in_dim3A_424 = vector.broadcast %broadcast_in_dim3A_423 : f32 to vector<16xf32>
    %swap3A_425 = arith.constant 13 : i32
    %swap3A_426 = arith.index_cast %swap3A_425 : i32 to index
    %swap3A_427 = arith.constant 16 : index
    %swap3A_428 = tpu.vector_load %arg9[%swap3A_426, %swap3A_427] {strides = array<i32>} : memref<16x64xf32, #tpu.memory_space<vmem>>, vector<1x16xf32>,
    %swap3A_429 = vector.shape_cast %swap3A_428 : vector<1x16xf32> to vector<16xf32>
    %swap3A_430 = vector.shape_cast %broadcast_in_dim3A_424 : vector<16xf32> to vector<1x16xf32>
    tpu.vector_store %arg9[%swap3A_426, %swap3A_427], %swap3A_430 {strides = array<i32>} : memref<16x64xf32, #tpu.memory_space<vmem>>, vector<1x16xf32>,
    %broadcast_in_dim3A_431 = arith.constant 0.000000e+00 : f32
    %broadcast_in_dim3A_432 = vector.broadcast %broadcast_in_dim3A_431 : f32 to vector<16xf32>
    %swap3A_433 = arith.constant 13 : i32
    %swap3A_434 = arith.index_cast %swap3A_433 : i32 to index
    %swap3A_435 = arith.constant 32 : index
    %swap3A_436 = tpu.vector_load %arg9[%swap3A_434, %swap3A_435] {strides = array<i32>} : memref<16x64xf32, #tpu.memory_space<vmem>>, vector<1x16xf32>,
    %swap3A_437 = vector.shape_cast %swap3A_436 : vector<1x16xf32> to vector<16xf32>
    %swap3A_438 = vector.shape_cast %broadcast_in_dim3A_432 : vector<16xf32> to vector<1x16xf32>
    tpu.vector_store %arg9[%swap3A_434, %swap3A_435], %swap3A_438 {strides = array<i32>} : memref<16x64xf32, #tpu.memory_space<vmem>>, vector<1x16xf32>,
    %broadcast_in_dim3A_439 = arith.constant 0.000000e+00 : f32
    %broadcast_in_dim3A_440 = vector.broadcast %broadcast_in_dim3A_439 : f32 to vector<16xf32>
    %swap3A_441 = arith.constant 13 : i32
    %swap3A_442 = arith.index_cast %swap3A_441 : i32 to index
    %swap3A_443 = arith.constant 48 : index
    %swap3A_444 = tpu.vector_load %arg9[%swap3A_442, %swap3A_443] {strides = array<i32>} : memref<16x64xf32, #tpu.memory_space<vmem>>, vector<1x16xf32>,
    %swap3A_445 = vector.shape_cast %swap3A_444 : vector<1x16xf32> to vector<16xf32>
    %swap3A_446 = vector.shape_cast %broadcast_in_dim3A_440 : vector<16xf32> to vector<1x16xf32>
    tpu.vector_store %arg9[%swap3A_442, %swap3A_443], %swap3A_446 {strides = array<i32>} : memref<16x64xf32, #tpu.memory_space<vmem>>, vector<1x16xf32>,
    %broadcast_in_dim3A_447 = arith.constant 0.000000e+00 : f32
    %broadcast_in_dim3A_448 = vector.broadcast %broadcast_in_dim3A_447 : f32 to vector<16xf32>
    %swap3A_449 = arith.constant 14 : i32
    %swap3A_450 = arith.index_cast %swap3A_449 : i32 to index
    %swap3A_451 = arith.constant 0 : index
    %swap3A_452 = tpu.vector_load %arg9[%swap3A_450, %swap3A_451] {strides = array<i32>} : memref<16x64xf32, #tpu.memory_space<vmem>>, vector<1x16xf32>,
    %swap3A_453 = vector.shape_cast %swap3A_452 : vector<1x16xf32> to vector<16xf32>
    %swap3A_454 = vector.shape_cast %broadcast_in_dim3A_448 : vector<16xf32> to vector<1x16xf32>
    tpu.vector_store %arg9[%swap3A_450, %swap3A_451], %swap3A_454 {strides = array<i32>} : memref<16x64xf32, #tpu.memory_space<vmem>>, vector<1x16xf32>,
    %broadcast_in_dim3A_455 = arith.constant 0.000000e+00 : f32
    %broadcast_in_dim3A_456 = vector.broadcast %broadcast_in_dim3A_455 : f32 to vector<16xf32>
    %swap3A_457 = arith.constant 14 : i32
    %swap3A_458 = arith.index_cast %swap3A_457 : i32 to index
    %swap3A_459 = arith.constant 16 : index
    %swap3A_460 = tpu.vector_load %arg9[%swap3A_458, %swap3A_459] {strides = array<i32>} : memref<16x64xf32, #tpu.memory_space<vmem>>, vector<1x16xf32>,
    %swap3A_461 = vector.shape_cast %swap3A_460 : vector<1x16xf32> to vector<16xf32>
    %swap3A_462 = vector.shape_cast %broadcast_in_dim3A_456 : vector<16xf32> to vector<1x16xf32>
    tpu.vector_store %arg9[%swap3A_458, %swap3A_459], %swap3A_462 {strides = array<i32>} : memref<16x64xf32, #tpu.memory_space<vmem>>, vector<1x16xf32>,
    %broadcast_in_dim3A_463 = arith.constant 0.000000e+00 : f32
    %broadcast_in_dim3A_464 = vector.broadcast %broadcast_in_dim3A_463 : f32 to vector<16xf32>
    %swap3A_465 = arith.constant 14 : i32
    %swap3A_466 = arith.index_cast %swap3A_465 : i32 to index
    %swap3A_467 = arith.constant 32 : index
    %swap3A_468 = tpu.vector_load %arg9[%swap3A_466, %swap3A_467] {strides = array<i32>} : memref<16x64xf32, #tpu.memory_space<vmem>>, vector<1x16xf32>,
    %swap3A_469 = vector.shape_cast %swap3A_468 : vector<1x16xf32> to vector<16xf32>
    %swap3A_470 = vector.shape_cast %broadcast_in_dim3A_464 : vector<16xf32> to vector<1x16xf32>
    tpu.vector_store %arg9[%swap3A_466, %swap3A_467], %swap3A_470 {strides = array<i32>} : memref<16x64xf32, #tpu.memory_space<vmem>>, vector<1x16xf32>,
    %broadcast_in_dim3A_471 = arith.constant 0.000000e+00 : f32
    %broadcast_in_dim3A_472 = vector.broadcast %broadcast_in_dim3A_471 : f32 to vector<16xf32>
    %swap3A_473 = arith.constant 14 : i32
    %swap3A_474 = arith.index_cast %swap3A_473 : i32 to index
    %swap3A_475 = arith.constant 48 : index
    %swap3A_476 = tpu.vector_load %arg9[%swap3A_474, %swap3A_475] {strides = array<i32>} : memref<16x64xf32, #tpu.memory_space<vmem>>, vector<1x16xf32>,
    %swap3A_477 = vector.shape_cast %swap3A_476 : vector<1x16xf32> to vector<16xf32>
    %swap3A_478 = vector.shape_cast %broadcast_in_dim3A_472 : vector<16xf32> to vector<1x16xf32>
    tpu.vector_store %arg9[%swap3A_474, %swap3A_475], %swap3A_478 {strides = array<i32>} : memref<16x64xf32, #tpu.memory_space<vmem>>, vector<1x16xf32>,
    %broadcast_in_dim3A_479 = arith.constant 0.000000e+00 : f32
    %broadcast_in_dim3A_480 = vector.broadcast %broadcast_in_dim3A_479 : f32 to vector<16xf32>
    %swap3A_481 = arith.constant 15 : i32
    %swap3A_482 = arith.index_cast %swap3A_481 : i32 to index
    %swap3A_483 = arith.constant 0 : index
    %swap3A_484 = tpu.vector_load %arg9[%swap3A_482, %swap3A_483] {strides = array<i32>} : memref<16x64xf32, #tpu.memory_space<vmem>>, vector<1x16xf32>,
    %swap3A_485 = vector.shape_cast %swap3A_484 : vector<1x16xf32> to vector<16xf32>
    %swap3A_486 = vector.shape_cast %broadcast_in_dim3A_480 : vector<16xf32> to vector<1x16xf32>
    tpu.vector_store %arg9[%swap3A_482, %swap3A_483], %swap3A_486 {strides = array<i32>} : memref<16x64xf32, #tpu.memory_space<vmem>>, vector<1x16xf32>,
    %broadcast_in_dim3A_487 = arith.constant 0.000000e+00 : f32
    %broadcast_in_dim3A_488 = vector.broadcast %broadcast_in_dim3A_487 : f32 to vector<16xf32>
    %swap3A_489 = arith.constant 15 : i32
    %swap3A_490 = arith.index_cast %swap3A_489 : i32 to index
    %swap3A_491 = arith.constant 16 : index
    %swap3A_492 = tpu.vector_load %arg9[%swap3A_490, %swap3A_491] {strides = array<i32>} : memref<16x64xf32, #tpu.memory_space<vmem>>, vector<1x16xf32>,
    %swap3A_493 = vector.shape_cast %swap3A_492 : vector<1x16xf32> to vector<16xf32>
    %swap3A_494 = vector.shape_cast %broadcast_in_dim3A_488 : vector<16xf32> to vector<1x16xf32>
    tpu.vector_store %arg9[%swap3A_490, %swap3A_491], %swap3A_494 {strides = array<i32>} : memref<16x64xf32, #tpu.memory_space<vmem>>, vector<1x16xf32>,
    %broadcast_in_dim3A_495 = arith.constant 0.000000e+00 : f32
    %broadcast_in_dim3A_496 = vector.broadcast %broadcast_in_dim3A_495 : f32 to vector<16xf32>
    %swap3A_497 = arith.constant 15 : i32
    %swap3A_498 = arith.index_cast %swap3A_497 : i32 to index
    %swap3A_499 = arith.constant 32 : index
    %swap3A_500 = tpu.vector_load %arg9[%swap3A_498, %swap3A_499] {strides = array<i32>} : memref<16x64xf32, #tpu.memory_space<vmem>>, vector<1x16xf32>,
    %swap3A_501 = vector.shape_cast %swap3A_500 : vector<1x16xf32> to vector<16xf32>
    %swap3A_502 = vector.shape_cast %broadcast_in_dim3A_496 : vector<16xf32> to vector<1x16xf32>
    tpu.vector_store %arg9[%swap3A_498, %swap3A_499], %swap3A_502 {strides = array<i32>} : memref<16x64xf32, #tpu.memory_space<vmem>>, vector<1x16xf32>,
    %broadcast_in_dim3A_503 = arith.constant 0.000000e+00 : f32
    %broadcast_in_dim3A_504 = vector.broadcast %broadcast_in_dim3A_503 : f32 to vector<16xf32>
    %swap3A_505 = arith.constant 15 : i32
    %swap3A_506 = arith.index_cast %swap3A_505 : i32 to index
    %swap3A_507 = arith.constant 48 : index
    %swap3A_508 = tpu.vector_load %arg9[%swap3A_506, %swap3A_507] {strides = array<i32>} : memref<16x64xf32, #tpu.memory_space<vmem>>, vector<1x16xf32>,
    %swap3A_509 = vector.shape_cast %swap3A_508 : vector<1x16xf32> to vector<16xf32>
    %swap3A_510 = vector.shape_cast %broadcast_in_dim3A_504 : vector<16xf32> to vector<1x16xf32>
    tpu.vector_store %arg9[%swap3A_506, %swap3A_507], %swap3A_510 {strides = array<i32>} : memref<16x64xf32, #tpu.memory_space<vmem>>, vector<1x16xf32>,
    %scan3A = arith.constant 0 : i32
    %scan3A_511 = arith.constant 0 : i32
    %scan3A_512 = arith.constant 40 : i32
    %scan3A_513 = arith.addi %scan3A_511, %scan3A_512 : i32
    %scan3A_514 = arith.constant 1 : i32
    scf.for %scan3A_527 = %scan3A_511 to %scan3A_513 step %scan3A_514  : i32 {
      %mul3A_528 = arith.constant 640 : i32
      %mul3A_529 = arith.muli %arg1, %mul3A_528 : i32
      %mul3A_530 = arith.constant 16 : i32
      %mul3A_531 = arith.muli %scan3A_527, %mul3A_530 : i32
      %add3A_532 = arith.addi %mul3A_529, %mul3A_531 : i32
      "tpu.region"() ({
        %run_scoped3A = tpu.sem_alloc : memref<!tpu.dma_semaphore, #tpu.memory_space<semaphore_mem>>
        %dma_start3A = arith.constant 0 : i32
        %dma_start3A_533 = tpu.memref_slice %arg10[%add3A_532, %dma_start3A] : memref<10240x64xf32, #tpu.memory_space<vmem_shared>> -> memref<16x64xf32, #tpu.memory_space<vmem_shared>>
        %dma_start3A_534 = arith.constant 0 : i32
        %dma_start3A_535 = tpu.memref_slice %arg10[%add3A_532, %dma_start3A_534] : memref<10240x64xf32, #tpu.memory_space<vmem_shared>> -> memref<16x64xf32, #tpu.memory_space<vmem_shared>>
        tpu.enqueue_dma source(%arg9 : memref<16x64xf32, #tpu.memory_space<vmem>>) target(%dma_start3A_535 : memref<16x64xf32, #tpu.memory_space<vmem_shared>>) target_semaphore(%run_scoped3A : memref<!tpu.dma_semaphore, #tpu.memory_space<semaphore_mem>>)
        %dma_wait3A = arith.constant 0 : i32
        %dma_wait3A_536 = tpu.memref_slice %arg10[%add3A_532, %dma_wait3A] : memref<10240x64xf32, #tpu.memory_space<vmem_shared>> -> memref<16x64xf32, #tpu.memory_space<vmem_shared>>
        %dma_wait3A_537 = arith.constant 0 : i32
        %dma_wait3A_538 = tpu.memref_slice %arg10[%add3A_532, %dma_wait3A_537] : memref<10240x64xf32, #tpu.memory_space<vmem_shared>> -> memref<16x64xf32, #tpu.memory_space<vmem_shared>>
        tpu.wait_dma2 semaphore(%run_scoped3A : memref<!tpu.dma_semaphore, #tpu.memory_space<semaphore_mem>>) src(%arg9 : memref<16x64xf32, #tpu.memory_space<vmem>>) dst(%dma_wait3A_538 : memref<16x64xf32, #tpu.memory_space<vmem_shared>>)
        tpu.yield
      }) : () -> ()
    }
    %scan3A_515 = arith.constant 40 : i32
    %barrier3A = arith.constant 0 : index
    tpu.barrier barrier_id(%barrier3A)
    "tpu.region"() ({
      %run_scoped3A = tpu.sem_alloc : memref<!tpu.dma_semaphore, #tpu.memory_space<semaphore_mem>>
      %dma_start3A = arith.constant 0 : i32
      %dma_start3A_527 = arith.constant 0 : i32
      %dma_start3A_528 = tpu.memref_slice %arg3[%add3A, %dma_start3A, %dma_start3A_527] : memref<32x79x128xi32, #tpu.memory_space<hbm>> -> memref<1x79x128xi32, #tpu.memory_space<hbm>>
      %dma_start3A_529 = tpu.memref_squeeze %dma_start3A_528 : memref<1x79x128xi32, #tpu.memory_space<hbm>> -> memref<79x128xi32, #tpu.memory_space<hbm>>
      %dma_start3A_530 = arith.constant 0 : i32
      %dma_start3A_531 = arith.constant 0 : i32
      %dma_start3A_532 = tpu.memref_slice %arg3[%add3A, %dma_start3A_530, %dma_start3A_531] : memref<32x79x128xi32, #tpu.memory_space<hbm>> -> memref<1x79x128xi32, #tpu.memory_space<hbm>>
      %dma_start3A_533 = tpu.memref_squeeze %dma_start3A_532 : memref<1x79x128xi32, #tpu.memory_space<hbm>> -> memref<79x128xi32, #tpu.memory_space<hbm>>
      tpu.enqueue_dma source(%dma_start3A_533 : memref<79x128xi32, #tpu.memory_space<hbm>>) target(%arg6 : memref<79x128xi32, #tpu.memory_space<vmem>>) target_semaphore(%run_scoped3A : memref<!tpu.dma_semaphore, #tpu.memory_space<semaphore_mem>>)
      %dma_wait3A = arith.constant 0 : i32
      %dma_wait3A_534 = arith.constant 0 : i32
      %dma_wait3A_535 = tpu.memref_slice %arg3[%add3A, %dma_wait3A, %dma_wait3A_534] : memref<32x79x128xi32, #tpu.memory_space<hbm>> -> memref<1x79x128xi32, #tpu.memory_space<hbm>>
      %dma_wait3A_536 = tpu.memref_squeeze %dma_wait3A_535 : memref<1x79x128xi32, #tpu.memory_space<hbm>> -> memref<79x128xi32, #tpu.memory_space<hbm>>
      %dma_wait3A_537 = arith.constant 0 : i32
      %dma_wait3A_538 = arith.constant 0 : i32
      %dma_wait3A_539 = tpu.memref_slice %arg3[%add3A, %dma_wait3A_537, %dma_wait3A_538] : memref<32x79x128xi32, #tpu.memory_space<hbm>> -> memref<1x79x128xi32, #tpu.memory_space<hbm>>
      %dma_wait3A_540 = tpu.memref_squeeze %dma_wait3A_539 : memref<1x79x128xi32, #tpu.memory_space<hbm>> -> memref<79x128xi32, #tpu.memory_space<hbm>>
      tpu.wait_dma2 semaphore(%run_scoped3A : memref<!tpu.dma_semaphore, #tpu.memory_space<semaphore_mem>>) src(%dma_wait3A_540 : memref<79x128xi32, #tpu.memory_space<hbm>>) dst(%arg6 : memref<79x128xi32, #tpu.memory_space<vmem>>)
      tpu.yield
    }) : () -> ()
    "tpu.region"() ({
      %run_scoped3A = tpu.sem_alloc : memref<!tpu.dma_semaphore, #tpu.memory_space<semaphore_mem>>
      %dma_start3A = arith.constant 0 : i32
      %dma_start3A_527 = arith.constant 0 : i32
      %dma_start3A_528 = tpu.memref_slice %arg4[%add3A, %dma_start3A, %dma_start3A_527] : memref<32x79x128xi32, #tpu.memory_space<hbm>> -> memref<1x79x128xi32, #tpu.memory_space<hbm>>
      %dma_start3A_529 = tpu.memref_squeeze %dma_start3A_528 : memref<1x79x128xi32, #tpu.memory_space<hbm>> -> memref<79x128xi32, #tpu.memory_space<hbm>>
      %dma_start3A_530 = arith.constant 0 : i32
      %dma_start3A_531 = arith.constant 0 : i32
      %dma_start3A_532 = tpu.memref_slice %arg4[%add3A, %dma_start3A_530, %dma_start3A_531] : memref<32x79x128xi32, #tpu.memory_space<hbm>> -> memref<1x79x128xi32, #tpu.memory_space<hbm>>
      %dma_start3A_533 = tpu.memref_squeeze %dma_start3A_532 : memref<1x79x128xi32, #tpu.memory_space<hbm>> -> memref<79x128xi32, #tpu.memory_space<hbm>>
      tpu.enqueue_dma source(%dma_start3A_533 : memref<79x128xi32, #tpu.memory_space<hbm>>) target(%arg7 : memref<79x128xi32, #tpu.memory_space<vmem>>) target_semaphore(%run_scoped3A : memref<!tpu.dma_semaphore, #tpu.memory_space<semaphore_mem>>)
      %dma_wait3A = arith.constant 0 : i32
      %dma_wait3A_534 = arith.constant 0 : i32
      %dma_wait3A_535 = tpu.memref_slice %arg4[%add3A, %dma_wait3A, %dma_wait3A_534] : memref<32x79x128xi32, #tpu.memory_space<hbm>> -> memref<1x79x128xi32, #tpu.memory_space<hbm>>
      %dma_wait3A_536 = tpu.memref_squeeze %dma_wait3A_535 : memref<1x79x128xi32, #tpu.memory_space<hbm>> -> memref<79x128xi32, #tpu.memory_space<hbm>>
      %dma_wait3A_537 = arith.constant 0 : i32
      %dma_wait3A_538 = arith.constant 0 : i32
      %dma_wait3A_539 = tpu.memref_slice %arg4[%add3A, %dma_wait3A_537, %dma_wait3A_538] : memref<32x79x128xi32, #tpu.memory_space<hbm>> -> memref<1x79x128xi32, #tpu.memory_space<hbm>>
      %dma_wait3A_540 = tpu.memref_squeeze %dma_wait3A_539 : memref<1x79x128xi32, #tpu.memory_space<hbm>> -> memref<79x128xi32, #tpu.memory_space<hbm>>
      tpu.wait_dma2 semaphore(%run_scoped3A : memref<!tpu.dma_semaphore, #tpu.memory_space<semaphore_mem>>) src(%dma_wait3A_540 : memref<79x128xi32, #tpu.memory_space<hbm>>) dst(%arg7 : memref<79x128xi32, #tpu.memory_space<vmem>>)
      tpu.yield
    }) : () -> ()
    %scan3A_516 = arith.constant 0 : i32
    %scan3A_517 = arith.constant 0 : i32
    %scan3A_518 = arith.constant 79 : i32
    %scan3A_519 = arith.addi %scan3A_517, %scan3A_518 : i32
    %scan3A_520 = arith.constant 1 : i32
    scf.for %scan3A_527 = %scan3A_517 to %scan3A_519 step %scan3A_520  : i32 {
      %dma_start3A = arith.constant 0 : i32
      %dma_start3A_528 = tpu.memref_slice %arg6[%scan3A_527, %dma_start3A] : memref<79x128xi32, #tpu.memory_space<vmem>> -> memref<1x128xi32, #tpu.memory_space<vmem>>
      %dma_start3A_529 = tpu.memref_squeeze %dma_start3A_528 : memref<1x128xi32, #tpu.memory_space<vmem>> -> memref<128xi32, #tpu.memory_space<vmem>>
      %dma_start3A_530 = arith.constant 0 : i32
      %dma_start3A_531 = arith.constant 0 : i32
      %dma_start3A_532 = tpu.memref_slice %arg2[%dma_start3A_530, %dma_start3A_531] : memref<10240x64xf32, #tpu.memory_space<hbm>> -> memref<10240x64xf32, #tpu.memory_space<hbm>>
      tpu.enqueue_indirect_dma source(%dma_start3A_532 : memref<10240x64xf32, #tpu.memory_space<hbm>>) target(%arg8 : memref<128x64xf32, #tpu.memory_space<vmem>>) offsets(%dma_start3A_529 : memref<128xi32, #tpu.memory_space<vmem>>) semaphore(%arg11 : memref<!tpu.dma_semaphore, #tpu.memory_space<semaphore_mem>>)
      %dma_wait3A = arith.constant 0 : i32
      %dma_wait3A_533 = tpu.memref_slice %arg6[%scan3A_527, %dma_wait3A] : memref<79x128xi32, #tpu.memory_space<vmem>> -> memref<1x128xi32, #tpu.memory_space<vmem>>
      %dma_wait3A_534 = tpu.memref_squeeze %dma_wait3A_533 : memref<1x128xi32, #tpu.memory_space<vmem>> -> memref<128xi32, #tpu.memory_space<vmem>>
      %dma_wait3A_535 = arith.constant 0 : i32
      %dma_wait3A_536 = arith.constant 0 : i32
      %dma_wait3A_537 = tpu.memref_slice %arg2[%dma_wait3A_535, %dma_wait3A_536] : memref<10240x64xf32, #tpu.memory_space<hbm>> -> memref<10240x64xf32, #tpu.memory_space<hbm>>
      tpu.wait_indirect_dma semaphore(%arg11 : memref<!tpu.dma_semaphore, #tpu.memory_space<semaphore_mem>>) src(%dma_wait3A_537 : memref<10240x64xf32, #tpu.memory_space<hbm>>) dst(%arg8 : memref<128x64xf32, #tpu.memory_space<vmem>>)
      "tpu.region"() ({
        %run_scoped3A = tpu.sem_alloc : memref<!tpu.dma_semaphore, #tpu.memory_space<semaphore_mem>>
        %dma_start3A_538 = arith.constant 0 : i32
        %dma_start3A_539 = tpu.memref_slice %arg7[%scan3A_527, %dma_start3A_538] : memref<79x128xi32, #tpu.memory_space<vmem>> -> memref<1x128xi32, #tpu.memory_space<vmem>>
        %dma_start3A_540 = tpu.memref_squeeze %dma_start3A_539 : memref<1x128xi32, #tpu.memory_space<vmem>> -> memref<128xi32, #tpu.memory_space<vmem>>
        %dma_start3A_541 = arith.constant 0 : i32
        %dma_start3A_542 = arith.constant 0 : i32
        %dma_start3A_543 = tpu.memref_slice %arg10[%dma_start3A_541, %dma_start3A_542] : memref<10240x64xf32, #tpu.memory_space<vmem_shared>> -> memref<10240x64xf32, #tpu.memory_space<vmem_shared>>
        tpu.enqueue_indirect_dma source(%arg8 : memref<128x64xf32, #tpu.memory_space<vmem>>) target(%dma_start3A_543 : memref<10240x64xf32, #tpu.memory_space<vmem_shared>>) offsets(%dma_start3A_540 : memref<128xi32, #tpu.memory_space<vmem>>) semaphore(%run_scoped3A : memref<!tpu.dma_semaphore, #tpu.memory_space<semaphore_mem>>) {add = true}
        %dma_wait3A_544 = arith.constant 0 : i32
        %dma_wait3A_545 = tpu.memref_slice %arg7[%scan3A_527, %dma_wait3A_544] : memref<79x128xi32, #tpu.memory_space<vmem>> -> memref<1x128xi32, #tpu.memory_space<vmem>>
        %dma_wait3A_546 = tpu.memref_squeeze %dma_wait3A_545 : memref<1x128xi32, #tpu.memory_space<vmem>> -> memref<128xi32, #tpu.memory_space<vmem>>
        %dma_wait3A_547 = arith.constant 0 : i32
        %dma_wait3A_548 = arith.constant 0 : i32
        %dma_wait3A_549 = tpu.memref_slice %arg10[%dma_wait3A_547, %dma_wait3A_548] : memref<10240x64xf32, #tpu.memory_space<vmem_shared>> -> memref<10240x64xf32, #tpu.memory_space<vmem_shared>>
        tpu.wait_indirect_dma semaphore(%run_scoped3A : memref<!tpu.dma_semaphore, #tpu.memory_space<semaphore_mem>>) src(%arg8 : memref<128x64xf32, #tpu.memory_space<vmem>>) dst(%dma_wait3A_549 : memref<10240x64xf32, #tpu.memory_space<vmem_shared>>)
        tpu.yield
      }) : () -> ()
    }
    %scan3A_521 = arith.constant 79 : i32
    %barrier3A_522 = arith.constant 0 : index
    tpu.barrier barrier_id(%barrier3A_522)
    %mul3A_523 = arith.constant 640 : i32
    %mul3A_524 = arith.muli %arg1, %mul3A_523 : i32
    %mul3A_525 = arith.constant 640 : i32
    %mul3A_526 = arith.muli %arg1, %mul3A_525 : i32
    "tpu.region"() ({
      %run_scoped3A = tpu.sem_alloc : memref<!tpu.dma_semaphore, #tpu.memory_space<semaphore_mem>>
      %dma_start3A = arith.constant 0 : i32
      %dma_start3A_527 = tpu.memref_slice %arg5[%arg0, %mul3A_526, %dma_start3A] : memref<2x10240x64xf32, #tpu.memory_space<hbm>> -> memref<1x640x64xf32, #tpu.memory_space<hbm>>
      %dma_start3A_528 = tpu.memref_squeeze %dma_start3A_527 : memref<1x640x64xf32, #tpu.memory_space<hbm>> -> memref<640x64xf32, #tpu.memory_space<hbm>>
      %dma_start3A_529 = arith.constant 0 : i32
      %dma_start3A_530 = tpu.memref_slice %arg10[%mul3A_524, %dma_start3A_529] : memref<10240x64xf32, #tpu.memory_space<vmem_shared>> -> memref<640x64xf32, #tpu.memory_space<vmem_shared>>
      tpu.enqueue_dma source(%dma_start3A_530 : memref<640x64xf32, #tpu.memory_space<vmem_shared>>) target(%dma_start3A_528 : memref<640x64xf32, #tpu.memory_space<hbm>>) target_semaphore(%run_scoped3A : memref<!tpu.dma_semaphore, #tpu.memory_space<semaphore_mem>>)
      %dma_wait3A = arith.constant 0 : i32
      %dma_wait3A_531 = tpu.memref_slice %arg5[%arg0, %mul3A_526, %dma_wait3A] : memref<2x10240x64xf32, #tpu.memory_space<hbm>> -> memref<1x640x64xf32, #tpu.memory_space<hbm>>
      %dma_wait3A_532 = tpu.memref_squeeze %dma_wait3A_531 : memref<1x640x64xf32, #tpu.memory_space<hbm>> -> memref<640x64xf32, #tpu.memory_space<hbm>>
      %dma_wait3A_533 = arith.constant 0 : i32
      %dma_wait3A_534 = tpu.memref_slice %arg10[%mul3A_524, %dma_wait3A_533] : memref<10240x64xf32, #tpu.memory_space<vmem_shared>> -> memref<640x64xf32, #tpu.memory_space<vmem_shared>>
      tpu.wait_dma2 semaphore(%run_scoped3A : memref<!tpu.dma_semaphore, #tpu.memory_space<semaphore_mem>>) src(%dma_wait3A_534 : memref<640x64xf32, #tpu.memory_space<vmem_shared>>) dst(%dma_wait3A_532 : memref<640x64xf32, #tpu.memory_space<hbm>>)
      tpu.yield
    }) : () -> ()
    return
  }
}

module attributes {stable_mosaic.version = 14 : i64} {
  func.func @_tc1_body(%arg0: memref<10240x128xf32, #tpu.memory_space<vmem>>, %arg1: memref<128x64xf32, #tpu.memory_space<vmem>>, %arg2: memref<1x64xf32, #tpu.memory_space<vmem>>, %arg3: memref<2x10240x1xf32, #tpu.memory_space<vmem>>, %arg4: memref<10240x64xf32, #tpu.memory_space<vmem>>, %arg5: memref<10240x1xf32, #tpu.memory_space<vmem>>) attributes {dimension_semantics = [], scalar_prefetch = 0 : i64, scratch_operands = 0 : i64, tpu.core_type = #tpu.core_type<tc>} {
    %get3A = arith.constant 0 : index
    %get3A_0 = arith.constant 0 : index
    %get3A_1 = arith.constant 0 : index
    %get3A_2 = vector.load %arg3[%get3A, %get3A_0, %get3A_1] : memref<2x10240x1xf32, #tpu.memory_space<vmem>>, vector<1x10240x1xf32>
    %get3A_3 = vector.shape_cast %get3A_2 : vector<1x10240x1xf32> to vector<10240x1xf32>
    %get3A_4 = arith.constant 1 : index
    %get3A_5 = arith.constant 0 : index
    %get3A_6 = arith.constant 0 : index
    %get3A_7 = vector.load %arg3[%get3A_4, %get3A_5, %get3A_6] : memref<2x10240x1xf32, #tpu.memory_space<vmem>>, vector<1x10240x1xf32>
    %get3A_8 = vector.shape_cast %get3A_7 : vector<1x10240x1xf32> to vector<10240x1xf32>
    %add3A = arith.addf %get3A_3, %get3A_8 : vector<10240x1xf32>
    %add3A_9 = arith.constant 1.000000e+00 : f32
    %add3A_10 = vector.broadcast %add3A_9 : f32 to vector<10240x1xf32>
    %add3A_11 = arith.addf %add3A, %add3A_10 : vector<10240x1xf32>
    %rsqrt3A = math.rsqrt %add3A_11 : vector<10240x1xf32>
    %get3A_12 = arith.constant 0 : index
    %get3A_13 = arith.constant 0 : index
    %get3A_14 = vector.load %arg0[%get3A_12, %get3A_13] : memref<10240x128xf32, #tpu.memory_space<vmem>>, vector<10240x128xf32>
    %get3A_15 = arith.constant 0 : index
    %get3A_16 = arith.constant 0 : index
    %get3A_17 = vector.load %arg1[%get3A_15, %get3A_16] : memref<128x64xf32, #tpu.memory_space<vmem>>, vector<128x64xf32>
    %dot_general3A = arith.constant dense<0.000000e+00> : vector<10240x64xf32>
    %dot_general3A_18 = tpu.matmul %get3A_14, %get3A_17, %dot_general3A {dimension_numbers = #tpu.dot_dimension_numbers<[1], [0], [0], [1], [0, 0, 1, 1], [], []>, transpose_lhs_hint = false} : vector<10240x128xf32>, vector<128x64xf32>, vector<10240x64xf32> -> vector<10240x64xf32>
    %get3A_19 = arith.constant 0 : index
    %get3A_20 = arith.constant 0 : index
    %get3A_21 = vector.load %arg2[%get3A_19, %get3A_20] : memref<1x64xf32, #tpu.memory_space<vmem>>, vector<1x64xf32>
    %add3A_22 = vector.broadcast %get3A_21 : vector<1x64xf32> to vector<10240x64xf32>
    %add3A_23 = arith.addf %dot_general3A_18, %add3A_22 : vector<10240x64xf32>
    %mul3A = vector.broadcast %rsqrt3A : vector<10240x1xf32> to vector<10240x64xf32>
    %mul3A_24 = arith.mulf %mul3A, %add3A_23 : vector<10240x64xf32>
    %swap3A = arith.constant 0 : index
    %swap3A_25 = arith.constant 0 : index
    %swap3A_26 = vector.load %arg4[%swap3A, %swap3A_25] : memref<10240x64xf32, #tpu.memory_space<vmem>>, vector<10240x64xf32>
    tpu.vector_store %arg4[%swap3A, %swap3A_25], %mul3A_24 {strides = array<i32>} : memref<10240x64xf32, #tpu.memory_space<vmem>>, vector<10240x64xf32>,
    %swap3A_27 = arith.constant 0 : index
    %swap3A_28 = arith.constant 0 : index
    %swap3A_29 = vector.load %arg5[%swap3A_27, %swap3A_28] : memref<10240x1xf32, #tpu.memory_space<vmem>>, vector<10240x1xf32>
    tpu.vector_store %arg5[%swap3A_27, %swap3A_28], %rsqrt3A {strides = array<i32>} : memref<10240x1xf32, #tpu.memory_space<vmem>>, vector<10240x1xf32>,
    return
  }
}

module attributes {stable_mosaic.version = 14 : i64} {
  func.func @_tc2_body(%arg0: memref<2x10240x64xf32, #tpu.memory_space<vmem>>, %arg1: memref<10240x64xf32, #tpu.memory_space<vmem>>, %arg2: memref<10240x1xf32, #tpu.memory_space<vmem>>, %arg3: memref<64x32xf32, #tpu.memory_space<vmem>>, %arg4: memref<1x32xf32, #tpu.memory_space<vmem>>, %arg5: memref<10240x32xf32, #tpu.memory_space<vmem>>) attributes {dimension_semantics = [], scalar_prefetch = 0 : i64, scratch_operands = 0 : i64, tpu.core_type = #tpu.core_type<tc>} {
    %get3A = arith.constant 0 : index
    %get3A_0 = arith.constant 0 : index
    %get3A_1 = vector.load %arg2[%get3A, %get3A_0] : memref<10240x1xf32, #tpu.memory_space<vmem>>, vector<10240x1xf32>
    %get3A_2 = arith.constant 0 : index
    %get3A_3 = arith.constant 0 : index
    %get3A_4 = arith.constant 0 : index
    %get3A_5 = vector.load %arg0[%get3A_2, %get3A_3, %get3A_4] : memref<2x10240x64xf32, #tpu.memory_space<vmem>>, vector<1x10240x64xf32>
    %get3A_6 = vector.shape_cast %get3A_5 : vector<1x10240x64xf32> to vector<10240x64xf32>
    %get3A_7 = arith.constant 1 : index
    %get3A_8 = arith.constant 0 : index
    %get3A_9 = arith.constant 0 : index
    %get3A_10 = vector.load %arg0[%get3A_7, %get3A_8, %get3A_9] : memref<2x10240x64xf32, #tpu.memory_space<vmem>>, vector<1x10240x64xf32>
    %get3A_11 = vector.shape_cast %get3A_10 : vector<1x10240x64xf32> to vector<10240x64xf32>
    %add3A = arith.addf %get3A_6, %get3A_11 : vector<10240x64xf32>
    %get3A_12 = arith.constant 0 : index
    %get3A_13 = arith.constant 0 : index
    %get3A_14 = vector.load %arg1[%get3A_12, %get3A_13] : memref<10240x64xf32, #tpu.memory_space<vmem>>, vector<10240x64xf32>
    %add3A_15 = arith.addf %add3A, %get3A_14 : vector<10240x64xf32>
    %mul3A = vector.broadcast %get3A_1 : vector<10240x1xf32> to vector<10240x64xf32>
    %mul3A_16 = arith.mulf %mul3A, %add3A_15 : vector<10240x64xf32>
    %max3A = arith.constant 0.000000e+00 : f32
    %max3A_17 = vector.broadcast %max3A : f32 to vector<10240x64xf32>
    %max3A_18 = arith.maximumf %mul3A_16, %max3A_17 : vector<10240x64xf32>
    %get3A_19 = arith.constant 0 : index
    %get3A_20 = arith.constant 0 : index
    %get3A_21 = vector.load %arg3[%get3A_19, %get3A_20] : memref<64x32xf32, #tpu.memory_space<vmem>>, vector<64x32xf32>
    %dot_general3A = arith.constant dense<0.000000e+00> : vector<10240x32xf32>
    %dot_general3A_22 = tpu.matmul %max3A_18, %get3A_21, %dot_general3A {dimension_numbers = #tpu.dot_dimension_numbers<[1], [0], [0], [1], [0, 0, 1, 1], [], []>, transpose_lhs_hint = false} : vector<10240x64xf32>, vector<64x32xf32>, vector<10240x32xf32> -> vector<10240x32xf32>
    %get3A_23 = arith.constant 0 : index
    %get3A_24 = arith.constant 0 : index
    %get3A_25 = vector.load %arg4[%get3A_23, %get3A_24] : memref<1x32xf32, #tpu.memory_space<vmem>>, vector<1x32xf32>
    %add3A_26 = vector.broadcast %get3A_25 : vector<1x32xf32> to vector<10240x32xf32>
    %add3A_27 = arith.addf %dot_general3A_22, %add3A_26 : vector<10240x32xf32>
    %mul3A_28 = vector.broadcast %get3A_1 : vector<10240x1xf32> to vector<10240x32xf32>
    %mul3A_29 = arith.mulf %mul3A_28, %add3A_27 : vector<10240x32xf32>
    %swap3A = arith.constant 0 : index
    %swap3A_30 = arith.constant 0 : index
    %swap3A_31 = vector.load %arg5[%swap3A, %swap3A_30] : memref<10240x32xf32, #tpu.memory_space<vmem>>, vector<10240x32xf32>
    tpu.vector_store %arg5[%swap3A, %swap3A_30], %mul3A_29 {strides = array<i32>} : memref<10240x32xf32, #tpu.memory_space<vmem>>, vector<10240x32xf32>,
    return
  }
}

module attributes {stable_mosaic.version = 14 : i64} {
  func.func @_tc3_body(%arg0: memref<2x10240x32xf32, #tpu.memory_space<vmem>>, %arg1: memref<10240x32xf32, #tpu.memory_space<vmem>>, %arg2: memref<10240x1xf32, #tpu.memory_space<vmem>>, %arg3: memref<32x41xf32, #tpu.memory_space<vmem>>, %arg4: memref<1x41xf32, #tpu.memory_space<vmem>>, %arg5: memref<1x41xf32, #tpu.memory_space<vmem>>) attributes {dimension_semantics = [], scalar_prefetch = 0 : i64, scratch_operands = 0 : i64, tpu.core_type = #tpu.core_type<tc>} {
    %get3A = arith.constant 0 : index
    %get3A_0 = arith.constant 0 : index
    %get3A_1 = vector.load %arg2[%get3A, %get3A_0] : memref<10240x1xf32, #tpu.memory_space<vmem>>, vector<10240x1xf32>
    %get3A_2 = arith.constant 0 : index
    %get3A_3 = arith.constant 0 : index
    %get3A_4 = arith.constant 0 : index
    %get3A_5 = vector.load %arg0[%get3A_2, %get3A_3, %get3A_4] : memref<2x10240x32xf32, #tpu.memory_space<vmem>>, vector<1x10240x32xf32>
    %get3A_6 = vector.shape_cast %get3A_5 : vector<1x10240x32xf32> to vector<10240x32xf32>
    %get3A_7 = arith.constant 1 : index
    %get3A_8 = arith.constant 0 : index
    %get3A_9 = arith.constant 0 : index
    %get3A_10 = vector.load %arg0[%get3A_7, %get3A_8, %get3A_9] : memref<2x10240x32xf32, #tpu.memory_space<vmem>>, vector<1x10240x32xf32>
    %get3A_11 = vector.shape_cast %get3A_10 : vector<1x10240x32xf32> to vector<10240x32xf32>
    %add3A = arith.addf %get3A_6, %get3A_11 : vector<10240x32xf32>
    %get3A_12 = arith.constant 0 : index
    %get3A_13 = arith.constant 0 : index
    %get3A_14 = vector.load %arg1[%get3A_12, %get3A_13] : memref<10240x32xf32, #tpu.memory_space<vmem>>, vector<10240x32xf32>
    %add3A_15 = arith.addf %add3A, %get3A_14 : vector<10240x32xf32>
    %mul3A = vector.broadcast %get3A_1 : vector<10240x1xf32> to vector<10240x32xf32>
    %mul3A_16 = arith.mulf %mul3A, %add3A_15 : vector<10240x32xf32>
    %max3A = arith.constant 0.000000e+00 : f32
    %max3A_17 = vector.broadcast %max3A : f32 to vector<10240x32xf32>
    %max3A_18 = arith.maximumf %mul3A_16, %max3A_17 : vector<10240x32xf32>
    %iota3A = tpu.iota {dimensions = array<i32: 0>} : vector<10240x1xi32>
    %lt3A = arith.constant 10000 : i32
    %lt3A_19 = vector.broadcast %lt3A : i32 to vector<10240x1xi32>
    %lt3A_20 = arith.cmpi slt, %iota3A, %lt3A_19 : vector<10240x1xi32>
    %jit3A = arith.constant 0.000000e+00 : f32
    %broadcast_in_dim3A = vector.shape_cast %lt3A_20 : vector<10240x1xi1> to vector<10240x1xi1>
    %broadcast_in_dim3A_21 = vector.broadcast %broadcast_in_dim3A : vector<10240x1xi1> to vector<10240x32xi1>
    %broadcast_in_dim3A_22 = vector.broadcast %jit3A : f32 to vector<10240x32xf32>
    %select_n3A = arith.select %broadcast_in_dim3A_21, %max3A_18, %broadcast_in_dim3A_22 : vector<10240x32xi1>, vector<10240x32xf32>
    %reduce_sum3A = arith.constant dense<0.000000e+00> : vector<32xf32>
    %reduce_sum3A_23 = vector.multi_reduction <add>, %select_n3A, %reduce_sum3A [0] : vector<10240x32xf32> to vector<32xf32>
    %broadcast_in_dim3A_24 = vector.shape_cast %reduce_sum3A_23 : vector<32xf32> to vector<1x32xf32>
    %mul3A_25 = arith.constant 9.99999974E-5 : f32
    %mul3A_26 = vector.broadcast %mul3A_25 : f32 to vector<1x32xf32>
    %mul3A_27 = arith.mulf %broadcast_in_dim3A_24, %mul3A_26 : vector<1x32xf32>
    %get3A_28 = arith.constant 0 : index
    %get3A_29 = arith.constant 0 : index
    %get3A_30 = vector.load %arg3[%get3A_28, %get3A_29] : memref<32x41xf32, #tpu.memory_space<vmem>>, vector<32x41xf32>
    %dot_general3A = arith.constant dense<0.000000e+00> : vector<1x41xf32>
    %dot_general3A_31 = tpu.matmul %mul3A_27, %get3A_30, %dot_general3A {dimension_numbers = #tpu.dot_dimension_numbers<[1], [0], [0], [1], [0, 0, 1, 1], [], []>, transpose_lhs_hint = false} : vector<1x32xf32>, vector<32x41xf32>, vector<1x41xf32> -> vector<1x41xf32>
    %get3A_32 = arith.constant 0 : index
    %get3A_33 = arith.constant 0 : index
    %get3A_34 = vector.load %arg4[%get3A_32, %get3A_33] : memref<1x41xf32, #tpu.memory_space<vmem>>, vector<1x41xf32>
    %add3A_35 = arith.addf %dot_general3A_31, %get3A_34 : vector<1x41xf32>
    %swap3A = arith.constant 0 : index
    %swap3A_36 = arith.constant 0 : index
    %swap3A_37 = vector.load %arg5[%swap3A, %swap3A_36] : memref<1x41xf32, #tpu.memory_space<vmem>>, vector<1x41xf32>
    tpu.vector_store %arg5[%swap3A, %swap3A_36], %add3A_35 {strides = array<i32>} : memref<1x41xf32, #tpu.memory_space<vmem>>, vector<1x41xf32>,
    return
  }
}

</mosaic_0001>

<sc_bundles>
// kernel: kernel.11.cloned.1.call-start
scs
__scs_entry_jumppad:
0x0: {  	(pc) =	sbr.rel $0x88, $3  }
0x1: {  	(tag) =	ssettag $0x0;
	lr =	simm.s32 $0x1  }
0x2: {  	[smem:$0x3F99] =	sst lr;
	_ =	strace $0xD0000000  }
0x3: {  	_ = 	snop  }
0x4: {  	_ = 	snop  }
0x5: {  	_ = 	snop  }
0x6: {  	_ = 	snop  }
0x7: {  	_ = 	snop  }
__scs_overlays_trampoline_lowered:
0x8: {  	[smem:$0x3FA8] =	sst s0  }
0x9: {  	[smem:$0x3FA9] =	sst s1  }
0xa: {  	[smem:$0x3FAA] =	sst s2  }
0xb: {  	[smem:$0x3FAB] =	sst s3  }
0xc: {  	[smem:$0x3FAC] =	sst s4  }
0xd: {  	[smem:$0x3FAD] =	sst s5  }
0xe: {  	[smem:$0x3FAE] =	sst s6  }
0xf: {  	[smem:$0x3FAF] =	sst s7  }
0x10: {  	[smem:$0x3FB0] =	sst s8  }
0x11: {  	[smem:$0x3FB1] =	sst s9;
	s0 =	simm.s32 @!p0 $0x0  }
0x12: {  	s1 =	sld [smem:$0x3F97];
	s0 =	simm.s32 @p0 $0x1  }
0x13: {  	[smem:$0x3FB2] =	sst s0;
	s0 =	simm.s32 @!p1 $0x0  }
0x14: {  	s2 =	sld [smem:$0x3F96];
	s0 =	simm.s32 @p1 $0x1  }
0x15: {  	[smem:$0x3FB3] =	sst s0;
	s0 =	simm.s32 @!p2 $0x0  }
0x16: {  	s3 =	sld [smem:$0x3FDB];
	s0 =	simm.s32 @p2 $0x1  }
0x17: {  	s4 =	simm.s32 $0x1BF5;
	[smem:$0x3FB5] =	sst s0  }
0x18: {  	s0 =	sld [smem:$0x3F98];
	_ =	swait.ge [sflag:s4], $0x0  }
0x19: {  	s7 =	sld [smem:$0x3F99]  }
0x1a: {  	s8 =	sadd.s32 $0xFFFFE003, lr  }
0x1b: {  	s9 =	sadd.s32 $0xFFFFFEF7, lr;
	s5 =	simm.s32 $0xFFFFFFFF;
	p2 =	slt.u32 s8, $0xFFFFF086  }
0x1c: {  	p1 =	slt.u32 s9, $0xF7A;
	s5 =	simm.s32 @!p2 $0x0  }
0x1d: {  	s5 =	simm.s32 @p1 $0x1;
	p0 =	seq.s32 s7, s2  }
0x1e: {  	s7 =	smul.u32 @!p0 $0xF7A, s2;
	p2 =	seq.s32 @!p0 s5, $0x0  }
0x1f: {  	s9 =	smul.u32 $0xF7A, s1;
	s8 =	simm.s32 @!p0 $0x1BF5;
	p2 =	por !p2, p0  }
0x20: {  	[sflag:s8] =	ssyncset.s32 @!p0 $0xFFFFF086;
	s6 =	sadd.s32 @!p0 s3, s7;
	s7 =	simm.s32 @!p0 $0x108  }
0x21: {  	s3 =	sadd.s32 s3, s9;
	s6 =	sadd.s32 @!p0 $0x88, s6;
	s7 =	simm.s32 @p2 $0x1082  }
0x22: {  	[simem:s7], [sflag:s8] =	dma.local @!p0 [hbm:s6], $0xF7A  }
0x23: {  	s9 =	sor.u32 $0xD0000000, s2;
	s6 =	simm.s32 $0x108;
	_ =	swait.ge @!p0 [sflag:s8], $0x0  }
0x24: {  	s3 =	sadd.s32 $0x88, s3;
	s6 =	simm.s32 @!p1 $0x1082;
	[sflag:s4] =	ssyncset.s32 $0xFFFFF086  }
0x25: {  	[simem:s6], [sflag:s4] =	dma.local [hbm:s3], $0xF7A  }
0x26: {  	[smem:$0x3F99] =	sst s1;
	(tag) =	ssettag s2;
	_ =	strace s9  }
0x27: {  	s1 =	sld [smem:$0x3FA9]  }
0x28: {  	s2 =	sld [smem:$0x3FAA]  }
0x29: {  	s4 =	sld [smem:$0x3FAC]  }
0x2a: {  	p0 =	seq.s32 s5, $0x0;
	s5 =	sld [smem:$0x3FAD]  }
0x2b: {  	s6 =	sld [smem:$0x3FAE]  }
0x2c: {  	s7 =	sld [smem:$0x3FAF]  }
0x2d: {  	s3 =	simm.s32 $0x108;
	s8 =	sld [smem:$0x3FB0]  }
0x2e: {  	s3 =	simm.s32 @!p0 $0x1082;
	s9 =	sld [smem:$0x3FB1]  }
0x2f: {  	lr =	sadd.s32 s0, s3;
	s0 =	sld [smem:$0x3FA8]  }
0x30: {  	s3 =	sld [smem:$0x3FAB]  }
0x31: {  	[smem:$0x3FB4] =	sst s10  }
0x32: {  	s10 =	sld [smem:$0x3FB2];
	_ =	sdelay $0x3  }
0x33: {  	p0 =	seq.s32 s10, $0x1;
	s10 =	sld [smem:$0x3FB4];
	_ =	sdelay $0x3  }
0x34: {  	[smem:$0x3FB4] =	sst s10  }
0x35: {  	s10 =	sld [smem:$0x3FB3];
	_ =	sdelay $0x3  }
0x36: {  	p1 =	seq.s32 s10, $0x1;
	s10 =	sld [smem:$0x3FB4];
	_ =	sdelay $0x3  }
0x37: {  	[smem:$0x3FB4] =	sst s10  }
0x38: {  	s10 =	sld [smem:$0x3FB5]  }
0x39: {  	_ = 	snop;
	(pc) =	sbr.ind lr, $3  }
0x3a: {  	_ = 	snop  }
0x3b: {  	_ = 	snop  }
0x3c: {  	p2 =	seq.s32 s10, $0x1;
	s10 =	sld [smem:$0x3FB4]  }
0x3d: {  	_ =	shalt  }
0x3e: {  	_ =	shalt  }
0x3f: {  	_ =	shalt  }
0x40: {  	_ =	shalt  }
0x41: {  	_ =	shalt  }
0x42: {  	_ =	shalt  }
0x43: {  	_ =	shalt  }
0x44: {  	_ =	shalt  }
0x45: {  	_ =	shalt  }
0x46: {  	_ =	shalt  }
0x47: {  	_ =	shalt  }
0x48: {  	_ =	shalt  }
0x49: {  	_ =	shalt  }
0x4a: {  	_ =	shalt  }
0x4b: {  	_ =	shalt  }
0x4c: {  	_ =	shalt  }
0x4d: {  	_ =	shalt  }
0x4e: {  	_ =	shalt  }
0x4f: {  	_ =	shalt  }
0x50: {  	_ =	shalt  }
0x51: {  	_ =	shalt  }
0x52: {  	_ =	shalt  }
0x53: {  	_ =	shalt  }
0x54: {  	_ =	shalt  }
0x55: {  	_ =	shalt  }
0x56: {  	_ =	shalt  }
0x57: {  	_ =	shalt  }
0x58: {  	_ =	shalt  }
0x59: {  	_ =	shalt  }
0x5a: {  	_ =	shalt  }
0x5b: {  	_ =	shalt  }
0x5c: {  	_ =	shalt  }
0x5d: {  	_ =	shalt  }
0x5e: {  	_ =	shalt  }
0x5f: {  	_ =	shalt  }
0x60: {  	_ =	shalt  }
0x61: {  	_ =	shalt  }
0x62: {  	_ =	shalt  }
0x63: {  	_ =	shalt  }
0x64: {  	_ =	shalt  }
0x65: {  	_ =	shalt  }
0x66: {  	_ =	shalt  }
0x67: {  	_ =	shalt  }
0x68: {  	_ =	shalt  }
0x69: {  	_ =	shalt  }
0x6a: {  	_ =	shalt  }
0x6b: {  	_ =	shalt  }
0x6c: {  	_ =	shalt  }
0x6d: {  	_ =	shalt  }
0x6e: {  	_ =	shalt  }
0x6f: {  	_ =	shalt  }
0x70: {  	_ =	shalt  }
0x71: {  	_ =	shalt  }
0x72: {  	_ =	shalt  }
0x73: {  	_ =	shalt  }
0x74: {  	_ =	shalt  }
0x75: {  	_ =	shalt  }
0x76: {  	_ =	shalt  }
0x77: {  	_ =	shalt  }
0x78: {  	_ =	shalt  }
0x79: {  	_ =	shalt  }
0x7a: {  	_ =	shalt  }
0x7b: {  	_ =	shalt  }
0x7c: {  	_ =	shalt  }
0x7d: {  	_ =	shalt  }
0x7e: {  	_ =	shalt  }
0x7f: {  	_ =	shalt  }
0x80: {  	_ =	shalt  }
0x81: {  	_ =	shalt  }
0x82: {  	_ =	shalt  }
0x83: {  	_ =	shalt  }
0x84: {  	_ =	shalt  }
0x85: {  	_ =	shalt  }
0x86: {  	_ =	shalt  }
0x87: {  	_ =	shalt  }
.Lfunc_end0:
.L_simem_size_0:
called_computation.1_lowered:
.L_overlay_start_0:
0x88: {  	s2 =	sld [smem:$0x3FD9]  }
0x89: {  	s3 =	sld [smem:$0x3FFE];
	_ =	sdelay $0x1  }
0x8a: {  	s1 =	srdreg.scid  }
0x8b: {  	s0 =	sand.u32 $0x1, s1  }
0x8c: {  	s16 =	sshll.u32 s0, $0xA;
	s2 =	sadd.s32 s3, s2  }
0x8d: {  	s2 =	sadd.s32 s2, s16  }
0x8e: {  	[smem:$0x3FC0] =	sst s2  }
0x8f: {  	_ = 	snop  }
0x90: {  	(tm) =	ssettm $0x1  }
0x91: {  	s17 =	sld [smem:$0x3FFB];
	_ =	sdelay $0x3  }
0x92: {  	_ =	strace s17  }
0x93: {  	s2 =	sld [smem:$0x3FFC];
	_ =	sdelay $0x3  }
0x94: {  	_ =	strace s2  }
0x95: {  	s2 =	sld [smem:$0x3FFD];
	_ =	sdelay $0x3  }
0x96: {  	_ =	strace s2  }
0x97: {  	_ =	strace $0x8FFFFFFF  }
0x98: {  	s18 =	sld [smem:$0x3FDB];
	_ =	sdelay $0x1  }
0x99: {  	s19 =	simm.s32 $_scs_section_size  }
0x9a: {  	s4 =	simm.s32 $_size__tile_overlayer_lowered;
	s5 =	simm.s32 $_tile_overlayer_lowered  }
0x9b: {  	s22 =	simm.s32 $0x1BFF;
	s21 =	sshll.u32 s5, $0x1;
	s2 =	sadd.s32 s19, s18  }
0x9c: {  	s6 =	simm.s32 $0x0;
	s20 =	sshll.u32 s4, $0x1;
	s4 =	sadd.s32 s21, s2  }
0x9d: {  	[timem:s6], [sflag:s22] =	dma.local [hbm:s4], s20  }
0x9e: {  	_ =	swait.ge [sflag:s22], s20  }
0x9f: {  	s3 =	ssub.s32 $0x0, s20;
	[sflag:s22] =	ssyncset.done $0x0  }
0xa0: {  	[sflag:s22] =	ssyncadd.s32 s3;
	_ =	sdelay $0x1  }
0xa1: {  	s23 =	simm.s32 $0x1B8B  }
0xa2: {  	_ =	swait.ge [sflag:s23], $0x1  }
0xa3: {  	[sflag:s23] =	ssyncset.done $0x0  }
0xa4: {  	s25 =	simm.s32 $0x1B8E;
	s24 =	sld [smem:$0x3FFE];
	[sflag:s23] =	ssyncadd.s32 $0xFFFFFFFF  }
0xa5: {  	s26 =	simm.s32 $execute0_lowered;
	[smem:$0x3FD2] =	sst s25  }
0xa6: {  	s4 =	sshll.u32 s26, $0x1;
	_ =	strace $0x80000049;
	[dreg:$0x1] =	wrdreg $0xFFFFFFFF  }
0xa7: {  	s28 =	simm.s32 $_size_execute0_lowered;
	s2 =	sadd.s32 s2, s4;
	[dreg:$0x0] =	wrdreg $0x0  }
0xa8: {  	s4 =	sshll.u32 s28, $0x1;
	[dreg:$0x2] =	wrdreg s2  }
0xa9: {  	[dreg:$0x3] =	wrdreg s4  }
0xaa: {  	[dreg:$0x4] =	wrdreg $0xC0  }
0xab: {  	_ =	task [dreg:s6], $0x5FFFF  }
0xac: {  	[dreg:$0x1] =	wrdreg $0xFFFFFFFF  }
0xad: {  	[dreg:$0x0] =	wrdreg $0x60  }
0xae: {  	[dreg:$0x2] =	wrdreg s24  }
0xaf: {  	[dreg:$0x3] =	wrdreg $0x73000  }
0xb0: {  	[dreg:$0x4] =	wrdreg $0x9  }
0xb1: {  	_ =	task.clear_ibuf [dreg:s6], $0x5FFFF;
	_ =	strace $0x90000049  }
0xb2: {  	s29 =	simm.s32 $0x9;
	_ =	strace $0x8000004B  }
0xb3: {  	_ =	swait.ge [sflag:s29], $0x1  }
0xb4: {  	[sflag:s29] =	ssyncadd.s32 $0xFFFFFFFF  }
0xb5: {  	_ =	strace $0x9000004B  }
0xb6: {  	_ =	sfence  }
0xb7: {  	s30 =	sld [smem:$0x0];
	_ =	sdelay $0x2  }
0xb8: {  	s31 =	sshll.u32 s1, $0xD;
	s1 =	sshrl.u32 s1, $0x2  }
0xb9: {  	s3 =	sand.u32 $0x4000, s31;
	s1 =	sadd.s32 s1, s30  }
0xba: {  	s0 =	sor.u32 s3, s0;
	s1 =	sshll.u32 s1, $0x11  }
0xbb: {  	s0 =	sor.u32 s1, s0  }
0xbc: {  	s0 =	sadd.s32 $0x8F2B, s0  }
0xbd: {  	[sflag:s0] =	ssyncadd.remote.s32 $0x1  }
0xbe: {  	_ =	sfence.sel $0xFFFF  }
0xbf: {  	[dreg:$0x0] =	wrdreg $0xFFFFFFFF;
	(pc) =	sbr.abs _section_cstart, $3  }
0xc0: {  	[dreg:$0x1] =	wrdreg $0xFFFFFFFF  }
0xc1: {  	_ =	task.clear_ibuf [dreg:s6], $0x2FFFF;
	_ =	strace $0x9FFFFFFF  }
0xc2: {  	(tm) =	ssettm $0x7FFFFFFF  }
0xc3: {  	_ =	shalt  }
tec
execute0_lowered:
.L_overlay_start_1:
0x0: {  	(tag) =	ssettag $0x1  }
0x1: {  	s5 =	rddreg [dreg:$0x0]  }
0x2: {  	s2 =	rddreg [dreg:$0x1];
	s3 =	srdreg.scid  }
0x3: {  	s0 =	rddreg [dreg:$0x2];
	s1 =	stileid.u32;
	s13 =	simm.s32 $0x80  }
0x4: {  	s14 =	simm.s32 $0x4F00;
	s15 =	simm.s32 $0x1;
	s9 =	smul.u32 $0xA000, s1  }
0x5: {  	s6 =	sand.u32 $0x1, s3;
	s3 =	simm.s32 $0x0;
	s10 =	smul.u32 $0x28000, s1  }
0x6: {  	s4 =	sshll.u32 s1, $0x1;
	s16 =	sshll.u32 s1, $0x6;
	s7 =	smul.u32 $0xA0000, s6  }
0x7: {  	[smem:$0x7FF] =	sst s3;
	s8 =	sor.u32 s6, s4;
	s4 =	sadd.s32 $0x16000, s5  }
0x8: {  	s6 =	ssub.s32 $0x2, s6;
	s16 =	sor.u32 $0x1C02, s16;
	_ =	strace $0x8000004A  }
0x9: {  	s8 =	smul.u32 $0x4F0, s8;
	s11 =	sshrl.u32 s6, $0x1;
	s31 =	sshrl.u32 s10, $0x2  }
0xa: {  	s17 =	sadd.s32 s9, s2;
	s10 =	simm.s32 $0x6F00;
	s7 =	sadd.s32 s9, s7  }
0xb: {  	s11 =	ssub.s32 s6, s11;
	s17 =	sshrl.u32 s17, $0x3;
	s8 =	sadd.s32 s8, s5  }
0xc: {  	s7 =	sshrl.u32 s7, $0x3;
	s9 =	smax.u32 s11, $0x1;
	s11 =	simm.s32 $0x2  }
0xd: {  	s12 =	sadd.s32 s7, s5;
	s5 =	sadd.s32 s31, s2;
	s6 =	sadd.s32 $0xC200, s8  }
0xe: {  	v0 =	vimm.f32 $0.0e+00;
	s7 =	sadd.s32 $0x1A00, s8;
	s8 =	sadd.s32 $0x2A000, s12;
	s12 =	simm.s32 $0x2780  }
.LBB2_1:
0xf: {  	[tilespmem:$0x6F00] =	vst v0  }
0x10: {  	[tilespmem:$0x6F10] =	vst v0  }
0x11: {  	[tilespmem:$0x6F20] =	vst v0  }
0x12: {  	[tilespmem:$0x6F30] =	vst v0  }
0x13: {  	[tilespmem:$0x6F40] =	vst v0  }
0x14: {  	[tilespmem:$0x6F50] =	vst v0  }
0x15: {  	[tilespmem:$0x6F60] =	vst v0  }
0x16: {  	[tilespmem:$0x6F70] =	vst v0  }
0x17: {  	[tilespmem:$0x6F80] =	vst v0  }
0x18: {  	[tilespmem:$0x6F90] =	vst v0  }
0x19: {  	[tilespmem:$0x6FA0] =	vst v0  }
0x1a: {  	[tilespmem:$0x6FB0] =	vst v0  }
0x1b: {  	[tilespmem:$0x6FC0] =	vst v0  }
0x1c: {  	[tilespmem:$0x6FD0] =	vst v0  }
0x1d: {  	[tilespmem:$0x6FE0] =	vst v0  }
0x1e: {  	[tilespmem:$0x6FF0] =	vst v0  }
0x1f: {  	[tilespmem:$0x7000] =	vst v0  }
0x20: {  	[tilespmem:$0x7010] =	vst v0  }
0x21: {  	[tilespmem:$0x7020] =	vst v0  }
0x22: {  	[tilespmem:$0x7030] =	vst v0  }
0x23: {  	[tilespmem:$0x7040] =	vst v0  }
0x24: {  	[tilespmem:$0x7050] =	vst v0  }
0x25: {  	[tilespmem:$0x7060] =	vst v0  }
0x26: {  	[tilespmem:$0x7070] =	vst v0  }
0x27: {  	[tilespmem:$0x7080] =	vst v0  }
0x28: {  	[tilespmem:$0x7090] =	vst v0  }
0x29: {  	[tilespmem:$0x70A0] =	vst v0  }
0x2a: {  	[tilespmem:$0x70B0] =	vst v0  }
0x2b: {  	[tilespmem:$0x70C0] =	vst v0  }
0x2c: {  	[tilespmem:$0x70D0] =	vst v0  }
0x2d: {  	[tilespmem:$0x70E0] =	vst v0  }
0x2e: {  	[tilespmem:$0x70F0] =	vst v0  }
0x2f: {  	[tilespmem:$0x7100] =	vst v0  }
0x30: {  	[tilespmem:$0x7110] =	vst v0  }
0x31: {  	[tilespmem:$0x7120] =	vst v0  }
0x32: {  	[tilespmem:$0x7130] =	vst v0  }
0x33: {  	[tilespmem:$0x7140] =	vst v0  }
0x34: {  	[tilespmem:$0x7150] =	vst v0  }
0x35: {  	[tilespmem:$0x7160] =	vst v0  }
0x36: {  	[tilespmem:$0x7170] =	vst v0  }
0x37: {  	[tilespmem:$0x7180] =	vst v0  }
0x38: {  	[tilespmem:$0x7190] =	vst v0  }
0x39: {  	[tilespmem:$0x71A0] =	vst v0  }
0x3a: {  	[tilespmem:$0x71B0] =	vst v0  }
0x3b: {  	[tilespmem:$0x71C0] =	vst v0  }
0x3c: {  	[tilespmem:$0x71D0] =	vst v0  }
0x3d: {  	[tilespmem:$0x71E0] =	vst v0  }
0x3e: {  	[tilespmem:$0x71F0] =	vst v0  }
0x3f: {  	[tilespmem:$0x7200] =	vst v0  }
0x40: {  	[tilespmem:$0x7210] =	vst v0  }
0x41: {  	[tilespmem:$0x7220] =	vst v0  }
0x42: {  	[tilespmem:$0x7230] =	vst v0  }
0x43: {  	[tilespmem:$0x7240] =	vst v0  }
0x44: {  	[tilespmem:$0x7250] =	vst v0  }
0x45: {  	[tilespmem:$0x7260] =	vst v0  }
0x46: {  	[tilespmem:$0x7270] =	vst v0  }
0x47: {  	[tilespmem:$0x7280] =	vst v0  }
0x48: {  	[tilespmem:$0x7290] =	vst v0  }
0x49: {  	[tilespmem:$0x72A0] =	vst v0  }
0x4a: {  	[tilespmem:$0x72B0] =	vst v0  }
0x4b: {  	[tilespmem:$0x72C0] =	vst v0  }
0x4c: {  	[tilespmem:$0x72D0] =	vst v0  }
0x4d: {  	[tilespmem:$0x72E0] =	vst v0  }
0x4e: {  	[tilespmem:$0x72F0] =	vst v0;
	s18 =	sadd.s32 $0x0, s5  }
0x4f: {  	[spmem:s18] =	stream.linear.scatter [tilespmem:s10], [sflag:$0x2], $0x400, $0x38;
	[tilespmem:$0x11300] =	vst v63  }
0x50: {  	s18 =	simm.s32 $0x1000;
	_ =	swait.ge [sflag:s11], $0x400  }
.LBB2_2:
0x51: {  	s19 =	sshra.s32 s18, $0x2;
	[sflag:s11] =	ssyncset.done $0x0;
	p0 =	sne.s32 s18, $0x27000  }
.Ltmp0:
0x52: {  	s19 =	sadd.s32 s19, s5;
	[sflag:s11] =	ssyncadd.s32 $0xFFFFFC00;
	(pc) =	sbr.rel @p0 .LBB2_2-.Ltmp0, $3  }
0x53: {  	[spmem:s19] =	stream.linear.scatter [tilespmem:s10], [sflag:$0x2], $0x400, $0x38;
	[tilespmem:$0x11300] =	vst v63  }
0x54: {  	s18 =	sadd.s32 $0x1000, s18;
	_ =	sdelay $0x1  }
0x55: {  	_ =	swait.ge [sflag:s11], $0x400  }
0x56: {  	[sflag:s11] =	ssyncset.done $0x0  }
0x57: {  	[sflag:s11] =	ssyncadd.s32 $0xFFFFFC00  }
0x58: {  	s18 =	simm.s32 $0x0;
	[bflag:$0x0] =	sbarrier.arrive $0xFFFF  }
0x59: {  	[tilespmem:s18], [sflag:$0x2] =	stream.linear.gather [hbm4b:s6+s18], $0x2780, $0x38;
	[tilespmem:$0x11300] =	vst v63  }
0x5a: {  	_ =	swait.ge [sflag:s11], $0x2780  }
0x5b: {  	[sflag:s11] =	ssyncset.done $0x0  }
0x5c: {  	[sflag:s11] =	ssyncadd.s32 $0xFFFFD880  }
0x5d: {  	[tilespmem:s12], [sflag:$0x2] =	stream.linear.gather [hbm4b:s7+s18], $0x2780, $0x38;
	[tilespmem:$0x11300] =	vst v63  }
0x5e: {  	_ =	swait.ge [sflag:s11], $0x2780  }
0x5f: {  	[sflag:s11] =	ssyncset.done $0x0  }
0x60: {  	s30 =	simm.s32 $0x0;
	[sflag:s11] =	ssyncadd.s32 $0xFFFFD880  }
0x61: {  	[tilespmem:s14], [sflag:$0x1] =	stream.indirect.gather [hbm4b:s4+s13], $0x40, s30, s13, $0xb8;
	[tilespmem:$0x11300] =	vst v63  }
0x62: {  	_ =	swait.ge [sflag:s15], $0x2000  }
0x63: {  	[sflag:s15] =	ssyncset.done $0x0  }
0x64: {  	s31 =	simm.s32 $0x2780;
	[sflag:s15] =	ssyncadd.s32 $0xFFFFE000  }
0x65: {  	[spmem:s2] =	stream.indirect.scatter.add.f32 [tilespmem:s14], [sflag:$0x2], $0x40, s31, s13, $0xb8;
	[tilespmem:$0x11300] =	vst v63  }
0x66: {  	_ =	swait.ge [sflag:s11], $0x2000  }
0x67: {  	s19 =	simm.s32 $0x400;
	s18 =	simm.s32 $0x200;
	[sflag:s11] =	ssyncset.done $0x0  }
.LBB2_4:
0x68: {  	s20 =	sshra.s32 s18, $0x2  }
0x69: {  	[sflag:s11] =	ssyncadd.s32 $0xFFFFE000;
	s18 =	smov.u32 s19;
	s21 =	sadd.s32 $0x200, s19  }
0x6a: {  	[tilespmem:s14], [sflag:$0x1] =	stream.indirect.gather [hbm4b:s4+s13], $0x40, s20, s13, $0xb8;
	[tilespmem:$0x11300] =	vst v63  }
0x6b: {  	p0 =	sne.s32 s19, $0x9C00;
	_ =	swait.ge [sflag:s15], $0x2000  }
.Ltmp1:
0x6c: {  	[sflag:s15] =	ssyncset.done $0x0;
	(pc) =	sbr.rel @p0 .LBB2_4-.Ltmp1, $4  }
0x6d: {  	s19 =	sadd.s32 $0x2780, s20;
	[sflag:s15] =	ssyncadd.s32 $0xFFFFE000  }
0x6e: {  	[spmem:s2] =	stream.indirect.scatter.add.f32 [tilespmem:s14], [sflag:$0x2], $0x40, s19, s13, $0xb8;
	[tilespmem:$0x11300] =	vst v63  }
0x6f: {  	_ =	swait.ge [sflag:s11], $0x2000  }
0x70: {  	s19 =	smov.u32 s21;
	[sflag:s11] =	ssyncset.done $0x0  }
0x71: {  	s18 =	sshra.s32 s18, $0x2;
	[sflag:s11] =	ssyncadd.s32 $0xFFFFE000  }
0x72: {  	[tilespmem:s14], [sflag:$0x1] =	stream.indirect.gather [hbm4b:s4+s13], $0x40, s18, s13, $0xb8;
	[tilespmem:$0x11300] =	vst v63  }
0x73: {  	_ =	swait.ge [sflag:s15], $0x2000  }
0x74: {  	[sflag:s15] =	ssyncset.done $0x0  }
0x75: {  	s18 =	sadd.s32 $0x2780, s18;
	[sflag:s15] =	ssyncadd.s32 $0xFFFFE000  }
0x76: {  	[spmem:s2] =	stream.indirect.scatter.add.f32 [tilespmem:s14], [sflag:$0x2], $0x40, s18, s13, $0xb8;
	[tilespmem:$0x11300] =	vst v63  }
0x77: {  	_ =	swait.ge [sflag:s11], $0x2000  }
0x78: {  	s3 =	sadd.s32 $0x1, s3;
	[sflag:s11] =	ssyncset.done $0x0  }
0x79: {  	p0 =	sne.s32 s3, s9;
	[sflag:s11] =	ssyncadd.s32 $0xFFFFE000  }
.Ltmp2:
0x7a: {  	[bflag:$0x0] =	sbarrier.arrive $0xFFFF;
	(pc) =	sbr.rel @p0 .LBB2_1-.Ltmp2, $4  }
0x7b: {  	[hbm:s8], [sflag:s16] =	dma.local [spmem:s17], $0x1400  }
0x7c: {  	_ =	swait.ge [sflag:s11], $0x1400  }
0x7d: {  	[sflag:s11] =	ssyncset.done $0x0  }
0x7e: {  	[sflag:s11] =	ssyncadd.s32 $0xFFFFEC00  }
0x7f: {  	_ =	sfence.sel $0x180000  }
0x80: {  	[bflag:$0x0] =	sbarrier.arrive $0xFFFF  }
0x81: {  	p0 =	sne.s32 s1, $0x0;
	_ =	strace $0x9000004A  }
0x82: {  	s0 =	sadd.s32 @!p0 $0x100000, s0;
	[bflag:$0x2] =	sbarrier.arrive $0xFFFF  }
0x83: {  	[sflag:s0] =	ssyncadd.tile.s32 @!p0 $0x1;
	_ =	shalt  }
.Lfunc_end2:
_tile_overlayer_lowered:
.L_overlay_start_2:
0x84: {  	(tag) =	ssettag $0x2  }
0x85: {  	s0 =	rddreg [dreg:$0x0];
	s2 =	stileid.u32  }
0x86: {  	s1 =	rddreg [dreg:$0x1];
	p0 =	sne.s32 s2, $0x0  }
0x87: {  	s3 =	rddreg [dreg:$0x2];
	[bflag:$0x3] =	sbarrier.arrive $0xFFFF;
	s2 =	simm.s32 @!p0 $0x1C02  }
0x88: {  	[timem:s3], [sflag:s2] =	dma.local @!p0 [hbm:s0], s1  }
0x89: {  	s0 =	simm.s32 @!p0 $0x2  }
0x8a: {  	_ =	swait.ge @!p0 [sflag:s0], s1  }
0x8b: {  	s1 =	ssub.s32 @!p0 $0x0, s1;
	[sflag:s0] =	ssyncset.done @!p0 $0x0  }
0x8c: {  	[sflag:s0] =	ssyncadd.s32 @!p0 s1  }
0x8d: {  	[bflag:$0x3] =	sbarrier.arrive $0xFFFF  }
0x8e: {  	_ =	shalt  }

// kernel: kernel.14.cloned.1.call-start
scs
__scs_entry_jumppad:
0x0: {  	(pc) =	sbr.rel $0x88, $3  }
0x1: {  	(tag) =	ssettag $0x0;
	lr =	simm.s32 $0x1  }
0x2: {  	[smem:$0x3F99] =	sst lr;
	_ =	strace $0xD0000000  }
0x3: {  	_ = 	snop  }
0x4: {  	_ = 	snop  }
0x5: {  	_ = 	snop  }
0x6: {  	_ = 	snop  }
0x7: {  	_ = 	snop  }
__scs_overlays_trampoline_lowered:
0x8: {  	[smem:$0x3FA8] =	sst s0  }
0x9: {  	[smem:$0x3FA9] =	sst s1  }
0xa: {  	[smem:$0x3FAA] =	sst s2  }
0xb: {  	[smem:$0x3FAB] =	sst s3  }
0xc: {  	[smem:$0x3FAC] =	sst s4  }
0xd: {  	[smem:$0x3FAD] =	sst s5  }
0xe: {  	[smem:$0x3FAE] =	sst s6  }
0xf: {  	[smem:$0x3FAF] =	sst s7  }
0x10: {  	[smem:$0x3FB0] =	sst s8  }
0x11: {  	[smem:$0x3FB1] =	sst s9;
	s0 =	simm.s32 @!p0 $0x0  }
0x12: {  	s1 =	sld [smem:$0x3F97];
	s0 =	simm.s32 @p0 $0x1  }
0x13: {  	[smem:$0x3FB2] =	sst s0;
	s0 =	simm.s32 @!p1 $0x0  }
0x14: {  	s2 =	sld [smem:$0x3F96];
	s0 =	simm.s32 @p1 $0x1  }
0x15: {  	[smem:$0x3FB3] =	sst s0;
	s0 =	simm.s32 @!p2 $0x0  }
0x16: {  	s3 =	sld [smem:$0x3FDB];
	s0 =	simm.s32 @p2 $0x1  }
0x17: {  	s4 =	simm.s32 $0x1BF5;
	[smem:$0x3FB5] =	sst s0  }
0x18: {  	s0 =	sld [smem:$0x3F98];
	_ =	swait.ge [sflag:s4], $0x0  }
0x19: {  	s7 =	sld [smem:$0x3F99]  }
0x1a: {  	s8 =	sadd.s32 $0xFFFFE003, lr  }
0x1b: {  	s9 =	sadd.s32 $0xFFFFFEF7, lr;
	s5 =	simm.s32 $0xFFFFFFFF;
	p2 =	slt.u32 s8, $0xFFFFF086  }
0x1c: {  	p1 =	slt.u32 s9, $0xF7A;
	s5 =	simm.s32 @!p2 $0x0  }
0x1d: {  	s5 =	simm.s32 @p1 $0x1;
	p0 =	seq.s32 s7, s2  }
0x1e: {  	s7 =	smul.u32 @!p0 $0xF7A, s2;
	p2 =	seq.s32 @!p0 s5, $0x0  }
0x1f: {  	s9 =	smul.u32 $0xF7A, s1;
	s8 =	simm.s32 @!p0 $0x1BF5;
	p2 =	por !p2, p0  }
0x20: {  	[sflag:s8] =	ssyncset.s32 @!p0 $0xFFFFF086;
	s6 =	sadd.s32 @!p0 s3, s7;
	s7 =	simm.s32 @!p0 $0x108  }
0x21: {  	s3 =	sadd.s32 s3, s9;
	s6 =	sadd.s32 @!p0 $0x88, s6;
	s7 =	simm.s32 @p2 $0x1082  }
0x22: {  	[simem:s7], [sflag:s8] =	dma.local @!p0 [hbm:s6], $0xF7A  }
0x23: {  	s9 =	sor.u32 $0xD0000000, s2;
	s6 =	simm.s32 $0x108;
	_ =	swait.ge @!p0 [sflag:s8], $0x0  }
0x24: {  	s3 =	sadd.s32 $0x88, s3;
	s6 =	simm.s32 @!p1 $0x1082;
	[sflag:s4] =	ssyncset.s32 $0xFFFFF086  }
0x25: {  	[simem:s6], [sflag:s4] =	dma.local [hbm:s3], $0xF7A  }
0x26: {  	[smem:$0x3F99] =	sst s1;
	(tag) =	ssettag s2;
	_ =	strace s9  }
0x27: {  	s1 =	sld [smem:$0x3FA9]  }
0x28: {  	s2 =	sld [smem:$0x3FAA]  }
0x29: {  	s4 =	sld [smem:$0x3FAC]  }
0x2a: {  	p0 =	seq.s32 s5, $0x0;
	s5 =	sld [smem:$0x3FAD]  }
0x2b: {  	s6 =	sld [smem:$0x3FAE]  }
0x2c: {  	s7 =	sld [smem:$0x3FAF]  }
0x2d: {  	s3 =	simm.s32 $0x108;
	s8 =	sld [smem:$0x3FB0]  }
0x2e: {  	s3 =	simm.s32 @!p0 $0x1082;
	s9 =	sld [smem:$0x3FB1]  }
0x2f: {  	lr =	sadd.s32 s0, s3;
	s0 =	sld [smem:$0x3FA8]  }
0x30: {  	s3 =	sld [smem:$0x3FAB]  }
0x31: {  	[smem:$0x3FB4] =	sst s10  }
0x32: {  	s10 =	sld [smem:$0x3FB2];
	_ =	sdelay $0x3  }
0x33: {  	p0 =	seq.s32 s10, $0x1;
	s10 =	sld [smem:$0x3FB4];
	_ =	sdelay $0x3  }
0x34: {  	[smem:$0x3FB4] =	sst s10  }
0x35: {  	s10 =	sld [smem:$0x3FB3];
	_ =	sdelay $0x3  }
0x36: {  	p1 =	seq.s32 s10, $0x1;
	s10 =	sld [smem:$0x3FB4];
	_ =	sdelay $0x3  }
0x37: {  	[smem:$0x3FB4] =	sst s10  }
0x38: {  	s10 =	sld [smem:$0x3FB5]  }
0x39: {  	_ = 	snop;
	(pc) =	sbr.ind lr, $3  }
0x3a: {  	_ = 	snop  }
0x3b: {  	_ = 	snop  }
0x3c: {  	p2 =	seq.s32 s10, $0x1;
	s10 =	sld [smem:$0x3FB4]  }
0x3d: {  	_ =	shalt  }
0x3e: {  	_ =	shalt  }
0x3f: {  	_ =	shalt  }
0x40: {  	_ =	shalt  }
0x41: {  	_ =	shalt  }
0x42: {  	_ =	shalt  }
0x43: {  	_ =	shalt  }
0x44: {  	_ =	shalt  }
0x45: {  	_ =	shalt  }
0x46: {  	_ =	shalt  }
0x47: {  	_ =	shalt  }
0x48: {  	_ =	shalt  }
0x49: {  	_ =	shalt  }
0x4a: {  	_ =	shalt  }
0x4b: {  	_ =	shalt  }
0x4c: {  	_ =	shalt  }
0x4d: {  	_ =	shalt  }
0x4e: {  	_ =	shalt  }
0x4f: {  	_ =	shalt  }
0x50: {  	_ =	shalt  }
0x51: {  	_ =	shalt  }
0x52: {  	_ =	shalt  }
0x53: {  	_ =	shalt  }
0x54: {  	_ =	shalt  }
0x55: {  	_ =	shalt  }
0x56: {  	_ =	shalt  }
0x57: {  	_ =	shalt  }
0x58: {  	_ =	shalt  }
0x59: {  	_ =	shalt  }
0x5a: {  	_ =	shalt  }
0x5b: {  	_ =	shalt  }
0x5c: {  	_ =	shalt  }
0x5d: {  	_ =	shalt  }
0x5e: {  	_ =	shalt  }
0x5f: {  	_ =	shalt  }
0x60: {  	_ =	shalt  }
0x61: {  	_ =	shalt  }
0x62: {  	_ =	shalt  }
0x63: {  	_ =	shalt  }
0x64: {  	_ =	shalt  }
0x65: {  	_ =	shalt  }
0x66: {  	_ =	shalt  }
0x67: {  	_ =	shalt  }
0x68: {  	_ =	shalt  }
0x69: {  	_ =	shalt  }
0x6a: {  	_ =	shalt  }
0x6b: {  	_ =	shalt  }
0x6c: {  	_ =	shalt  }
0x6d: {  	_ =	shalt  }
0x6e: {  	_ =	shalt  }
0x6f: {  	_ =	shalt  }
0x70: {  	_ =	shalt  }
0x71: {  	_ =	shalt  }
0x72: {  	_ =	shalt  }
0x73: {  	_ =	shalt  }
0x74: {  	_ =	shalt  }
0x75: {  	_ =	shalt  }
0x76: {  	_ =	shalt  }
0x77: {  	_ =	shalt  }
0x78: {  	_ =	shalt  }
0x79: {  	_ =	shalt  }
0x7a: {  	_ =	shalt  }
0x7b: {  	_ =	shalt  }
0x7c: {  	_ =	shalt  }
0x7d: {  	_ =	shalt  }
0x7e: {  	_ =	shalt  }
0x7f: {  	_ =	shalt  }
0x80: {  	_ =	shalt  }
0x81: {  	_ =	shalt  }
0x82: {  	_ =	shalt  }
0x83: {  	_ =	shalt  }
0x84: {  	_ =	shalt  }
0x85: {  	_ =	shalt  }
0x86: {  	_ =	shalt  }
0x87: {  	_ =	shalt  }
.Lfunc_end0:
.L_simem_size_0:
called_computation.2_lowered:
.L_overlay_start_0:
0x88: {  	s2 =	sld [smem:$0x3FD9]  }
0x89: {  	s3 =	sld [smem:$0x3FFE];
	_ =	sdelay $0x1  }
0x8a: {  	s1 =	srdreg.scid  }
0x8b: {  	s0 =	sand.u32 $0x1, s1  }
0x8c: {  	s16 =	sshll.u32 s0, $0xA;
	s2 =	sadd.s32 s3, s2  }
0x8d: {  	s2 =	sadd.s32 s2, s16  }
0x8e: {  	[smem:$0x3FC0] =	sst s2  }
0x8f: {  	_ = 	snop  }
0x90: {  	(tm) =	ssettm $0x1  }
0x91: {  	s17 =	sld [smem:$0x3FFB];
	_ =	sdelay $0x3  }
0x92: {  	_ =	strace s17  }
0x93: {  	s2 =	sld [smem:$0x3FFC];
	_ =	sdelay $0x3  }
0x94: {  	_ =	strace s2  }
0x95: {  	s2 =	sld [smem:$0x3FFD];
	_ =	sdelay $0x3  }
0x96: {  	_ =	strace s2  }
0x97: {  	_ =	strace $0x8FFFFFFF  }
0x98: {  	s18 =	sld [smem:$0x3FDB];
	_ =	sdelay $0x1  }
0x99: {  	s19 =	simm.s32 $_scs_section_size  }
0x9a: {  	s4 =	simm.s32 $_size__tile_overlayer_lowered;
	s5 =	simm.s32 $_tile_overlayer_lowered  }
0x9b: {  	s22 =	simm.s32 $0x1BFF;
	s21 =	sshll.u32 s5, $0x1;
	s2 =	sadd.s32 s19, s18  }
0x9c: {  	s6 =	simm.s32 $0x0;
	s20 =	sshll.u32 s4, $0x1;
	s4 =	sadd.s32 s21, s2  }
0x9d: {  	[timem:s6], [sflag:s22] =	dma.local [hbm:s4], s20  }
0x9e: {  	_ =	swait.ge [sflag:s22], s20  }
0x9f: {  	s3 =	ssub.s32 $0x0, s20;
	[sflag:s22] =	ssyncset.done $0x0  }
0xa0: {  	[sflag:s22] =	ssyncadd.s32 s3;
	_ =	sdelay $0x1  }
0xa1: {  	s23 =	simm.s32 $0x1B8B  }
0xa2: {  	_ =	swait.ge [sflag:s23], $0x1  }
0xa3: {  	[sflag:s23] =	ssyncset.done $0x0  }
0xa4: {  	s25 =	simm.s32 $0x1B8E;
	s24 =	sld [smem:$0x3FFE];
	[sflag:s23] =	ssyncadd.s32 $0xFFFFFFFF  }
0xa5: {  	s26 =	simm.s32 $execute0_lowered;
	[smem:$0x3FD2] =	sst s25  }
0xa6: {  	s4 =	sshll.u32 s26, $0x1;
	_ =	strace $0x8000004C;
	[dreg:$0x1] =	wrdreg $0xFFFFFFFF  }
0xa7: {  	s28 =	simm.s32 $_size_execute0_lowered;
	s2 =	sadd.s32 s2, s4;
	[dreg:$0x0] =	wrdreg $0x0  }
0xa8: {  	s4 =	sshll.u32 s28, $0x1;
	[dreg:$0x2] =	wrdreg s2  }
0xa9: {  	[dreg:$0x3] =	wrdreg s4  }
0xaa: {  	[dreg:$0x4] =	wrdreg $0xC0  }
0xab: {  	_ =	task [dreg:s6], $0x5FFFF  }
0xac: {  	[dreg:$0x1] =	wrdreg $0xFFFFFFFF  }
0xad: {  	[dreg:$0x0] =	wrdreg $0x60  }
0xae: {  	[dreg:$0x2] =	wrdreg s24  }
0xaf: {  	[dreg:$0x3] =	wrdreg $0x61000  }
0xb0: {  	[dreg:$0x4] =	wrdreg $0x9  }
0xb1: {  	_ =	task.clear_ibuf [dreg:s6], $0x5FFFF;
	_ =	strace $0x9000004C  }
0xb2: {  	s29 =	simm.s32 $0x9;
	_ =	strace $0x8000004E  }
0xb3: {  	_ =	swait.ge [sflag:s29], $0x1  }
0xb4: {  	[sflag:s29] =	ssyncadd.s32 $0xFFFFFFFF  }
0xb5: {  	_ =	strace $0x9000004E  }
0xb6: {  	_ =	sfence  }
0xb7: {  	s30 =	sld [smem:$0x0];
	_ =	sdelay $0x2  }
0xb8: {  	s31 =	sshll.u32 s1, $0xD;
	s1 =	sshrl.u32 s1, $0x2  }
0xb9: {  	s3 =	sand.u32 $0x4000, s31;
	s1 =	sadd.s32 s1, s30  }
0xba: {  	s0 =	sor.u32 s3, s0;
	s1 =	sshll.u32 s1, $0x11  }
0xbb: {  	s0 =	sor.u32 s1, s0  }
0xbc: {  	s0 =	sadd.s32 $0x8F2B, s0  }
0xbd: {  	[sflag:s0] =	ssyncadd.remote.s32 $0x1  }
0xbe: {  	_ =	sfence.sel $0xFFFF  }
0xbf: {  	[dreg:$0x0] =	wrdreg $0xFFFFFFFF;
	(pc) =	sbr.abs _section_cstart, $3  }
0xc0: {  	[dreg:$0x1] =	wrdreg $0xFFFFFFFF  }
0xc1: {  	_ =	task.clear_ibuf [dreg:s6], $0x2FFFF;
	_ =	strace $0x9FFFFFFF  }
0xc2: {  	(tm) =	ssettm $0x7FFFFFFF  }
0xc3: {  	_ =	shalt  }
tec
execute0_lowered:
.L_overlay_start_1:
0x0: {  	(tag) =	ssettag $0x1  }
0x1: {  	s5 =	rddreg [dreg:$0x0]  }
0x2: {  	s2 =	rddreg [dreg:$0x1];
	s3 =	srdreg.scid  }
0x3: {  	s0 =	rddreg [dreg:$0x2];
	s1 =	stileid.u32;
	s13 =	simm.s32 $0x80  }
0x4: {  	s14 =	simm.s32 $0x4F00;
	s15 =	simm.s32 $0x1;
	s9 =	smul.u32 $0x5000, s1  }
0x5: {  	s6 =	sand.u32 $0x1, s3;
	s3 =	simm.s32 $0x0;
	s10 =	smul.u32 $0x14000, s1  }
0x6: {  	s4 =	sshll.u32 s1, $0x1;
	s16 =	sshll.u32 s1, $0x6;
	s7 =	smul.u32 $0x50000, s6  }
0x7: {  	[smem:$0x7FF] =	sst s3;
	s8 =	sor.u32 s6, s4;
	s4 =	sadd.s32 $0x16000, s5  }
0x8: {  	s6 =	ssub.s32 $0x2, s6;
	s16 =	sor.u32 $0x1C02, s16;
	_ =	strace $0x8000004D  }
0x9: {  	s8 =	smul.u32 $0x4F0, s8;
	s11 =	sshrl.u32 s6, $0x1;
	s31 =	sshrl.u32 s10, $0x2  }
0xa: {  	s17 =	sadd.s32 s9, s2;
	s10 =	simm.s32 $0x5F00;
	s7 =	sadd.s32 s9, s7  }
0xb: {  	s11 =	ssub.s32 s6, s11;
	s17 =	sshrl.u32 s17, $0x3;
	s8 =	sadd.s32 s8, s5  }
0xc: {  	s7 =	sshrl.u32 s7, $0x3;
	s9 =	smax.u32 s11, $0x1;
	s11 =	simm.s32 $0x2  }
0xd: {  	s12 =	sadd.s32 s7, s5;
	s5 =	sadd.s32 s31, s2;
	s6 =	sadd.s32 $0xC200, s8  }
0xe: {  	v0 =	vimm.f32 $0.0e+00;
	s7 =	sadd.s32 $0x1A00, s8;
	s8 =	sadd.s32 $0x20000, s12;
	s12 =	simm.s32 $0x2780  }
.LBB2_1:
0xf: {  	[tilespmem:$0x5F00] =	vst v0  }
0x10: {  	[tilespmem:$0x5F10] =	vst v0  }
0x11: {  	[tilespmem:$0x5F20] =	vst v0  }
0x12: {  	[tilespmem:$0x5F30] =	vst v0  }
0x13: {  	[tilespmem:$0x5F40] =	vst v0  }
0x14: {  	[tilespmem:$0x5F50] =	vst v0  }
0x15: {  	[tilespmem:$0x5F60] =	vst v0  }
0x16: {  	[tilespmem:$0x5F70] =	vst v0  }
0x17: {  	[tilespmem:$0x5F80] =	vst v0  }
0x18: {  	[tilespmem:$0x5F90] =	vst v0  }
0x19: {  	[tilespmem:$0x5FA0] =	vst v0  }
0x1a: {  	[tilespmem:$0x5FB0] =	vst v0  }
0x1b: {  	[tilespmem:$0x5FC0] =	vst v0  }
0x1c: {  	[tilespmem:$0x5FD0] =	vst v0  }
0x1d: {  	[tilespmem:$0x5FE0] =	vst v0  }
0x1e: {  	[tilespmem:$0x5FF0] =	vst v0  }
0x1f: {  	[tilespmem:$0x6000] =	vst v0  }
0x20: {  	[tilespmem:$0x6010] =	vst v0  }
0x21: {  	[tilespmem:$0x6020] =	vst v0  }
0x22: {  	[tilespmem:$0x6030] =	vst v0  }
0x23: {  	[tilespmem:$0x6040] =	vst v0  }
0x24: {  	[tilespmem:$0x6050] =	vst v0  }
0x25: {  	[tilespmem:$0x6060] =	vst v0  }
0x26: {  	[tilespmem:$0x6070] =	vst v0  }
0x27: {  	[tilespmem:$0x6080] =	vst v0  }
0x28: {  	[tilespmem:$0x6090] =	vst v0  }
0x29: {  	[tilespmem:$0x60A0] =	vst v0  }
0x2a: {  	[tilespmem:$0x60B0] =	vst v0  }
0x2b: {  	[tilespmem:$0x60C0] =	vst v0  }
0x2c: {  	[tilespmem:$0x60D0] =	vst v0  }
0x2d: {  	[tilespmem:$0x60E0] =	vst v0  }
0x2e: {  	[tilespmem:$0x60F0] =	vst v0;
	s18 =	sadd.s32 $0x0, s5  }
0x2f: {  	[spmem:s18] =	stream.linear.scatter [tilespmem:s10], [sflag:$0x2], $0x200, $0x38;
	[tilespmem:$0xB100] =	vst v63  }
0x30: {  	s18 =	simm.s32 $0x800;
	_ =	swait.ge [sflag:s11], $0x200  }
.LBB2_2:
0x31: {  	s19 =	sshra.s32 s18, $0x2;
	[sflag:s11] =	ssyncset.done $0x0;
	p0 =	sne.s32 s18, $0x13800  }
.Ltmp0:
0x32: {  	s19 =	sadd.s32 s19, s5;
	[sflag:s11] =	ssyncadd.s32 $0xFFFFFE00;
	(pc) =	sbr.rel @p0 .LBB2_2-.Ltmp0, $3  }
0x33: {  	[spmem:s19] =	stream.linear.scatter [tilespmem:s10], [sflag:$0x2], $0x200, $0x38;
	[tilespmem:$0xB100] =	vst v63  }
0x34: {  	s18 =	sadd.s32 $0x800, s18;
	_ =	sdelay $0x1  }
0x35: {  	_ =	swait.ge [sflag:s11], $0x200  }
0x36: {  	[sflag:s11] =	ssyncset.done $0x0  }
0x37: {  	[sflag:s11] =	ssyncadd.s32 $0xFFFFFE00  }
0x38: {  	s18 =	simm.s32 $0x0;
	[bflag:$0x0] =	sbarrier.arrive $0xFFFF  }
0x39: {  	[tilespmem:s18], [sflag:$0x2] =	stream.linear.gather [hbm4b:s6+s18], $0x2780, $0x38;
	[tilespmem:$0xB100] =	vst v63  }
0x3a: {  	_ =	swait.ge [sflag:s11], $0x2780  }
0x3b: {  	[sflag:s11] =	ssyncset.done $0x0  }
0x3c: {  	[sflag:s11] =	ssyncadd.s32 $0xFFFFD880  }
0x3d: {  	[tilespmem:s12], [sflag:$0x2] =	stream.linear.gather [hbm4b:s7+s18], $0x2780, $0x38;
	[tilespmem:$0xB100] =	vst v63  }
0x3e: {  	_ =	swait.ge [sflag:s11], $0x2780  }
0x3f: {  	[sflag:s11] =	ssyncset.done $0x0  }
0x40: {  	s30 =	simm.s32 $0x0;
	[sflag:s11] =	ssyncadd.s32 $0xFFFFD880  }
0x41: {  	[tilespmem:s14], [sflag:$0x1] =	stream.indirect.gather [hbm4b:s4+s13], $0x20, s30, s13, $0xb8;
	[tilespmem:$0xB100] =	vst v63  }
0x42: {  	_ =	swait.ge [sflag:s15], $0x1000  }
0x43: {  	[sflag:s15] =	ssyncset.done $0x0  }
0x44: {  	s31 =	simm.s32 $0x2780;
	[sflag:s15] =	ssyncadd.s32 $0xFFFFF000  }
0x45: {  	[spmem:s2] =	stream.indirect.scatter.add.f32 [tilespmem:s14], [sflag:$0x2], $0x20, s31, s13, $0xb8;
	[tilespmem:$0xB100] =	vst v63  }
0x46: {  	_ =	swait.ge [sflag:s11], $0x1000  }
0x47: {  	s19 =	simm.s32 $0x400;
	s18 =	simm.s32 $0x200;
	[sflag:s11] =	ssyncset.done $0x0  }
.LBB2_4:
0x48: {  	s20 =	sshra.s32 s18, $0x2  }
0x49: {  	[sflag:s11] =	ssyncadd.s32 $0xFFFFF000;
	s18 =	smov.u32 s19;
	s21 =	sadd.s32 $0x200, s19  }
0x4a: {  	[tilespmem:s14], [sflag:$0x1] =	stream.indirect.gather [hbm4b:s4+s13], $0x20, s20, s13, $0xb8;
	[tilespmem:$0xB100] =	vst v63  }
0x4b: {  	p0 =	sne.s32 s19, $0x9C00;
	_ =	swait.ge [sflag:s15], $0x1000  }
.Ltmp1:
0x4c: {  	[sflag:s15] =	ssyncset.done $0x0;
	(pc) =	sbr.rel @p0 .LBB2_4-.Ltmp1, $4  }
0x4d: {  	s19 =	sadd.s32 $0x2780, s20;
	[sflag:s15] =	ssyncadd.s32 $0xFFFFF000  }
0x4e: {  	[spmem:s2] =	stream.indirect.scatter.add.f32 [tilespmem:s14], [sflag:$0x2], $0x20, s19, s13, $0xb8;
	[tilespmem:$0xB100] =	vst v63  }
0x4f: {  	_ =	swait.ge [sflag:s11], $0x1000  }
0x50: {  	s19 =	smov.u32 s21;
	[sflag:s11] =	ssyncset.done $0x0  }
0x51: {  	s18 =	sshra.s32 s18, $0x2;
	[sflag:s11] =	ssyncadd.s32 $0xFFFFF000  }
0x52: {  	[tilespmem:s14], [sflag:$0x1] =	stream.indirect.gather [hbm4b:s4+s13], $0x20, s18, s13, $0xb8;
	[tilespmem:$0xB100] =	vst v63  }
0x53: {  	_ =	swait.ge [sflag:s15], $0x1000  }
0x54: {  	[sflag:s15] =	ssyncset.done $0x0  }
0x55: {  	s18 =	sadd.s32 $0x2780, s18;
	[sflag:s15] =	ssyncadd.s32 $0xFFFFF000  }
0x56: {  	[spmem:s2] =	stream.indirect.scatter.add.f32 [tilespmem:s14], [sflag:$0x2], $0x20, s18, s13, $0xb8;
	[tilespmem:$0xB100] =	vst v63  }
0x57: {  	_ =	swait.ge [sflag:s11], $0x1000  }
0x58: {  	s3 =	sadd.s32 $0x1, s3;
	[sflag:s11] =	ssyncset.done $0x0  }
0x59: {  	p0 =	sne.s32 s3, s9;
	[sflag:s11] =	ssyncadd.s32 $0xFFFFF000  }
.Ltmp2:
0x5a: {  	[bflag:$0x0] =	sbarrier.arrive $0xFFFF;
	(pc) =	sbr.rel @p0 .LBB2_1-.Ltmp2, $4  }
0x5b: {  	[hbm:s8], [sflag:s16] =	dma.local [spmem:s17], $0xA00  }
0x5c: {  	_ =	swait.ge [sflag:s11], $0xA00  }
0x5d: {  	[sflag:s11] =	ssyncset.done $0x0  }
0x5e: {  	[sflag:s11] =	ssyncadd.s32 $0xFFFFF600  }
0x5f: {  	_ =	sfence.sel $0x180000  }
0x60: {  	[bflag:$0x0] =	sbarrier.arrive $0xFFFF  }
0x61: {  	p0 =	sne.s32 s1, $0x0;
	_ =	strace $0x9000004D  }
0x62: {  	s0 =	sadd.s32 @!p0 $0x100000, s0;
	[bflag:$0x2] =	sbarrier.arrive $0xFFFF  }
0x63: {  	[sflag:s0] =	ssyncadd.tile.s32 @!p0 $0x1;
	_ =	shalt  }
.Lfunc_end2:
_tile_overlayer_lowered:
.L_overlay_start_2:
0x64: {  	(tag) =	ssettag $0x2  }
0x65: {  	s0 =	rddreg [dreg:$0x0];
	s2 =	stileid.u32  }
0x66: {  	s1 =	rddreg [dreg:$0x1];
	p0 =	sne.s32 s2, $0x0  }
0x67: {  	s3 =	rddreg [dreg:$0x2];
	[bflag:$0x3] =	sbarrier.arrive $0xFFFF;
	s2 =	simm.s32 @!p0 $0x1C02  }
0x68: {  	[timem:s3], [sflag:s2] =	dma.local @!p0 [hbm:s0], s1  }
0x69: {  	s0 =	simm.s32 @!p0 $0x2  }
0x6a: {  	_ =	swait.ge @!p0 [sflag:s0], s1  }
0x6b: {  	s1 =	ssub.s32 @!p0 $0x0, s1;
	[sflag:s0] =	ssyncset.done @!p0 $0x0  }
0x6c: {  	[sflag:s0] =	ssyncadd.s32 @!p0 s1  }
0x6d: {  	[bflag:$0x3] =	sbarrier.arrive $0xFFFF  }
0x6e: {  	_ =	shalt  }

// kernel: kernel.8.cloned.1.call-start
scs
__scs_entry_jumppad:
0x0: {  	(pc) =	sbr.rel $0x88, $3  }
0x1: {  	(tag) =	ssettag $0x0;
	lr =	simm.s32 $0x1  }
0x2: {  	[smem:$0x3F99] =	sst lr;
	_ =	strace $0xD0000000  }
0x3: {  	_ = 	snop  }
0x4: {  	_ = 	snop  }
0x5: {  	_ = 	snop  }
0x6: {  	_ = 	snop  }
0x7: {  	_ = 	snop  }
__scs_overlays_trampoline_lowered:
0x8: {  	[smem:$0x3FA8] =	sst s0  }
0x9: {  	[smem:$0x3FA9] =	sst s1  }
0xa: {  	[smem:$0x3FAA] =	sst s2  }
0xb: {  	[smem:$0x3FAB] =	sst s3  }
0xc: {  	[smem:$0x3FAC] =	sst s4  }
0xd: {  	[smem:$0x3FAD] =	sst s5  }
0xe: {  	[smem:$0x3FAE] =	sst s6  }
0xf: {  	[smem:$0x3FAF] =	sst s7  }
0x10: {  	[smem:$0x3FB0] =	sst s8  }
0x11: {  	[smem:$0x3FB1] =	sst s9;
	s0 =	simm.s32 @!p0 $0x0  }
0x12: {  	s1 =	sld [smem:$0x3F97];
	s0 =	simm.s32 @p0 $0x1  }
0x13: {  	[smem:$0x3FB2] =	sst s0;
	s0 =	simm.s32 @!p1 $0x0  }
0x14: {  	s2 =	sld [smem:$0x3F96];
	s0 =	simm.s32 @p1 $0x1  }
0x15: {  	[smem:$0x3FB3] =	sst s0;
	s0 =	simm.s32 @!p2 $0x0  }
0x16: {  	s3 =	sld [smem:$0x3FDB];
	s0 =	simm.s32 @p2 $0x1  }
0x17: {  	s4 =	simm.s32 $0x1BF5;
	[smem:$0x3FB5] =	sst s0  }
0x18: {  	s0 =	sld [smem:$0x3F98];
	_ =	swait.ge [sflag:s4], $0x0  }
0x19: {  	s7 =	sld [smem:$0x3F99]  }
0x1a: {  	s8 =	sadd.s32 $0xFFFFE003, lr  }
0x1b: {  	s9 =	sadd.s32 $0xFFFFFEF7, lr;
	s5 =	simm.s32 $0xFFFFFFFF;
	p2 =	slt.u32 s8, $0xFFFFF086  }
0x1c: {  	p1 =	slt.u32 s9, $0xF7A;
	s5 =	simm.s32 @!p2 $0x0  }
0x1d: {  	s5 =	simm.s32 @p1 $0x1;
	p0 =	seq.s32 s7, s2  }
0x1e: {  	s7 =	smul.u32 @!p0 $0xF7A, s2;
	p2 =	seq.s32 @!p0 s5, $0x0  }
0x1f: {  	s9 =	smul.u32 $0xF7A, s1;
	s8 =	simm.s32 @!p0 $0x1BF5;
	p2 =	por !p2, p0  }
0x20: {  	[sflag:s8] =	ssyncset.s32 @!p0 $0xFFFFF086;
	s6 =	sadd.s32 @!p0 s3, s7;
	s7 =	simm.s32 @!p0 $0x108  }
0x21: {  	s3 =	sadd.s32 s3, s9;
	s6 =	sadd.s32 @!p0 $0x88, s6;
	s7 =	simm.s32 @p2 $0x1082  }
0x22: {  	[simem:s7], [sflag:s8] =	dma.local @!p0 [hbm:s6], $0xF7A  }
0x23: {  	s9 =	sor.u32 $0xD0000000, s2;
	s6 =	simm.s32 $0x108;
	_ =	swait.ge @!p0 [sflag:s8], $0x0  }
0x24: {  	s3 =	sadd.s32 $0x88, s3;
	s6 =	simm.s32 @!p1 $0x1082;
	[sflag:s4] =	ssyncset.s32 $0xFFFFF086  }
0x25: {  	[simem:s6], [sflag:s4] =	dma.local [hbm:s3], $0xF7A  }
0x26: {  	[smem:$0x3F99] =	sst s1;
	(tag) =	ssettag s2;
	_ =	strace s9  }
0x27: {  	s1 =	sld [smem:$0x3FA9]  }
0x28: {  	s2 =	sld [smem:$0x3FAA]  }
0x29: {  	s4 =	sld [smem:$0x3FAC]  }
0x2a: {  	p0 =	seq.s32 s5, $0x0;
	s5 =	sld [smem:$0x3FAD]  }
0x2b: {  	s6 =	sld [smem:$0x3FAE]  }
0x2c: {  	s7 =	sld [smem:$0x3FAF]  }
0x2d: {  	s3 =	simm.s32 $0x108;
	s8 =	sld [smem:$0x3FB0]  }
0x2e: {  	s3 =	simm.s32 @!p0 $0x1082;
	s9 =	sld [smem:$0x3FB1]  }
0x2f: {  	lr =	sadd.s32 s0, s3;
	s0 =	sld [smem:$0x3FA8]  }
0x30: {  	s3 =	sld [smem:$0x3FAB]  }
0x31: {  	[smem:$0x3FB4] =	sst s10  }
0x32: {  	s10 =	sld [smem:$0x3FB2];
	_ =	sdelay $0x3  }
0x33: {  	p0 =	seq.s32 s10, $0x1;
	s10 =	sld [smem:$0x3FB4];
	_ =	sdelay $0x3  }
0x34: {  	[smem:$0x3FB4] =	sst s10  }
0x35: {  	s10 =	sld [smem:$0x3FB3];
	_ =	sdelay $0x3  }
0x36: {  	p1 =	seq.s32 s10, $0x1;
	s10 =	sld [smem:$0x3FB4];
	_ =	sdelay $0x3  }
0x37: {  	[smem:$0x3FB4] =	sst s10  }
0x38: {  	s10 =	sld [smem:$0x3FB5]  }
0x39: {  	_ = 	snop;
	(pc) =	sbr.ind lr, $3  }
0x3a: {  	_ = 	snop  }
0x3b: {  	_ = 	snop  }
0x3c: {  	p2 =	seq.s32 s10, $0x1;
	s10 =	sld [smem:$0x3FB4]  }
0x3d: {  	_ =	shalt  }
0x3e: {  	_ =	shalt  }
0x3f: {  	_ =	shalt  }
0x40: {  	_ =	shalt  }
0x41: {  	_ =	shalt  }
0x42: {  	_ =	shalt  }
0x43: {  	_ =	shalt  }
0x44: {  	_ =	shalt  }
0x45: {  	_ =	shalt  }
0x46: {  	_ =	shalt  }
0x47: {  	_ =	shalt  }
0x48: {  	_ =	shalt  }
0x49: {  	_ =	shalt  }
0x4a: {  	_ =	shalt  }
0x4b: {  	_ =	shalt  }
0x4c: {  	_ =	shalt  }
0x4d: {  	_ =	shalt  }
0x4e: {  	_ =	shalt  }
0x4f: {  	_ =	shalt  }
0x50: {  	_ =	shalt  }
0x51: {  	_ =	shalt  }
0x52: {  	_ =	shalt  }
0x53: {  	_ =	shalt  }
0x54: {  	_ =	shalt  }
0x55: {  	_ =	shalt  }
0x56: {  	_ =	shalt  }
0x57: {  	_ =	shalt  }
0x58: {  	_ =	shalt  }
0x59: {  	_ =	shalt  }
0x5a: {  	_ =	shalt  }
0x5b: {  	_ =	shalt  }
0x5c: {  	_ =	shalt  }
0x5d: {  	_ =	shalt  }
0x5e: {  	_ =	shalt  }
0x5f: {  	_ =	shalt  }
0x60: {  	_ =	shalt  }
0x61: {  	_ =	shalt  }
0x62: {  	_ =	shalt  }
0x63: {  	_ =	shalt  }
0x64: {  	_ =	shalt  }
0x65: {  	_ =	shalt  }
0x66: {  	_ =	shalt  }
0x67: {  	_ =	shalt  }
0x68: {  	_ =	shalt  }
0x69: {  	_ =	shalt  }
0x6a: {  	_ =	shalt  }
0x6b: {  	_ =	shalt  }
0x6c: {  	_ =	shalt  }
0x6d: {  	_ =	shalt  }
0x6e: {  	_ =	shalt  }
0x6f: {  	_ =	shalt  }
0x70: {  	_ =	shalt  }
0x71: {  	_ =	shalt  }
0x72: {  	_ =	shalt  }
0x73: {  	_ =	shalt  }
0x74: {  	_ =	shalt  }
0x75: {  	_ =	shalt  }
0x76: {  	_ =	shalt  }
0x77: {  	_ =	shalt  }
0x78: {  	_ =	shalt  }
0x79: {  	_ =	shalt  }
0x7a: {  	_ =	shalt  }
0x7b: {  	_ =	shalt  }
0x7c: {  	_ =	shalt  }
0x7d: {  	_ =	shalt  }
0x7e: {  	_ =	shalt  }
0x7f: {  	_ =	shalt  }
0x80: {  	_ =	shalt  }
0x81: {  	_ =	shalt  }
0x82: {  	_ =	shalt  }
0x83: {  	_ =	shalt  }
0x84: {  	_ =	shalt  }
0x85: {  	_ =	shalt  }
0x86: {  	_ =	shalt  }
0x87: {  	_ =	shalt  }
.Lfunc_end0:
.L_simem_size_0:
called_computation_lowered:
.L_overlay_start_0:
0x88: {  	s2 =	sld [smem:$0x3FD9]  }
0x89: {  	s3 =	sld [smem:$0x3FFE];
	_ =	sdelay $0x1  }
0x8a: {  	s1 =	srdreg.scid  }
0x8b: {  	s0 =	sand.u32 $0x1, s1  }
0x8c: {  	s16 =	sshll.u32 s0, $0xA;
	s2 =	sadd.s32 s3, s2  }
0x8d: {  	s2 =	sadd.s32 s2, s16  }
0x8e: {  	[smem:$0x3FC0] =	sst s2  }
0x8f: {  	_ = 	snop  }
0x90: {  	(tm) =	ssettm $0x1  }
0x91: {  	s17 =	sld [smem:$0x3FFB];
	_ =	sdelay $0x3  }
0x92: {  	_ =	strace s17  }
0x93: {  	s2 =	sld [smem:$0x3FFC];
	_ =	sdelay $0x3  }
0x94: {  	_ =	strace s2  }
0x95: {  	s2 =	sld [smem:$0x3FFD];
	_ =	sdelay $0x3  }
0x96: {  	_ =	strace s2  }
0x97: {  	_ =	strace $0x8FFFFFFF  }
0x98: {  	s18 =	sld [smem:$0x3FDB];
	_ =	sdelay $0x1  }
0x99: {  	s19 =	simm.s32 $_scs_section_size  }
0x9a: {  	s4 =	simm.s32 $_size__tile_overlayer_lowered;
	s5 =	simm.s32 $_tile_overlayer_lowered  }
0x9b: {  	s22 =	simm.s32 $0x1BFF;
	s21 =	sshll.u32 s5, $0x1;
	s2 =	sadd.s32 s19, s18  }
0x9c: {  	s6 =	simm.s32 $0x0;
	s20 =	sshll.u32 s4, $0x1;
	s4 =	sadd.s32 s21, s2  }
0x9d: {  	[timem:s6], [sflag:s22] =	dma.local [hbm:s4], s20  }
0x9e: {  	_ =	swait.ge [sflag:s22], s20  }
0x9f: {  	s3 =	ssub.s32 $0x0, s20;
	[sflag:s22] =	ssyncset.done $0x0  }
0xa0: {  	[sflag:s22] =	ssyncadd.s32 s3;
	_ =	sdelay $0x1  }
0xa1: {  	s23 =	simm.s32 $0x1B8B  }
0xa2: {  	_ =	swait.ge [sflag:s23], $0x1  }
0xa3: {  	[sflag:s23] =	ssyncset.done $0x0  }
0xa4: {  	s25 =	simm.s32 $0x1B8E;
	s24 =	sld [smem:$0x3FFE];
	[sflag:s23] =	ssyncadd.s32 $0xFFFFFFFF  }
0xa5: {  	s26 =	simm.s32 $execute0_lowered;
	[smem:$0x3FD2] =	sst s25  }
0xa6: {  	s4 =	sshll.u32 s26, $0x1;
	_ =	strace $0x80000046;
	[dreg:$0x1] =	wrdreg $0xFFFFFFFF  }
0xa7: {  	s28 =	simm.s32 $_size_execute0_lowered;
	s2 =	sadd.s32 s2, s4;
	[dreg:$0x0] =	wrdreg $0x0  }
0xa8: {  	s4 =	sshll.u32 s28, $0x1;
	[dreg:$0x2] =	wrdreg s2  }
0xa9: {  	[dreg:$0x3] =	wrdreg s4  }
0xaa: {  	[dreg:$0x4] =	wrdreg $0xC0  }
0xab: {  	_ =	task [dreg:s6], $0x5FFFF  }
0xac: {  	[dreg:$0x1] =	wrdreg $0xFFFFFFFF  }
0xad: {  	[dreg:$0x0] =	wrdreg $0x60  }
0xae: {  	[dreg:$0x2] =	wrdreg s24  }
0xaf: {  	[dreg:$0x3] =	wrdreg $0x2A800  }
0xb0: {  	[dreg:$0x4] =	wrdreg $0x9  }
0xb1: {  	_ =	task.clear_ibuf [dreg:s6], $0x5FFFF;
	_ =	strace $0x90000046  }
0xb2: {  	s29 =	simm.s32 $0x9;
	_ =	strace $0x80000048  }
0xb3: {  	_ =	swait.ge [sflag:s29], $0x1  }
0xb4: {  	[sflag:s29] =	ssyncadd.s32 $0xFFFFFFFF  }
0xb5: {  	_ =	strace $0x90000048  }
0xb6: {  	_ =	sfence  }
0xb7: {  	s30 =	sld [smem:$0x0];
	_ =	sdelay $0x2  }
0xb8: {  	s31 =	sshll.u32 s1, $0xD;
	s1 =	sshrl.u32 s1, $0x2  }
0xb9: {  	s3 =	sand.u32 $0x4000, s31;
	s1 =	sadd.s32 s1, s30  }
0xba: {  	s0 =	sor.u32 s3, s0;
	s1 =	sshll.u32 s1, $0x11  }
0xbb: {  	s0 =	sor.u32 s1, s0  }
0xbc: {  	s0 =	sadd.s32 $0x8F2B, s0  }
0xbd: {  	[sflag:s0] =	ssyncadd.remote.s32 $0x1  }
0xbe: {  	_ =	sfence.sel $0xFFFF  }
0xbf: {  	[dreg:$0x0] =	wrdreg $0xFFFFFFFF;
	(pc) =	sbr.abs _section_cstart, $3  }
0xc0: {  	[dreg:$0x1] =	wrdreg $0xFFFFFFFF  }
0xc1: {  	_ =	task.clear_ibuf [dreg:s6], $0x2FFFF;
	_ =	strace $0x9FFFFFFF  }
0xc2: {  	(tm) =	ssettm $0x7FFFFFFF  }
0xc3: {  	_ =	shalt  }
tec
execute0_lowered:
.L_overlay_start_1:
0x0: {  	(tag) =	ssettag $0x1  }
0x1: {  	s4 =	rddreg [dreg:$0x0]  }
0x2: {  	s2 =	rddreg [dreg:$0x1];
	s3 =	srdreg.scid  }
0x3: {  	s1 =	stileid.u32;
	s0 =	rddreg [dreg:$0x2];
	s10 =	simm.s32 $0x80  }
0x4: {  	s11 =	simm.s32 $0x2780;
	s14 =	simm.s32 $0x0;
	s5 =	sand.u32 $0x1, s3  }
0x5: {  	s6 =	smul.u32 $0x280, s1;
	s3 =	simm.s32 $0x0;
	s7 =	sshll.u32 s1, $0x1  }
0x6: {  	s12 =	sshll.u32 s1, $0x6;
	s8 =	smul.u32 $0x2800, s5;
	[smem:$0x7FF] =	sst s3  }
0x7: {  	s7 =	sor.u32 s5, s7;
	s5 =	ssub.s32 $0x2, s5;
	s12 =	sor.u32 $0x1C01, s12  }
0x8: {  	s7 =	smul.u32 $0x4F0, s7;
	s9 =	sshrl.u32 s5, $0x1;
	s8 =	sadd.s32 s6, s8  }
0x9: {  	_ =	strace $0x80000047;
	s9 =	ssub.s32 s5, s9;
	s8 =	sshrl.u32 s8, $0x3  }
0xa: {  	s7 =	sadd.s32 s7, s4;
	s8 =	sadd.s32 s8, s4;
	s4 =	sadd.s32 s6, s2  }
0xb: {  	s5 =	sadd.s32 $0x1A00, s7;
	s7 =	smax.u32 s9, $0x1;
	s9 =	simm.s32 $0x1  }
0xc: {  	v0 =	vimm.f32 $1.000000000e+00;
	v1 =	vimm.f32 $0.0e+00;
	s6 =	sadd.s32 $0xB800, s8;
	s8 =	simm.s32 $0x2800;
	s13 =	sshrl.u32 s4, $0x3  }
.LBB2_1:
0xd: {  	[tilespmem:$0x2780] =	vst v0  }
0xe: {  	[tilespmem:$0x2790] =	vst v0  }
0xf: {  	[tilespmem:$0x27A0] =	vst v0  }
0x10: {  	[tilespmem:$0x27B0] =	vst v0  }
0x11: {  	[tilespmem:$0x27C0] =	vst v0  }
0x12: {  	[tilespmem:$0x27D0] =	vst v0  }
0x13: {  	[tilespmem:$0x27E0] =	vst v0  }
0x14: {  	[tilespmem:$0x27F0] =	vst v0  }
0x15: {  	[tilespmem:$0x2800] =	vst v1  }
0x16: {  	[tilespmem:$0x2810] =	vst v1  }
0x17: {  	[tilespmem:$0x2820] =	vst v1  }
0x18: {  	[tilespmem:$0x2830] =	vst v1  }
0x19: {  	[tilespmem:$0x2840] =	vst v1  }
0x1a: {  	[tilespmem:$0x2850] =	vst v1  }
0x1b: {  	[tilespmem:$0x2860] =	vst v1  }
0x1c: {  	[tilespmem:$0x2870] =	vst v1  }
0x1d: {  	[tilespmem:$0x2880] =	vst v1  }
0x1e: {  	[tilespmem:$0x2890] =	vst v1  }
0x1f: {  	[tilespmem:$0x28A0] =	vst v1  }
0x20: {  	[tilespmem:$0x28B0] =	vst v1  }
0x21: {  	[tilespmem:$0x28C0] =	vst v1  }
0x22: {  	[tilespmem:$0x28D0] =	vst v1  }
0x23: {  	[tilespmem:$0x28E0] =	vst v1  }
0x24: {  	[tilespmem:$0x28F0] =	vst v1  }
0x25: {  	[tilespmem:$0x2900] =	vst v1  }
0x26: {  	[tilespmem:$0x2910] =	vst v1  }
0x27: {  	[tilespmem:$0x2920] =	vst v1  }
0x28: {  	[tilespmem:$0x2930] =	vst v1  }
0x29: {  	[tilespmem:$0x2940] =	vst v1  }
0x2a: {  	[tilespmem:$0x2950] =	vst v1  }
0x2b: {  	[tilespmem:$0x2960] =	vst v1  }
0x2c: {  	[tilespmem:$0x2970] =	vst v1  }
0x2d: {  	[tilespmem:$0x2980] =	vst v1  }
0x2e: {  	[tilespmem:$0x2990] =	vst v1  }
0x2f: {  	[tilespmem:$0x29A0] =	vst v1  }
0x30: {  	[tilespmem:$0x29B0] =	vst v1  }
0x31: {  	[tilespmem:$0x29C0] =	vst v1  }
0x32: {  	[tilespmem:$0x29D0] =	vst v1  }
0x33: {  	[tilespmem:$0x29E0] =	vst v1  }
0x34: {  	[tilespmem:$0x29F0] =	vst v1  }
0x35: {  	[tilespmem:$0x2A00] =	vst v1  }
0x36: {  	[tilespmem:$0x2A10] =	vst v1  }
0x37: {  	[tilespmem:$0x2A20] =	vst v1  }
0x38: {  	[tilespmem:$0x2A30] =	vst v1  }
0x39: {  	[tilespmem:$0x2A40] =	vst v1  }
0x3a: {  	[tilespmem:$0x2A50] =	vst v1  }
0x3b: {  	[tilespmem:$0x2A60] =	vst v1  }
0x3c: {  	[tilespmem:$0x2A70] =	vst v1  }
0x3d: {  	[spmem:s4] =	stream.linear.scatter [tilespmem:s8], [sflag:$0x1], $0x280, $0x38;
	[tilespmem:$0x2D00] =	vst v63  }
0x3e: {  	_ =	swait.ge [sflag:s9], $0x280  }
0x3f: {  	[sflag:s9] =	ssyncset.done $0x0  }
0x40: {  	[sflag:s9] =	ssyncadd.s32 $0xFFFFFD80  }
0x41: {  	[bflag:$0x0] =	sbarrier.arrive $0xFFFF  }
0x42: {  	[tilespmem:s3], [sflag:$0x1] =	stream.linear.gather [hbm4b:s5+s3], $0x2780, $0x38;
	[tilespmem:$0x2D00] =	vst v63  }
0x43: {  	_ =	swait.ge [sflag:s9], $0x2780  }
0x44: {  	[sflag:s9] =	ssyncset.done $0x0  }
0x45: {  	s15 =	simm.s32 $0x0;
	[sflag:s9] =	ssyncadd.s32 $0xFFFFD880  }
0x46: {  	[spmem:s2] =	stream.indirect.scatter.add.f32 [tilespmem:s11], [sflag:$0x1], $0x1, s15, s10, $0xb8;
	[tilespmem:$0x2D00] =	vst v63  }
0x47: {  	_ =	swait.ge [sflag:s9], $0x80  }
0x48: {  	s15 =	simm.s32 $0x200;
	[sflag:s9] =	ssyncset.done $0x0  }
.LBB2_2:
0x49: {  	s16 =	sshra.s32 s15, $0x2;
	[sflag:s9] =	ssyncadd.s32 $0xFFFFFF80;
	p0 =	sne.s32 s15, $0x9C00  }
0x4a: {  	[spmem:s2] =	stream.indirect.scatter.add.f32 [tilespmem:s11], [sflag:$0x1], $0x1, s16, s10, $0xb8;
	[tilespmem:$0x2D00] =	vst v63  }
.Ltmp0:
0x4b: {  	_ = 	snop;
	(pc) =	sbr.rel @p0 .LBB2_2-.Ltmp0, $4  }
0x4c: {  	_ = 	snop  }
0x4d: {  	s15 =	sadd.s32 $0x200, s15  }
0x4e: {  	_ =	swait.ge [sflag:s9], $0x80  }
0x4f: {  	[sflag:s9] =	ssyncset.done $0x0  }
0x50: {  	s14 =	sadd.s32 $0x1, s14  }
0x51: {  	[sflag:s9] =	ssyncadd.s32 $0xFFFFFF80;
	p0 =	sne.s32 s14, s7  }
.Ltmp1:
0x52: {  	[bflag:$0x0] =	sbarrier.arrive $0xFFFF;
	(pc) =	sbr.rel @p0 .LBB2_1-.Ltmp1, $4  }
0x53: {  	[hbm:s6], [sflag:s12] =	dma.local [spmem:s13], $0x50  }
0x54: {  	_ =	swait.ge [sflag:s9], $0x50  }
0x55: {  	[sflag:s9] =	ssyncset.done $0x0  }
0x56: {  	[sflag:s9] =	ssyncadd.s32 $0xFFFFFFB0  }
0x57: {  	_ =	sfence.sel $0x180000  }
0x58: {  	[bflag:$0x0] =	sbarrier.arrive $0xFFFF  }
0x59: {  	p0 =	sne.s32 s1, $0x0;
	_ =	strace $0x90000047  }
0x5a: {  	s0 =	sadd.s32 @!p0 $0x100000, s0;
	[bflag:$0x2] =	sbarrier.arrive $0xFFFF  }
0x5b: {  	[sflag:s0] =	ssyncadd.tile.s32 @!p0 $0x1;
	_ =	shalt  }
.Lfunc_end2:
_tile_overlayer_lowered:
.L_overlay_start_2:
0x5c: {  	(tag) =	ssettag $0x2  }
0x5d: {  	s0 =	rddreg [dreg:$0x0];
	s2 =	stileid.u32  }
0x5e: {  	s1 =	rddreg [dreg:$0x1];
	p0 =	sne.s32 s2, $0x0  }
0x5f: {  	s3 =	rddreg [dreg:$0x2];
	[bflag:$0x3] =	sbarrier.arrive $0xFFFF;
	s2 =	simm.s32 @!p0 $0x1C01  }
0x60: {  	[timem:s3], [sflag:s2] =	dma.local @!p0 [hbm:s0], s1  }
0x61: {  	s0 =	simm.s32 @!p0 $0x1  }
0x62: {  	_ =	swait.ge @!p0 [sflag:s0], s1  }
0x63: {  	s1 =	ssub.s32 @!p0 $0x0, s1;
	[sflag:s0] =	ssyncset.done @!p0 $0x0  }
0x64: {  	[sflag:s0] =	ssyncadd.s32 @!p0 s1  }
0x65: {  	[bflag:$0x3] =	sbarrier.arrive $0xFFFF  }
0x66: {  	_ =	shalt  }

</sc_bundles>
